<compile_context>
chip_gen: v7x
topology: tpu7x:2x2x1
jax: 0.10.2.dev20260603
libtpu: 0.0.44.dev20260713+nightly
codegen_flags: <defaults>
</compile_context>

<pallas_src>
import functools
import math

import jax
import jax.numpy as jnp
from jax import lax
from jax.experimental import pallas as pl
from jax.experimental.pallas import tpu as pltpu
from jax.experimental.pallas import tpu_sc as plsc

VOCAB = 1000000
EMB = 64
SEQ = 2048
BATCH = 4

_NC = 2
_NS = 16
_NW = _NC * _NS
_N_TOK = SEQ * BATCH
_NBLK = VOCAB // 128
_BPW = 248
_CBLK = 2
_CLANE = _CBLK * 128
_CSHIFT = 7 + _CBLK.bit_length() - 1
_TAIL0 = _NBLK * 128
_NTAIL = VOCAB - _TAIL0
_OUT_ROWS = _N_TOK + 8
_SCALE = math.sqrt(EMB)
_I32 = jnp.int32


def _emb_kernel(tok_hbm, wt3_hbm, tail_hbm, out_hbm,
                tok_v, tokf_v, chunk_v, rows_v, pos_v, tail_v,
                sem_a, sem_b, sem_c, sem_o):
    wid = lax.axis_index("s") * _NC + lax.axis_index("c")
    iota = lax.broadcasted_iota(_I32, (16,), 0)

    def splat(x):
        return jax.lax.broadcast_in_dim(jnp.asarray(x, _I32), (16,), ())

    lo = wid * _BPW
    hi = jnp.minimum(lo + _BPW, _NBLK)
    nb = hi - lo
    is31 = splat(wid == _NW - 1)

    pltpu.sync_copy(tok_hbm, tok_v)
    pltpu.sync_copy(tail_hbm, tail_v)

    for b in range(2):
        for g in range(8):
            pos_v[b, pl.ds(g * 16, 16)] = jnp.full((16,), _N_TOK, _I32)

    sems = (sem_a, sem_b, sem_c)
    nc = nb // _CBLK

    def chunk_copy(c, par):
        start = pl.multiple_of((lo + c * _CBLK) * 128, 128)
        return pltpu.make_async_copy(
            wt3_hbm.at[:, :, pl.ds(start, _CLANE)], chunk_v.at[par], sems[par]
        )

    chunk_copy(0, 0).start()
    chunk_copy(1, 1).start()

    lo_s, hi_s = splat(lo), splat(hi)

    lo128_s = splat(lo * 128)

    def filt(i, nf):
        t = tok_v[pl.ds(i * 16, 16)]
        blk = t >> 7
        m = (blk >= lo_s) & (blk < hi_s)
        m = m | ((t >= _TAIL0) & (is31 > 0))
        packed = ((i * 16 + iota) << 15) | (t - lo128_s)
        plsc.store_compressed(tokf_v.at[pl.ds(nf, 16)], packed, mask=m)
        return nf + jnp.max(plsc.all_reduce_population_count(m))

    nf = lax.fori_loop(0, _N_TOK // 16, filt, jnp.asarray(0, _I32))
    nf_s = splat(nf)
    nj = (nf + 15) >> 4

    def flush(slot):
        fb = slot >> 7

        def do_flush(_):
            src = rows_v.at[pl.ds(pl.multiple_of(fb * 128, 128), 128)]
            pltpu.async_copy(src, out_hbm.at[pos_v.at[fb]], sem_o).wait()
            for g in range(8):
                plsc.store_scatter(
                    pos_v,
                    [splat(fb), g * 16 + iota],
                    jnp.full((16,), _N_TOK, _I32),
                    mask=iota >= 0,
                )
            return 0

        lax.cond((slot & 127) == 127, do_flush, lambda _: 0, 0)
        return (slot + 1) & 255

    def process_hits(m0, tf, slot, load_fn):
        def cond(c):
            m, _ = c
            return jnp.any(m)

        def body(c):
            m, slot = c
            ffs = plsc.all_reduce_ffs(m)
            e_h = jnp.take_along_axis(tf, ffs, axis=0)
            rc_h = e_h & 0x7FFF
            p_h = e_h >> 15
            for g in range(EMB // 16):
                v = load_fn(rc_h, g)
                rows_v[slot, pl.ds(g * 16, 16)] = v * _SCALE
            plsc.store_scatter(
                pos_v,
                [splat(slot >> 7), splat(slot & 127)],
                p_h,
                mask=iota < 1,
            )
            return m & (iota != ffs), flush(slot)

        _, slot = lax.while_loop(cond, body, (m0, slot))
        return slot

    def outer(c3, slot):
        for par in (0, 1, 2):
            c = c3 * 3 + par

            @pl.when(c < nc)
            def _():
                chunk_copy(c, par).wait()

            @pl.when(c + 2 < nc)
            def _():
                chunk_copy(c + 2, (par + 2) % 3).start()

            cid_s = splat(jnp.where(c < nc, c, -1))
            c_spl = splat(par)

            def load_main(rc_h, g):
                cc = g * 16 + iota
                return plsc.load_gather(
                    chunk_v, [c_spl, cc >> 3, cc & 7, rc_h & (_CLANE - 1)]
                )

            def match(j, slot):
                tf = tokf_v[pl.ds(j * 16, 16)]
                valid = (j * 16 + iota) < nf_s
                m0 = (((tf & 0x7FFF) >> _CSHIFT) == cid_s) & valid
                return process_hits(m0, tf, slot, load_main)

            slot = lax.fori_loop(0, nj, match, slot)
        return slot

    slot = lax.fori_loop(0, (_BPW // _CBLK + 2) // 3, outer,
                         jnp.asarray(0, _I32))

    tl_s = splat(_TAIL0) - lo128_s

    def load_tail(rc_h, g):
        return plsc.load_gather(tail_v, [(rc_h - tl_s) * EMB + g * 16 + iota])

    def match_tail(j, slot):
        tf = tokf_v[pl.ds(j * 16, 16)]
        valid = (j * 16 + iota) < nf_s
        m0 = ((tf & 0x7FFF) >= tl_s) & valid & (is31 > 0)
        return process_hits(m0, tf, slot, load_tail)

    slot = lax.fori_loop(0, nj, match_tail, slot)

    fb = slot >> 7
    src = rows_v.at[pl.ds(pl.multiple_of(fb * 128, 128), 128)]
    pltpu.async_copy(src, out_hbm.at[pos_v.at[fb]], sem_o).wait()


@jax.jit
def kernel(tokens, W):
    tok = tokens.reshape(_N_TOK).astype(_I32)
    wt3 = W.T.reshape(8, 8, VOCAB)
    tail = W[_TAIL0:, :].reshape(_NTAIL * EMB)
    grid_kernel = pl.kernel(
        _emb_kernel,
        out_type=jax.ShapeDtypeStruct((_OUT_ROWS, 128), jnp.float32),
        mesh=plsc.VectorSubcoreMesh(core_axis_name="c", subcore_axis_name="s"),
        scratch_types=[
            pltpu.VMEM((_N_TOK,), _I32),
            pltpu.VMEM((_N_TOK + 16,), _I32),
            pltpu.VMEM((3, 8, 8, _CLANE), jnp.float32),
            pltpu.VMEM((256, 128), jnp.float32),
            pltpu.VMEM((2, 128), _I32),
            pltpu.VMEM((_NTAIL * EMB,), jnp.float32),
            pltpu.SemaphoreType.DMA,
            pltpu.SemaphoreType.DMA,
            pltpu.SemaphoreType.DMA,
            pltpu.SemaphoreType.DMA,
        ],
        compiler_params=pltpu.CompilerParams(needs_layout_passes=False),
    )
    out = grid_kernel(tok, wt3, tail)
    return out[:_N_TOK, :EMB].reshape(SEQ, BATCH, EMB)

# --- scband reference (transcript-rebuilt; emitter-appended) ---
"""Pipeline reference for scband-token-embedding-57449482551326 (READ-ONLY COPY).

The authoritative reference and input builder live on the scoring server;
editing this copy changes nothing except your own understanding.
"""

import jax, jax.numpy as jnp
import numpy as np
import math

VOCAB = 1000000
EMB = 64
SEQ = 2048
BATCH = 4

def setup_inputs(seed: int = 0) -> dict:
    key = jax.random.key(seed)
    k_tok, k_w = jax.random.split(key)
    tokens = jax.random.randint(k_tok, (SEQ, BATCH), 0, VOCAB, dtype=jnp.int64 if jax.config.jax_enable_x64 else jnp.int32)
    W = jax.random.normal(k_w, (VOCAB, EMB), dtype=jnp.float32)
    return {"tokens": tokens, "W": W}

def reference(tokens, W):
    # nn.Embedding lookup then scale by sqrt(emd_size)
    emb = jnp.take(W, tokens, axis=0)  # [SEQ, BATCH, EMB]
    return emb * math.sqrt(EMB)

if __name__ == "__main__":
    import jax
    _d = setup_inputs()
    print(jax.jit(kernel)(*tuple(_d.values())))

</pallas_src>

<mosaic_0001>
#map = affine_map<(d0, d1) -> (0)>
#map1 = affine_map<(d0, d1) -> (0, 0, 0)>
#map2 = affine_map<(d0, d1) -> (0, 0)>
module attributes {stable_mosaic.version = 14 : i64} {
  func.func @_emb_kernel(%arg0: i32, %arg1: i32, %arg2: memref<8192xi32, #tpu.memory_space<hbm>>, %arg3: memref<8x8x1000000xf32, #tpu.memory_space<hbm>>, %arg4: memref<4096xf32, #tpu.memory_space<hbm>>, %arg5: memref<8200x128xf32, #tpu.memory_space<hbm>>, %arg6: memref<8192xi32, #tpu.memory_space<vmem>>, %arg7: memref<8208xi32, #tpu.memory_space<vmem>>, %arg8: memref<3x8x8x256xf32, #tpu.memory_space<vmem>>, %arg9: memref<256x128xf32, #tpu.memory_space<vmem>>, %arg10: memref<2x128xi32, #tpu.memory_space<vmem>>, %arg11: memref<4096xf32, #tpu.memory_space<vmem>>, %arg12: memref<!tpu.dma_semaphore, #tpu.memory_space<semaphore_mem>>, %arg13: memref<!tpu.dma_semaphore, #tpu.memory_space<semaphore_mem>>, %arg14: memref<!tpu.dma_semaphore, #tpu.memory_space<semaphore_mem>>, %arg15: memref<!tpu.dma_semaphore, #tpu.memory_space<semaphore_mem>>) attributes {dimension_semantics = [#tpu.dimension_semantics<core_parallel>, #tpu.dimension_semantics<subcore_parallel>], iteration_bounds = array<i64: 2, 16>, scalar_prefetch = 0 : i64, scratch_operands = 10 : i64, tpu.core_type = #tpu.core_type<sc_vector_subcore>, window_params = [{transform_indices = #map}, {transform_indices = #map1}, {transform_indices = #map}, {transform_indices = #map2}]} {
    %mul3A = arith.constant 2 : i32
    %mul3A_0 = arith.muli %arg1, %mul3A : i32
    %add3A = arith.addi %mul3A_0, %arg0 : i32
    %iota3A = tpu.iota {dimensions = array<i32: 0>} : vector<16xi32>
    %mul3A_1 = arith.constant 248 : i32
    %mul3A_2 = arith.muli %add3A, %mul3A_1 : i32
    %add3A_3 = arith.constant 248 : i32
    %add3A_4 = arith.addi %mul3A_2, %add3A_3 : i32
    %min3A = arith.constant 7812 : i32
    %min3A_5 = arith.minsi %add3A_4, %min3A : i32
    %sub3A = arith.subi %min3A_5, %mul3A_2 : i32
    %eq3A = arith.constant 31 : i32
    %eq3A_6 = arith.cmpi eq, %add3A, %eq3A : i32
    %convert_element_type3A = arith.extui %eq3A_6 : i1 to i32
    %broadcast_in_dim3A = vector.broadcast %convert_element_type3A : i32 to vector<16xi32>
    "tpu.region"() ({
      %run_scoped3A = tpu.sem_alloc : memref<!tpu.dma_semaphore, #tpu.memory_space<semaphore_mem>>
      tpu.enqueue_dma source(%arg2 : memref<8192xi32, #tpu.memory_space<hbm>>) target(%arg6 : memref<8192xi32, #tpu.memory_space<vmem>>) target_semaphore(%run_scoped3A : memref<!tpu.dma_semaphore, #tpu.memory_space<semaphore_mem>>)
      tpu.wait_dma2 semaphore(%run_scoped3A : memref<!tpu.dma_semaphore, #tpu.memory_space<semaphore_mem>>) src(%arg2 : memref<8192xi32, #tpu.memory_space<hbm>>) dst(%arg6 : memref<8192xi32, #tpu.memory_space<vmem>>)
      tpu.yield
    }) : () -> ()
    "tpu.region"() ({
      %run_scoped3A = tpu.sem_alloc : memref<!tpu.dma_semaphore, #tpu.memory_space<semaphore_mem>>
      tpu.enqueue_dma source(%arg4 : memref<4096xf32, #tpu.memory_space<hbm>>) target(%arg11 : memref<4096xf32, #tpu.memory_space<vmem>>) target_semaphore(%run_scoped3A : memref<!tpu.dma_semaphore, #tpu.memory_space<semaphore_mem>>)
      tpu.wait_dma2 semaphore(%run_scoped3A : memref<!tpu.dma_semaphore, #tpu.memory_space<semaphore_mem>>) src(%arg4 : memref<4096xf32, #tpu.memory_space<hbm>>) dst(%arg11 : memref<4096xf32, #tpu.memory_space<vmem>>)
      tpu.yield
    }) : () -> ()
    %broadcast_in_dim3A_7 = arith.constant 8192 : i32
    %broadcast_in_dim3A_8 = vector.broadcast %broadcast_in_dim3A_7 : i32 to vector<16xi32>
    %swap3A = arith.constant 0 : i32
    %swap3A_9 = arith.index_cast %swap3A : i32 to index
    %swap3A_10 = arith.constant 0 : index
    %swap3A_11 = tpu.vector_load %arg10[%swap3A_9, %swap3A_10] {strides = array<i32>} : memref<2x128xi32, #tpu.memory_space<vmem>>, vector<16xi32>,
    tpu.vector_store %arg10[%swap3A_9, %swap3A_10], %broadcast_in_dim3A_8 {strides = array<i32>} : memref<2x128xi32, #tpu.memory_space<vmem>>, vector<16xi32>,
    %broadcast_in_dim3A_12 = arith.constant 8192 : i32
    %broadcast_in_dim3A_13 = vector.broadcast %broadcast_in_dim3A_12 : i32 to vector<16xi32>
    %swap3A_14 = arith.constant 0 : i32
    %swap3A_15 = arith.index_cast %swap3A_14 : i32 to index
    %swap3A_16 = arith.constant 16 : index
    %swap3A_17 = tpu.vector_load %arg10[%swap3A_15, %swap3A_16] {strides = array<i32>} : memref<2x128xi32, #tpu.memory_space<vmem>>, vector<16xi32>,
    tpu.vector_store %arg10[%swap3A_15, %swap3A_16], %broadcast_in_dim3A_13 {strides = array<i32>} : memref<2x128xi32, #tpu.memory_space<vmem>>, vector<16xi32>,
    %broadcast_in_dim3A_18 = arith.constant 8192 : i32
    %broadcast_in_dim3A_19 = vector.broadcast %broadcast_in_dim3A_18 : i32 to vector<16xi32>
    %swap3A_20 = arith.constant 0 : i32
    %swap3A_21 = arith.index_cast %swap3A_20 : i32 to index
    %swap3A_22 = arith.constant 32 : index
    %swap3A_23 = tpu.vector_load %arg10[%swap3A_21, %swap3A_22] {strides = array<i32>} : memref<2x128xi32, #tpu.memory_space<vmem>>, vector<16xi32>,
    tpu.vector_store %arg10[%swap3A_21, %swap3A_22], %broadcast_in_dim3A_19 {strides = array<i32>} : memref<2x128xi32, #tpu.memory_space<vmem>>, vector<16xi32>,
    %broadcast_in_dim3A_24 = arith.constant 8192 : i32
    %broadcast_in_dim3A_25 = vector.broadcast %broadcast_in_dim3A_24 : i32 to vector<16xi32>
    %swap3A_26 = arith.constant 0 : i32
    %swap3A_27 = arith.index_cast %swap3A_26 : i32 to index
    %swap3A_28 = arith.constant 48 : index
    %swap3A_29 = tpu.vector_load %arg10[%swap3A_27, %swap3A_28] {strides = array<i32>} : memref<2x128xi32, #tpu.memory_space<vmem>>, vector<16xi32>,
    tpu.vector_store %arg10[%swap3A_27, %swap3A_28], %broadcast_in_dim3A_25 {strides = array<i32>} : memref<2x128xi32, #tpu.memory_space<vmem>>, vector<16xi32>,
    %broadcast_in_dim3A_30 = arith.constant 8192 : i32
    %broadcast_in_dim3A_31 = vector.broadcast %broadcast_in_dim3A_30 : i32 to vector<16xi32>
    %swap3A_32 = arith.constant 0 : i32
    %swap3A_33 = arith.index_cast %swap3A_32 : i32 to index
    %swap3A_34 = arith.constant 64 : index
    %swap3A_35 = tpu.vector_load %arg10[%swap3A_33, %swap3A_34] {strides = array<i32>} : memref<2x128xi32, #tpu.memory_space<vmem>>, vector<16xi32>,
    tpu.vector_store %arg10[%swap3A_33, %swap3A_34], %broadcast_in_dim3A_31 {strides = array<i32>} : memref<2x128xi32, #tpu.memory_space<vmem>>, vector<16xi32>,
    %broadcast_in_dim3A_36 = arith.constant 8192 : i32
    %broadcast_in_dim3A_37 = vector.broadcast %broadcast_in_dim3A_36 : i32 to vector<16xi32>
    %swap3A_38 = arith.constant 0 : i32
    %swap3A_39 = arith.index_cast %swap3A_38 : i32 to index
    %swap3A_40 = arith.constant 80 : index
    %swap3A_41 = tpu.vector_load %arg10[%swap3A_39, %swap3A_40] {strides = array<i32>} : memref<2x128xi32, #tpu.memory_space<vmem>>, vector<16xi32>,
    tpu.vector_store %arg10[%swap3A_39, %swap3A_40], %broadcast_in_dim3A_37 {strides = array<i32>} : memref<2x128xi32, #tpu.memory_space<vmem>>, vector<16xi32>,
    %broadcast_in_dim3A_42 = arith.constant 8192 : i32
    %broadcast_in_dim3A_43 = vector.broadcast %broadcast_in_dim3A_42 : i32 to vector<16xi32>
    %swap3A_44 = arith.constant 0 : i32
    %swap3A_45 = arith.index_cast %swap3A_44 : i32 to index
    %swap3A_46 = arith.constant 96 : index
    %swap3A_47 = tpu.vector_load %arg10[%swap3A_45, %swap3A_46] {strides = array<i32>} : memref<2x128xi32, #tpu.memory_space<vmem>>, vector<16xi32>,
    tpu.vector_store %arg10[%swap3A_45, %swap3A_46], %broadcast_in_dim3A_43 {strides = array<i32>} : memref<2x128xi32, #tpu.memory_space<vmem>>, vector<16xi32>,
    %broadcast_in_dim3A_48 = arith.constant 8192 : i32
    %broadcast_in_dim3A_49 = vector.broadcast %broadcast_in_dim3A_48 : i32 to vector<16xi32>
    %swap3A_50 = arith.constant 0 : i32
    %swap3A_51 = arith.index_cast %swap3A_50 : i32 to index
    %swap3A_52 = arith.constant 112 : index
    %swap3A_53 = tpu.vector_load %arg10[%swap3A_51, %swap3A_52] {strides = array<i32>} : memref<2x128xi32, #tpu.memory_space<vmem>>, vector<16xi32>,
    tpu.vector_store %arg10[%swap3A_51, %swap3A_52], %broadcast_in_dim3A_49 {strides = array<i32>} : memref<2x128xi32, #tpu.memory_space<vmem>>, vector<16xi32>,
    %broadcast_in_dim3A_54 = arith.constant 8192 : i32
    %broadcast_in_dim3A_55 = vector.broadcast %broadcast_in_dim3A_54 : i32 to vector<16xi32>
    %swap3A_56 = arith.constant 1 : i32
    %swap3A_57 = arith.index_cast %swap3A_56 : i32 to index
    %swap3A_58 = arith.constant 0 : index
    %swap3A_59 = tpu.vector_load %arg10[%swap3A_57, %swap3A_58] {strides = array<i32>} : memref<2x128xi32, #tpu.memory_space<vmem>>, vector<16xi32>,
    tpu.vector_store %arg10[%swap3A_57, %swap3A_58], %broadcast_in_dim3A_55 {strides = array<i32>} : memref<2x128xi32, #tpu.memory_space<vmem>>, vector<16xi32>,
    %broadcast_in_dim3A_60 = arith.constant 8192 : i32
    %broadcast_in_dim3A_61 = vector.broadcast %broadcast_in_dim3A_60 : i32 to vector<16xi32>
    %swap3A_62 = arith.constant 1 : i32
    %swap3A_63 = arith.index_cast %swap3A_62 : i32 to index
    %swap3A_64 = arith.constant 16 : index
    %swap3A_65 = tpu.vector_load %arg10[%swap3A_63, %swap3A_64] {strides = array<i32>} : memref<2x128xi32, #tpu.memory_space<vmem>>, vector<16xi32>,
    tpu.vector_store %arg10[%swap3A_63, %swap3A_64], %broadcast_in_dim3A_61 {strides = array<i32>} : memref<2x128xi32, #tpu.memory_space<vmem>>, vector<16xi32>,
    %broadcast_in_dim3A_66 = arith.constant 8192 : i32
    %broadcast_in_dim3A_67 = vector.broadcast %broadcast_in_dim3A_66 : i32 to vector<16xi32>
    %swap3A_68 = arith.constant 1 : i32
    %swap3A_69 = arith.index_cast %swap3A_68 : i32 to index
    %swap3A_70 = arith.constant 32 : index
    %swap3A_71 = tpu.vector_load %arg10[%swap3A_69, %swap3A_70] {strides = array<i32>} : memref<2x128xi32, #tpu.memory_space<vmem>>, vector<16xi32>,
    tpu.vector_store %arg10[%swap3A_69, %swap3A_70], %broadcast_in_dim3A_67 {strides = array<i32>} : memref<2x128xi32, #tpu.memory_space<vmem>>, vector<16xi32>,
    %broadcast_in_dim3A_72 = arith.constant 8192 : i32
    %broadcast_in_dim3A_73 = vector.broadcast %broadcast_in_dim3A_72 : i32 to vector<16xi32>
    %swap3A_74 = arith.constant 1 : i32
    %swap3A_75 = arith.index_cast %swap3A_74 : i32 to index
    %swap3A_76 = arith.constant 48 : index
    %swap3A_77 = tpu.vector_load %arg10[%swap3A_75, %swap3A_76] {strides = array<i32>} : memref<2x128xi32, #tpu.memory_space<vmem>>, vector<16xi32>,
    tpu.vector_store %arg10[%swap3A_75, %swap3A_76], %broadcast_in_dim3A_73 {strides = array<i32>} : memref<2x128xi32, #tpu.memory_space<vmem>>, vector<16xi32>,
    %broadcast_in_dim3A_78 = arith.constant 8192 : i32
    %broadcast_in_dim3A_79 = vector.broadcast %broadcast_in_dim3A_78 : i32 to vector<16xi32>
    %swap3A_80 = arith.constant 1 : i32
    %swap3A_81 = arith.index_cast %swap3A_80 : i32 to index
    %swap3A_82 = arith.constant 64 : index
    %swap3A_83 = tpu.vector_load %arg10[%swap3A_81, %swap3A_82] {strides = array<i32>} : memref<2x128xi32, #tpu.memory_space<vmem>>, vector<16xi32>,
    tpu.vector_store %arg10[%swap3A_81, %swap3A_82], %broadcast_in_dim3A_79 {strides = array<i32>} : memref<2x128xi32, #tpu.memory_space<vmem>>, vector<16xi32>,
    %broadcast_in_dim3A_84 = arith.constant 8192 : i32
    %broadcast_in_dim3A_85 = vector.broadcast %broadcast_in_dim3A_84 : i32 to vector<16xi32>
    %swap3A_86 = arith.constant 1 : i32
    %swap3A_87 = arith.index_cast %swap3A_86 : i32 to index
    %swap3A_88 = arith.constant 80 : index
    %swap3A_89 = tpu.vector_load %arg10[%swap3A_87, %swap3A_88] {strides = array<i32>} : memref<2x128xi32, #tpu.memory_space<vmem>>, vector<16xi32>,
    tpu.vector_store %arg10[%swap3A_87, %swap3A_88], %broadcast_in_dim3A_85 {strides = array<i32>} : memref<2x128xi32, #tpu.memory_space<vmem>>, vector<16xi32>,
    %broadcast_in_dim3A_90 = arith.constant 8192 : i32
    %broadcast_in_dim3A_91 = vector.broadcast %broadcast_in_dim3A_90 : i32 to vector<16xi32>
    %swap3A_92 = arith.constant 1 : i32
    %swap3A_93 = arith.index_cast %swap3A_92 : i32 to index
    %swap3A_94 = arith.constant 96 : index
    %swap3A_95 = tpu.vector_load %arg10[%swap3A_93, %swap3A_94] {strides = array<i32>} : memref<2x128xi32, #tpu.memory_space<vmem>>, vector<16xi32>,
    tpu.vector_store %arg10[%swap3A_93, %swap3A_94], %broadcast_in_dim3A_91 {strides = array<i32>} : memref<2x128xi32, #tpu.memory_space<vmem>>, vector<16xi32>,
    %broadcast_in_dim3A_96 = arith.constant 8192 : i32
    %broadcast_in_dim3A_97 = vector.broadcast %broadcast_in_dim3A_96 : i32 to vector<16xi32>
    %swap3A_98 = arith.constant 1 : i32
    %swap3A_99 = arith.index_cast %swap3A_98 : i32 to index
    %swap3A_100 = arith.constant 112 : index
    %swap3A_101 = tpu.vector_load %arg10[%swap3A_99, %swap3A_100] {strides = array<i32>} : memref<2x128xi32, #tpu.memory_space<vmem>>, vector<16xi32>,
    tpu.vector_store %arg10[%swap3A_99, %swap3A_100], %broadcast_in_dim3A_97 {strides = array<i32>} : memref<2x128xi32, #tpu.memory_space<vmem>>, vector<16xi32>,
    %jit3A = arith.constant 2 : i32
    %div3A = arith.divsi %sub3A, %jit3A : i32
    %sign3A = arith.constant 0 : i32
    %sign3A_102 = arith.cmpi sgt, %sub3A, %sign3A : i32
    %sign3A_103 = arith.extui %sign3A_102 : i1 to i32
    %sign3A_104 = arith.constant 0 : i32
    %sign3A_105 = arith.cmpi slt, %sub3A, %sign3A_104 : i32
    %sign3A_106 = arith.extui %sign3A_105 : i1 to i32
    %sign3A_107 = arith.subi %sign3A_103, %sign3A_106 : i32
    %sign3A_108 = arith.constant 0 : i32
    %sign3A_109 = arith.cmpi sgt, %jit3A, %sign3A_108 : i32
    %sign3A_110 = arith.extui %sign3A_109 : i1 to i32
    %sign3A_111 = arith.constant 0 : i32
    %sign3A_112 = arith.cmpi slt, %jit3A, %sign3A_111 : i32
    %sign3A_113 = arith.extui %sign3A_112 : i1 to i32
    %sign3A_114 = arith.subi %sign3A_110, %sign3A_113 : i32
    %ne3A = arith.cmpi ne, %sign3A_107, %sign3A_114 : i32
    %rem3A = arith.remsi %sub3A, %jit3A : i32
    %ne3A_115 = arith.constant 0 : i32
    %ne3A_116 = arith.cmpi ne, %rem3A, %ne3A_115 : i32
    %and3A = arith.andi %ne3A, %ne3A_116 : i1
    %sub3A_117 = arith.constant 1 : i32
    %sub3A_118 = arith.subi %div3A, %sub3A_117 : i32
    %select_n3A = arith.select %and3A, %sub3A_118, %div3A : i32
    %add3A_119 = arith.constant 0 : i32
    %add3A_120 = arith.addi %mul3A_2, %add3A_119 : i32
    %mul3A_121 = arith.constant 128 : i32
    %mul3A_122 = arith.muli %add3A_120, %mul3A_121 : i32
    %multiple_of3A = tpu.assume_multiple %mul3A_122, 128 : i32
    %dma_start3A = arith.constant 0 : i32
    %dma_start3A_123 = arith.constant 0 : i32
    %dma_start3A_124 = arith.constant 0 : i32
    %dma_start3A_125 = arith.constant 0 : i32
    %dma_start3A_126 = tpu.memref_slice %arg8[%dma_start3A, %dma_start3A_123, %dma_start3A_124, %dma_start3A_125] : memref<3x8x8x256xf32, #tpu.memory_space<vmem>> -> memref<1x8x8x256xf32, #tpu.memory_space<vmem>>
    %dma_start3A_127 = tpu.memref_squeeze %dma_start3A_126 : memref<1x8x8x256xf32, #tpu.memory_space<vmem>> -> memref<8x8x256xf32, #tpu.memory_space<vmem>>
    %dma_start3A_128 = arith.constant 0 : i32
    %dma_start3A_129 = arith.constant 0 : i32
    %dma_start3A_130 = tpu.memref_slice %arg3[%dma_start3A_128, %dma_start3A_129, %multiple_of3A] : memref<8x8x1000000xf32, #tpu.memory_space<hbm>> -> memref<8x8x256xf32, #tpu.memory_space<hbm>>
    %dma_start3A_131 = arith.constant 0 : i32
    %dma_start3A_132 = arith.constant 0 : i32
    %dma_start3A_133 = arith.constant 0 : i32
    %dma_start3A_134 = tpu.memref_slice %arg8[%dma_start3A, %dma_start3A_131, %dma_start3A_132, %dma_start3A_133] : memref<3x8x8x256xf32, #tpu.memory_space<vmem>> -> memref<1x8x8x256xf32, #tpu.memory_space<vmem>>
    %dma_start3A_135 = tpu.memref_squeeze %dma_start3A_134 : memref<1x8x8x256xf32, #tpu.memory_space<vmem>> -> memref<8x8x256xf32, #tpu.memory_space<vmem>>
    %dma_start3A_136 = arith.constant 0 : i32
    %dma_start3A_137 = arith.constant 0 : i32
    %dma_start3A_138 = tpu.memref_slice %arg3[%dma_start3A_136, %dma_start3A_137, %multiple_of3A] : memref<8x8x1000000xf32, #tpu.memory_space<hbm>> -> memref<8x8x256xf32, #tpu.memory_space<hbm>>
    tpu.enqueue_dma source(%dma_start3A_138 : memref<8x8x256xf32, #tpu.memory_space<hbm>>) target(%dma_start3A_135 : memref<8x8x256xf32, #tpu.memory_space<vmem>>) target_semaphore(%arg12 : memref<!tpu.dma_semaphore, #tpu.memory_space<semaphore_mem>>)
    %add3A_139 = arith.constant 2 : i32
    %add3A_140 = arith.addi %mul3A_2, %add3A_139 : i32
    %mul3A_141 = arith.constant 128 : i32
    %mul3A_142 = arith.muli %add3A_140, %mul3A_141 : i32
    %multiple_of3A_143 = tpu.assume_multiple %mul3A_142, 128 : i32
    %dma_start3A_144 = arith.constant 1 : i32
    %dma_start3A_145 = arith.constant 0 : i32
    %dma_start3A_146 = arith.constant 0 : i32
    %dma_start3A_147 = arith.constant 0 : i32
    %dma_start3A_148 = tpu.memref_slice %arg8[%dma_start3A_144, %dma_start3A_145, %dma_start3A_146, %dma_start3A_147] : memref<3x8x8x256xf32, #tpu.memory_space<vmem>> -> memref<1x8x8x256xf32, #tpu.memory_space<vmem>>
    %dma_start3A_149 = tpu.memref_squeeze %dma_start3A_148 : memref<1x8x8x256xf32, #tpu.memory_space<vmem>> -> memref<8x8x256xf32, #tpu.memory_space<vmem>>
    %dma_start3A_150 = arith.constant 0 : i32
    %dma_start3A_151 = arith.constant 0 : i32
    %dma_start3A_152 = tpu.memref_slice %arg3[%dma_start3A_150, %dma_start3A_151, %multiple_of3A_143] : memref<8x8x1000000xf32, #tpu.memory_space<hbm>> -> memref<8x8x256xf32, #tpu.memory_space<hbm>>
    %dma_start3A_153 = arith.constant 0 : i32
    %dma_start3A_154 = arith.constant 0 : i32
    %dma_start3A_155 = arith.constant 0 : i32
    %dma_start3A_156 = tpu.memref_slice %arg8[%dma_start3A_144, %dma_start3A_153, %dma_start3A_154, %dma_start3A_155] : memref<3x8x8x256xf32, #tpu.memory_space<vmem>> -> memref<1x8x8x256xf32, #tpu.memory_space<vmem>>
    %dma_start3A_157 = tpu.memref_squeeze %dma_start3A_156 : memref<1x8x8x256xf32, #tpu.memory_space<vmem>> -> memref<8x8x256xf32, #tpu.memory_space<vmem>>
    %dma_start3A_158 = arith.constant 0 : i32
    %dma_start3A_159 = arith.constant 0 : i32
    %dma_start3A_160 = tpu.memref_slice %arg3[%dma_start3A_158, %dma_start3A_159, %multiple_of3A_143] : memref<8x8x1000000xf32, #tpu.memory_space<hbm>> -> memref<8x8x256xf32, #tpu.memory_space<hbm>>
    tpu.enqueue_dma source(%dma_start3A_160 : memref<8x8x256xf32, #tpu.memory_space<hbm>>) target(%dma_start3A_157 : memref<8x8x256xf32, #tpu.memory_space<vmem>>) target_semaphore(%arg13 : memref<!tpu.dma_semaphore, #tpu.memory_space<semaphore_mem>>)
    %broadcast_in_dim3A_161 = vector.broadcast %mul3A_2 : i32 to vector<16xi32>
    %broadcast_in_dim3A_162 = vector.broadcast %min3A_5 : i32 to vector<16xi32>
    %mul3A_163 = arith.constant 128 : i32
    %mul3A_164 = arith.muli %mul3A_2, %mul3A_163 : i32
    %broadcast_in_dim3A_165 = vector.broadcast %mul3A_164 : i32 to vector<16xi32>
    %scan3A = arith.constant 0 : i32
    %scan3A_166 = arith.constant 0 : i32
    %scan3A_167 = arith.constant 512 : i32
    %scan3A_168 = arith.addi %scan3A_166, %scan3A_167 : i32
    %scan3A_169 = arith.constant 1 : i32
    %scan3A_170 = scf.for %scan3A_216 = %scan3A_166 to %scan3A_168 step %scan3A_169 iter_args(%scan3A_217 = %scan3A) -> (i32)  : i32 {
      %mul3A_218 = arith.constant 16 : i32
      %mul3A_219 = arith.muli %scan3A_216, %mul3A_218 : i32
      %get3A = arith.index_cast %mul3A_219 : i32 to index
      %get3A_220 = tpu.vector_load %arg6[%get3A] {strides = array<i32>} : memref<8192xi32, #tpu.memory_space<vmem>>, vector<16xi32>,
      %shift_right_arithmetic3A_221 = arith.constant 7 : i32
      %shift_right_arithmetic3A_222 = vector.broadcast %shift_right_arithmetic3A_221 : i32 to vector<16xi32>
      %shift_right_arithmetic3A_223 = arith.shrsi %get3A_220, %shift_right_arithmetic3A_222 : vector<16xi32>
      %ge3A = arith.cmpi sge, %shift_right_arithmetic3A_223, %broadcast_in_dim3A_161 : vector<16xi32>
      %lt3A = arith.cmpi slt, %shift_right_arithmetic3A_223, %broadcast_in_dim3A_162 : vector<16xi32>
      %and3A_224 = arith.andi %ge3A, %lt3A : vector<16xi1>
      %ge3A_225 = arith.constant 999936 : i32
      %ge3A_226 = vector.broadcast %ge3A_225 : i32 to vector<16xi32>
      %ge3A_227 = arith.cmpi sge, %get3A_220, %ge3A_226 : vector<16xi32>
      %gt3A = arith.constant 0 : i32
      %gt3A_228 = vector.broadcast %gt3A : i32 to vector<16xi32>
      %gt3A_229 = arith.cmpi sgt, %broadcast_in_dim3A, %gt3A_228 : vector<16xi32>
      %and3A_230 = arith.andi %ge3A_227, %gt3A_229 : vector<16xi1>
      %or3A = arith.ori %and3A_224, %and3A_230 : vector<16xi1>
      %mul3A_231 = arith.constant 16 : i32
      %mul3A_232 = arith.muli %scan3A_216, %mul3A_231 : i32
      %add3A_233 = vector.broadcast %mul3A_232 : i32 to vector<16xi32>
      %add3A_234 = arith.addi %add3A_233, %iota3A : vector<16xi32>
      %shift_left3A = arith.constant 15 : i32
      %shift_left3A_235 = vector.broadcast %shift_left3A : i32 to vector<16xi32>
      %shift_left3A_236 = arith.shli %add3A_234, %shift_left3A_235 : vector<16xi32>
      %sub3A_237 = arith.subi %get3A_220, %broadcast_in_dim3A_165 : vector<16xi32>
      %or3A_238 = arith.ori %shift_left3A_236, %sub3A_237 : vector<16xi32>
      %swap3A_239 = arith.index_cast %scan3A_217 : i32 to index
      %swap3A_240 = tpu.vector_load %arg7[%swap3A_239] masked %or3A {strides = array<i32>} : memref<8208xi32, #tpu.memory_space<vmem>>, vector<16xi32>, vector<16xi1>
      tpu.vector_store %arg7[%swap3A_239], %or3A_238 masked %or3A {strides = array<i32>} : memref<8208xi32, #tpu.memory_space<vmem>>, vector<16xi32>, vector<16xi1>
      %all_reduce_population_count3A = tpu.all_reduce %or3A {dim = 0 : i64, kind = #tpu.reduction_kind<sum>} : vector<16xi1> -> vector<16xi32>
      %reduce_max3A = arith.constant true
      %reduce_max3A_241 = vector.broadcast %reduce_max3A : i1 to vector<16xi1>
      %reduce_max3A_242 = arith.constant -2147483648 : i32
      %reduce_max3A_243 = vector.broadcast %reduce_max3A_242 : i32 to vector<16xi32>
      %reduce_max3A_244 = arith.xori %all_reduce_population_count3A, %reduce_max3A_243 : vector<16xi32>
      %reduce_max3A_245 = tpu.scan <max>, %reduce_max3A_244 masked %reduce_max3A_241 : vector<16xi32>, vector<16xi1> -> vector<16xi32>
      %reduce_max3A_246 = arith.xori %reduce_max3A_245, %reduce_max3A_243 : vector<16xi32>
      %reduce_max3A_247 = vector.extract %reduce_max3A_246[15] : i32 from vector<16xi32>
      %add3A_248 = arith.addi %scan3A_217, %reduce_max3A_247 : i32
      scf.yield %add3A_248 : i32
    }
    %scan3A_171 = arith.constant 512 : i32
    %broadcast_in_dim3A_172 = vector.broadcast %scan3A_170 : i32 to vector<16xi32>
    %add3A_173 = arith.constant 15 : i32
    %add3A_174 = arith.addi %scan3A_170, %add3A_173 : i32
    %shift_right_arithmetic3A = arith.constant 4 : i32
    %shift_right_arithmetic3A_175 = arith.shrsi %add3A_174, %shift_right_arithmetic3A : i32
    %scan3A_176 = arith.constant 0 : i32
    %scan3A_177 = arith.constant 0 : i32
    %scan3A_178 = arith.constant 42 : i32
    %scan3A_179 = arith.addi %scan3A_177, %scan3A_178 : i32
    %scan3A_180 = arith.constant 1 : i32
    %scan3A_181 = scf.for %scan3A_216 = %scan3A_177 to %scan3A_179 step %scan3A_180 iter_args(%scan3A_217 = %scan3A_176) -> (i32)  : i32 {
      %mul3A_218 = arith.constant 3 : i32
      %mul3A_219 = arith.muli %scan3A_216, %mul3A_218 : i32
      %add3A_220 = arith.constant 0 : i32
      %add3A_221 = arith.addi %mul3A_219, %add3A_220 : i32
      %lt3A = arith.cmpi slt, %add3A_221, %select_n3A : i32
      %convert_element_type3A_222 = arith.extui %lt3A : i1 to i32
      %cond3A = arith.constant 0 : i32
      %cond3A_223 = arith.cmpi ne, %convert_element_type3A_222, %cond3A : i32
      scf.if %cond3A_223 {
        %mul3A_309 = arith.constant 2 : i32
        %mul3A_310 = arith.muli %add3A_221, %mul3A_309 : i32
        %add3A_311 = arith.addi %mul3A_2, %mul3A_310 : i32
        %mul3A_312 = arith.constant 128 : i32
        %mul3A_313 = arith.muli %add3A_311, %mul3A_312 : i32
        %multiple_of3A_314 = tpu.assume_multiple %mul3A_313, 128 : i32
        %dma_wait3A_315 = arith.constant 0 : i32
        %dma_wait3A_316 = arith.constant 0 : i32
        %dma_wait3A_317 = arith.constant 0 : i32
        %dma_wait3A_318 = arith.constant 0 : i32
        %dma_wait3A_319 = tpu.memref_slice %arg8[%dma_wait3A_315, %dma_wait3A_316, %dma_wait3A_317, %dma_wait3A_318] : memref<3x8x8x256xf32, #tpu.memory_space<vmem>> -> memref<1x8x8x256xf32, #tpu.memory_space<vmem>>
        %dma_wait3A_320 = tpu.memref_squeeze %dma_wait3A_319 : memref<1x8x8x256xf32, #tpu.memory_space<vmem>> -> memref<8x8x256xf32, #tpu.memory_space<vmem>>
        %dma_wait3A_321 = arith.constant 0 : i32
        %dma_wait3A_322 = arith.constant 0 : i32
        %dma_wait3A_323 = tpu.memref_slice %arg3[%dma_wait3A_321, %dma_wait3A_322, %multiple_of3A_314] : memref<8x8x1000000xf32, #tpu.memory_space<hbm>> -> memref<8x8x256xf32, #tpu.memory_space<hbm>>
        %dma_wait3A_324 = arith.constant 0 : i32
        %dma_wait3A_325 = arith.constant 0 : i32
        %dma_wait3A_326 = arith.constant 0 : i32
        %dma_wait3A_327 = tpu.memref_slice %arg8[%dma_wait3A_315, %dma_wait3A_324, %dma_wait3A_325, %dma_wait3A_326] : memref<3x8x8x256xf32, #tpu.memory_space<vmem>> -> memref<1x8x8x256xf32, #tpu.memory_space<vmem>>
        %dma_wait3A_328 = tpu.memref_squeeze %dma_wait3A_327 : memref<1x8x8x256xf32, #tpu.memory_space<vmem>> -> memref<8x8x256xf32, #tpu.memory_space<vmem>>
        %dma_wait3A_329 = arith.constant 0 : i32
        %dma_wait3A_330 = arith.constant 0 : i32
        %dma_wait3A_331 = tpu.memref_slice %arg3[%dma_wait3A_329, %dma_wait3A_330, %multiple_of3A_314] : memref<8x8x1000000xf32, #tpu.memory_space<hbm>> -> memref<8x8x256xf32, #tpu.memory_space<hbm>>
        tpu.wait_dma2 semaphore(%arg12 : memref<!tpu.dma_semaphore, #tpu.memory_space<semaphore_mem>>) src(%dma_wait3A_331 : memref<8x8x256xf32, #tpu.memory_space<hbm>>) dst(%dma_wait3A_328 : memref<8x8x256xf32, #tpu.memory_space<vmem>>)
      } else {
      }
      %add3A_224 = arith.constant 2 : i32
      %add3A_225 = arith.addi %add3A_221, %add3A_224 : i32
      %lt3A_226 = arith.cmpi slt, %add3A_225, %select_n3A : i32
      %convert_element_type3A_227 = arith.extui %lt3A_226 : i1 to i32
      %cond3A_228 = arith.constant 0 : i32
      %cond3A_229 = arith.cmpi ne, %convert_element_type3A_227, %cond3A_228 : i32
      scf.if %cond3A_229 {
        %add3A_309 = arith.constant 2 : i32
        %add3A_310 = arith.addi %add3A_221, %add3A_309 : i32
        %mul3A_311 = arith.constant 2 : i32
        %mul3A_312 = arith.muli %add3A_310, %mul3A_311 : i32
        %add3A_313 = arith.addi %mul3A_2, %mul3A_312 : i32
        %mul3A_314 = arith.constant 128 : i32
        %mul3A_315 = arith.muli %add3A_313, %mul3A_314 : i32
        %multiple_of3A_316 = tpu.assume_multiple %mul3A_315, 128 : i32
        %dma_start3A_317 = arith.constant 2 : i32
        %dma_start3A_318 = arith.constant 0 : i32
        %dma_start3A_319 = arith.constant 0 : i32
        %dma_start3A_320 = arith.constant 0 : i32
        %dma_start3A_321 = tpu.memref_slice %arg8[%dma_start3A_317, %dma_start3A_318, %dma_start3A_319, %dma_start3A_320] : memref<3x8x8x256xf32, #tpu.memory_space<vmem>> -> memref<1x8x8x256xf32, #tpu.memory_space<vmem>>
        %dma_start3A_322 = tpu.memref_squeeze %dma_start3A_321 : memref<1x8x8x256xf32, #tpu.memory_space<vmem>> -> memref<8x8x256xf32, #tpu.memory_space<vmem>>
        %dma_start3A_323 = arith.constant 0 : i32
        %dma_start3A_324 = arith.constant 0 : i32
        %dma_start3A_325 = tpu.memref_slice %arg3[%dma_start3A_323, %dma_start3A_324, %multiple_of3A_316] : memref<8x8x1000000xf32, #tpu.memory_space<hbm>> -> memref<8x8x256xf32, #tpu.memory_space<hbm>>
        %dma_start3A_326 = arith.constant 0 : i32
        %dma_start3A_327 = arith.constant 0 : i32
        %dma_start3A_328 = arith.constant 0 : i32
        %dma_start3A_329 = tpu.memref_slice %arg8[%dma_start3A_317, %dma_start3A_326, %dma_start3A_327, %dma_start3A_328] : memref<3x8x8x256xf32, #tpu.memory_space<vmem>> -> memref<1x8x8x256xf32, #tpu.memory_space<vmem>>
        %dma_start3A_330 = tpu.memref_squeeze %dma_start3A_329 : memref<1x8x8x256xf32, #tpu.memory_space<vmem>> -> memref<8x8x256xf32, #tpu.memory_space<vmem>>
        %dma_start3A_331 = arith.constant 0 : i32
        %dma_start3A_332 = arith.constant 0 : i32
        %dma_start3A_333 = tpu.memref_slice %arg3[%dma_start3A_331, %dma_start3A_332, %multiple_of3A_316] : memref<8x8x1000000xf32, #tpu.memory_space<hbm>> -> memref<8x8x256xf32, #tpu.memory_space<hbm>>
        tpu.enqueue_dma source(%dma_start3A_333 : memref<8x8x256xf32, #tpu.memory_space<hbm>>) target(%dma_start3A_330 : memref<8x8x256xf32, #tpu.memory_space<vmem>>) target_semaphore(%arg14 : memref<!tpu.dma_semaphore, #tpu.memory_space<semaphore_mem>>)
      } else {
      }
      %lt3A_230 = arith.cmpi slt, %add3A_221, %select_n3A : i32
      %jit3A_231 = arith.constant -1 : i32
      %select_n3A_232 = arith.select %lt3A_230, %add3A_221, %jit3A_231 : i32
      %broadcast_in_dim3A_233 = vector.broadcast %select_n3A_232 : i32 to vector<16xi32>
      %broadcast_in_dim3A_234 = arith.constant 0 : i32
      %broadcast_in_dim3A_235 = vector.broadcast %broadcast_in_dim3A_234 : i32 to vector<16xi32>
      %while3A_236 = arith.constant 0 : i32
      %while3A_237 = arith.subi %shift_right_arithmetic3A_175, %while3A_236 : i32
      %while3A_238 = arith.addi %while3A_236, %while3A_237 : i32
      %while3A_239 = arith.constant 1 : i32
      %while3A_240 = arith.divsi %while3A_237, %while3A_239 : i32
      %while3A_241 = arith.muli %while3A_240, %while3A_239 : i32
      %while3A_242 = arith.addi %while3A_236, %while3A_241 : i32
      %while3A_243 = arith.constant 1 : i32
      %while3A_244 = scf.for %while3A_309 = %while3A_236 to %while3A_242 step %while3A_243 iter_args(%while3A_310 = %scan3A_217) -> (i32)  : i32 {
        %mul3A_311 = arith.constant 16 : i32
        %mul3A_312 = arith.muli %while3A_309, %mul3A_311 : i32
        %get3A = arith.index_cast %mul3A_312 : i32 to index
        %get3A_313 = tpu.vector_load %arg7[%get3A] {strides = array<i32>} : memref<8208xi32, #tpu.memory_space<vmem>>, vector<16xi32>,
        %mul3A_314 = arith.constant 16 : i32
        %mul3A_315 = arith.muli %while3A_309, %mul3A_314 : i32
        %add3A_316 = vector.broadcast %mul3A_315 : i32 to vector<16xi32>
        %add3A_317 = arith.addi %add3A_316, %iota3A : vector<16xi32>
        %lt3A_318 = arith.cmpi slt, %add3A_317, %broadcast_in_dim3A_172 : vector<16xi32>
        %and3A_319 = arith.constant 32767 : i32
        %and3A_320 = vector.broadcast %and3A_319 : i32 to vector<16xi32>
        %and3A_321 = arith.andi %get3A_313, %and3A_320 : vector<16xi32>
        %shift_right_arithmetic3A_322 = arith.constant 8 : i32
        %shift_right_arithmetic3A_323 = vector.broadcast %shift_right_arithmetic3A_322 : i32 to vector<16xi32>
        %shift_right_arithmetic3A_324 = arith.shrsi %and3A_321, %shift_right_arithmetic3A_323 : vector<16xi32>
        %eq3A_325 = arith.cmpi eq, %shift_right_arithmetic3A_324, %broadcast_in_dim3A_233 : vector<16xi32>
        %and3A_326 = arith.andi %eq3A_325, %lt3A_318 : vector<16xi1>
        %while3A_327:2 = scf.while (%while3A_328 = %and3A_326, %while3A_329 = %while3A_310) : (vector<16xi1>, i32) -> (vector<16xi1>, i32) {
          %reduce_or3A = arith.constant 1.000000e+00 : f32
          %reduce_or3A_330 = arith.constant 0.000000e+00 : f32
          %reduce_or3A_331 = vector.broadcast %reduce_or3A : f32 to vector<16xf32>
          %reduce_or3A_332 = vector.broadcast %reduce_or3A_330 : f32 to vector<16xf32>
          %reduce_or3A_333 = arith.select %while3A_328, %reduce_or3A_331, %reduce_or3A_332 : vector<16xi1>, vector<16xf32>
          %reduce_or3A_334 = arith.constant true
          %reduce_or3A_335 = vector.broadcast %reduce_or3A_334 : i1 to vector<16xi1>
          %reduce_or3A_336 = tpu.scan <max>, %reduce_or3A_333 masked %reduce_or3A_335 : vector<16xf32>, vector<16xi1> -> vector<16xf32>
          %reduce_or3A_337 = vector.extract %reduce_or3A_336[15] : f32 from vector<16xf32>
          %reduce_or3A_338 = arith.constant 0.000000e+00 : f32
          %reduce_or3A_339 = arith.cmpf ogt, %reduce_or3A_337, %reduce_or3A_338 : f32
          scf.condition(%reduce_or3A_339) %while3A_328, %while3A_329 : vector<16xi1>, i32
        } do {
        ^bb0(%while3A_328: vector<16xi1>, %while3A_329: i32):
          %all_reduce_ffs3A = tpu.all_reduce %while3A_328 {dim = 0 : i64, kind = #tpu.reduction_kind<find_first_set>} : vector<16xi1> -> vector<16xi32>
          %lt3A_330 = arith.constant 0 : i32
          %lt3A_331 = vector.broadcast %lt3A_330 : i32 to vector<16xi32>
          %lt3A_332 = arith.cmpi slt, %all_reduce_ffs3A, %lt3A_331 : vector<16xi32>
          %add3A_333 = arith.constant 16 : i32
          %add3A_334 = vector.broadcast %add3A_333 : i32 to vector<16xi32>
          %add3A_335 = arith.addi %all_reduce_ffs3A, %add3A_334 : vector<16xi32>
          %select_n3A_336 = arith.select %lt3A_332, %add3A_335, %all_reduce_ffs3A : vector<16xi1>, vector<16xi32>
          %reshape3A = vector.shape_cast %select_n3A_336 : vector<16xi32> to vector<16x1xi32>
          %gather3A = vector.shape_cast %reshape3A : vector<16x1xi32> to vector<16xi32>
          %gather3A_337 = tpu.dynamic_gather %get3A_313[%gather3A] in [0] : vector<16xi32>, vector<16xi32> -> vector<16xi32>
          %and3A_338 = arith.constant 32767 : i32
          %and3A_339 = vector.broadcast %and3A_338 : i32 to vector<16xi32>
          %and3A_340 = arith.andi %gather3A_337, %and3A_339 : vector<16xi32>
          %shift_right_arithmetic3A_341 = arith.constant 15 : i32
          %shift_right_arithmetic3A_342 = vector.broadcast %shift_right_arithmetic3A_341 : i32 to vector<16xi32>
          %shift_right_arithmetic3A_343 = arith.shrsi %gather3A_337, %shift_right_arithmetic3A_342 : vector<16xi32>
          %add3A_344 = arith.constant 0 : i32
          %add3A_345 = vector.broadcast %add3A_344 : i32 to vector<16xi32>
          %add3A_346 = arith.addi %add3A_345, %iota3A : vector<16xi32>
          %shift_right_arithmetic3A_347 = arith.constant 3 : i32
          %shift_right_arithmetic3A_348 = vector.broadcast %shift_right_arithmetic3A_347 : i32 to vector<16xi32>
          %shift_right_arithmetic3A_349 = arith.shrsi %add3A_346, %shift_right_arithmetic3A_348 : vector<16xi32>
          %and3A_350 = arith.constant 7 : i32
          %and3A_351 = vector.broadcast %and3A_350 : i32 to vector<16xi32>
          %and3A_352 = arith.andi %add3A_346, %and3A_351 : vector<16xi32>
          %and3A_353 = arith.constant 255 : i32
          %and3A_354 = vector.broadcast %and3A_353 : i32 to vector<16xi32>
          %and3A_355 = arith.andi %and3A_340, %and3A_354 : vector<16xi32>
          %gather3A_356 = tpu.vector_load_idx %arg8[%broadcast_in_dim3A_235, %shift_right_arithmetic3A_349, %and3A_352, %and3A_355] : memref<3x8x8x256xf32, #tpu.memory_space<vmem>>[vector<16xi32>, vector<16xi32>, vector<16xi32>, vector<16xi32>], vector<16xf32>,
          %mul3A_357 = arith.constant 8.000000e+00 : f32
          %mul3A_358 = vector.broadcast %mul3A_357 : f32 to vector<16xf32>
          %mul3A_359 = arith.mulf %gather3A_356, %mul3A_358 : vector<16xf32>
          %swap3A_360 = arith.index_cast %while3A_329 : i32 to index
          %swap3A_361 = arith.constant 0 : index
          %swap3A_362 = tpu.vector_load %arg9[%swap3A_360, %swap3A_361] {strides = array<i32>} : memref<256x128xf32, #tpu.memory_space<vmem>>, vector<16xf32>,
          tpu.vector_store %arg9[%swap3A_360, %swap3A_361], %mul3A_359 {strides = array<i32>} : memref<256x128xf32, #tpu.memory_space<vmem>>, vector<16xf32>,
          %add3A_363 = arith.constant 16 : i32
          %add3A_364 = vector.broadcast %add3A_363 : i32 to vector<16xi32>
          %add3A_365 = arith.addi %add3A_364, %iota3A : vector<16xi32>
          %shift_right_arithmetic3A_366 = arith.constant 3 : i32
          %shift_right_arithmetic3A_367 = vector.broadcast %shift_right_arithmetic3A_366 : i32 to vector<16xi32>
          %shift_right_arithmetic3A_368 = arith.shrsi %add3A_365, %shift_right_arithmetic3A_367 : vector<16xi32>
          %and3A_369 = arith.constant 7 : i32
          %and3A_370 = vector.broadcast %and3A_369 : i32 to vector<16xi32>
          %and3A_371 = arith.andi %add3A_365, %and3A_370 : vector<16xi32>
          %and3A_372 = arith.constant 255 : i32
          %and3A_373 = vector.broadcast %and3A_372 : i32 to vector<16xi32>
          %and3A_374 = arith.andi %and3A_340, %and3A_373 : vector<16xi32>
          %gather3A_375 = tpu.vector_load_idx %arg8[%broadcast_in_dim3A_235, %shift_right_arithmetic3A_368, %and3A_371, %and3A_374] : memref<3x8x8x256xf32, #tpu.memory_space<vmem>>[vector<16xi32>, vector<16xi32>, vector<16xi32>, vector<16xi32>], vector<16xf32>,
          %mul3A_376 = arith.constant 8.000000e+00 : f32
          %mul3A_377 = vector.broadcast %mul3A_376 : f32 to vector<16xf32>
          %mul3A_378 = arith.mulf %gather3A_375, %mul3A_377 : vector<16xf32>
          %swap3A_379 = arith.index_cast %while3A_329 : i32 to index
          %swap3A_380 = arith.constant 16 : index
          %swap3A_381 = tpu.vector_load %arg9[%swap3A_379, %swap3A_380] {strides = array<i32>} : memref<256x128xf32, #tpu.memory_space<vmem>>, vector<16xf32>,
          tpu.vector_store %arg9[%swap3A_379, %swap3A_380], %mul3A_378 {strides = array<i32>} : memref<256x128xf32, #tpu.memory_space<vmem>>, vector<16xf32>,
          %add3A_382 = arith.constant 32 : i32
          %add3A_383 = vector.broadcast %add3A_382 : i32 to vector<16xi32>
          %add3A_384 = arith.addi %add3A_383, %iota3A : vector<16xi32>
          %shift_right_arithmetic3A_385 = arith.constant 3 : i32
          %shift_right_arithmetic3A_386 = vector.broadcast %shift_right_arithmetic3A_385 : i32 to vector<16xi32>
          %shift_right_arithmetic3A_387 = arith.shrsi %add3A_384, %shift_right_arithmetic3A_386 : vector<16xi32>
          %and3A_388 = arith.constant 7 : i32
          %and3A_389 = vector.broadcast %and3A_388 : i32 to vector<16xi32>
          %and3A_390 = arith.andi %add3A_384, %and3A_389 : vector<16xi32>
          %and3A_391 = arith.constant 255 : i32
          %and3A_392 = vector.broadcast %and3A_391 : i32 to vector<16xi32>
          %and3A_393 = arith.andi %and3A_340, %and3A_392 : vector<16xi32>
          %gather3A_394 = tpu.vector_load_idx %arg8[%broadcast_in_dim3A_235, %shift_right_arithmetic3A_387, %and3A_390, %and3A_393] : memref<3x8x8x256xf32, #tpu.memory_space<vmem>>[vector<16xi32>, vector<16xi32>, vector<16xi32>, vector<16xi32>], vector<16xf32>,
          %mul3A_395 = arith.constant 8.000000e+00 : f32
          %mul3A_396 = vector.broadcast %mul3A_395 : f32 to vector<16xf32>
          %mul3A_397 = arith.mulf %gather3A_394, %mul3A_396 : vector<16xf32>
          %swap3A_398 = arith.index_cast %while3A_329 : i32 to index
          %swap3A_399 = arith.constant 32 : index
          %swap3A_400 = tpu.vector_load %arg9[%swap3A_398, %swap3A_399] {strides = array<i32>} : memref<256x128xf32, #tpu.memory_space<vmem>>, vector<16xf32>,
          tpu.vector_store %arg9[%swap3A_398, %swap3A_399], %mul3A_397 {strides = array<i32>} : memref<256x128xf32, #tpu.memory_space<vmem>>, vector<16xf32>,
          %add3A_401 = arith.constant 48 : i32
          %add3A_402 = vector.broadcast %add3A_401 : i32 to vector<16xi32>
          %add3A_403 = arith.addi %add3A_402, %iota3A : vector<16xi32>
          %shift_right_arithmetic3A_404 = arith.constant 3 : i32
          %shift_right_arithmetic3A_405 = vector.broadcast %shift_right_arithmetic3A_404 : i32 to vector<16xi32>
          %shift_right_arithmetic3A_406 = arith.shrsi %add3A_403, %shift_right_arithmetic3A_405 : vector<16xi32>
          %and3A_407 = arith.constant 7 : i32
          %and3A_408 = vector.broadcast %and3A_407 : i32 to vector<16xi32>
          %and3A_409 = arith.andi %add3A_403, %and3A_408 : vector<16xi32>
          %and3A_410 = arith.constant 255 : i32
          %and3A_411 = vector.broadcast %and3A_410 : i32 to vector<16xi32>
          %and3A_412 = arith.andi %and3A_340, %and3A_411 : vector<16xi32>
          %gather3A_413 = tpu.vector_load_idx %arg8[%broadcast_in_dim3A_235, %shift_right_arithmetic3A_406, %and3A_409, %and3A_412] : memref<3x8x8x256xf32, #tpu.memory_space<vmem>>[vector<16xi32>, vector<16xi32>, vector<16xi32>, vector<16xi32>], vector<16xf32>,
          %mul3A_414 = arith.constant 8.000000e+00 : f32
          %mul3A_415 = vector.broadcast %mul3A_414 : f32 to vector<16xf32>
          %mul3A_416 = arith.mulf %gather3A_413, %mul3A_415 : vector<16xf32>
          %swap3A_417 = arith.index_cast %while3A_329 : i32 to index
          %swap3A_418 = arith.constant 48 : index
          %swap3A_419 = tpu.vector_load %arg9[%swap3A_417, %swap3A_418] {strides = array<i32>} : memref<256x128xf32, #tpu.memory_space<vmem>>, vector<16xf32>,
          tpu.vector_store %arg9[%swap3A_417, %swap3A_418], %mul3A_416 {strides = array<i32>} : memref<256x128xf32, #tpu.memory_space<vmem>>, vector<16xf32>,
          %shift_right_arithmetic3A_420 = arith.constant 7 : i32
          %shift_right_arithmetic3A_421 = arith.shrsi %while3A_329, %shift_right_arithmetic3A_420 : i32
          %broadcast_in_dim3A_422 = vector.broadcast %shift_right_arithmetic3A_421 : i32 to vector<16xi32>
          %and3A_423 = arith.constant 127 : i32
          %and3A_424 = arith.andi %while3A_329, %and3A_423 : i32
          %broadcast_in_dim3A_425 = vector.broadcast %and3A_424 : i32 to vector<16xi32>
          %lt3A_426 = arith.constant 1 : i32
          %lt3A_427 = vector.broadcast %lt3A_426 : i32 to vector<16xi32>
          %lt3A_428 = arith.cmpi slt, %iota3A, %lt3A_427 : vector<16xi32>
          tpu.vector_store_idx %arg10[%broadcast_in_dim3A_422, %broadcast_in_dim3A_425], %shift_right_arithmetic3A_343 masked %lt3A_428 : memref<2x128xi32, #tpu.memory_space<vmem>>[vector<16xi32>, vector<16xi32>], vector<16xi32>, vector<16xi1>
          %ne3A_429 = arith.cmpi ne, %iota3A, %all_reduce_ffs3A : vector<16xi32>
          %and3A_430 = arith.andi %while3A_328, %ne3A_429 : vector<16xi1>
          %shift_right_arithmetic3A_431 = arith.constant 7 : i32
          %shift_right_arithmetic3A_432 = arith.shrsi %while3A_329, %shift_right_arithmetic3A_431 : i32
          %and3A_433 = arith.constant 127 : i32
          %and3A_434 = arith.andi %while3A_329, %and3A_433 : i32
          %eq3A_435 = arith.constant 127 : i32
          %eq3A_436 = arith.cmpi eq, %and3A_434, %eq3A_435 : i32
          %convert_element_type3A_437 = arith.extui %eq3A_436 : i1 to i32
          %cond3A_438 = arith.constant 0 : i32
          %cond3A_439 = arith.constant 0 : i32
          %cond3A_440 = arith.cmpi ne, %convert_element_type3A_437, %cond3A_439 : i32
          %cond3A_441 = scf.if %cond3A_440 -> (i32) {
            %mul3A_446 = arith.constant 128 : i32
            %mul3A_447 = arith.muli %shift_right_arithmetic3A_432, %mul3A_446 : i32
            %multiple_of3A_448 = tpu.assume_multiple %mul3A_447, 128 : i32
            %dma_start3A_449 = arith.constant 0 : i32
            %dma_start3A_450 = tpu.memref_slice %arg9[%multiple_of3A_448, %dma_start3A_449] : memref<256x128xf32, #tpu.memory_space<vmem>> -> memref<128x128xf32, #tpu.memory_space<vmem>>
            %dma_start3A_451 = arith.constant 0 : i32
            %dma_start3A_452 = tpu.memref_slice %arg10[%shift_right_arithmetic3A_432, %dma_start3A_451] : memref<2x128xi32, #tpu.memory_space<vmem>> -> memref<1x128xi32, #tpu.memory_space<vmem>>
            %dma_start3A_453 = tpu.memref_squeeze %dma_start3A_452 : memref<1x128xi32, #tpu.memory_space<vmem>> -> memref<128xi32, #tpu.memory_space<vmem>>
            %dma_start3A_454 = arith.constant 0 : i32
            %dma_start3A_455 = arith.constant 0 : i32
            %dma_start3A_456 = tpu.memref_slice %arg5[%dma_start3A_454, %dma_start3A_455] : memref<8200x128xf32, #tpu.memory_space<hbm>> -> memref<8200x128xf32, #tpu.memory_space<hbm>>
            tpu.enqueue_indirect_dma source(%dma_start3A_450 : memref<128x128xf32, #tpu.memory_space<vmem>>) target(%dma_start3A_456 : memref<8200x128xf32, #tpu.memory_space<hbm>>) offsets(%dma_start3A_453 : memref<128xi32, #tpu.memory_space<vmem>>) semaphore(%arg15 : memref<!tpu.dma_semaphore, #tpu.memory_space<semaphore_mem>>)
            %dma_wait3A_457 = arith.constant 0 : i32
            %dma_wait3A_458 = tpu.memref_slice %arg9[%multiple_of3A_448, %dma_wait3A_457] : memref<256x128xf32, #tpu.memory_space<vmem>> -> memref<128x128xf32, #tpu.memory_space<vmem>>
            %dma_wait3A_459 = arith.constant 0 : i32
            %dma_wait3A_460 = tpu.memref_slice %arg10[%shift_right_arithmetic3A_432, %dma_wait3A_459] : memref<2x128xi32, #tpu.memory_space<vmem>> -> memref<1x128xi32, #tpu.memory_space<vmem>>
            %dma_wait3A_461 = tpu.memref_squeeze %dma_wait3A_460 : memref<1x128xi32, #tpu.memory_space<vmem>> -> memref<128xi32, #tpu.memory_space<vmem>>
            %dma_wait3A_462 = arith.constant 0 : i32
            %dma_wait3A_463 = arith.constant 0 : i32
            %dma_wait3A_464 = tpu.memref_slice %arg5[%dma_wait3A_462, %dma_wait3A_463] : memref<8200x128xf32, #tpu.memory_space<hbm>> -> memref<8200x128xf32, #tpu.memory_space<hbm>>
            tpu.wait_indirect_dma semaphore(%arg15 : memref<!tpu.dma_semaphore, #tpu.memory_space<semaphore_mem>>) src(%dma_wait3A_458 : memref<128x128xf32, #tpu.memory_space<vmem>>) dst(%dma_wait3A_464 : memref<8200x128xf32, #tpu.memory_space<hbm>>)
            %broadcast_in_dim3A_465 = vector.broadcast %shift_right_arithmetic3A_432 : i32 to vector<16xi32>
            %add3A_466 = arith.constant 0 : i32
            %add3A_467 = vector.broadcast %add3A_466 : i32 to vector<16xi32>
            %add3A_468 = arith.addi %add3A_467, %iota3A : vector<16xi32>
            %broadcast_in_dim3A_469 = arith.constant 8192 : i32
            %broadcast_in_dim3A_470 = vector.broadcast %broadcast_in_dim3A_469 : i32 to vector<16xi32>
            %ge3A = arith.constant 0 : i32
            %ge3A_471 = vector.broadcast %ge3A : i32 to vector<16xi32>
            %ge3A_472 = arith.cmpi sge, %iota3A, %ge3A_471 : vector<16xi32>
            tpu.vector_store_idx %arg10[%broadcast_in_dim3A_465, %add3A_468], %broadcast_in_dim3A_470 masked %ge3A_472 : memref<2x128xi32, #tpu.memory_space<vmem>>[vector<16xi32>, vector<16xi32>], vector<16xi32>, vector<16xi1>
            %broadcast_in_dim3A_473 = vector.broadcast %shift_right_arithmetic3A_432 : i32 to vector<16xi32>
            %add3A_474 = arith.constant 16 : i32
            %add3A_475 = vector.broadcast %add3A_474 : i32 to vector<16xi32>
            %add3A_476 = arith.addi %add3A_475, %iota3A : vector<16xi32>
            %broadcast_in_dim3A_477 = arith.constant 8192 : i32
            %broadcast_in_dim3A_478 = vector.broadcast %broadcast_in_dim3A_477 : i32 to vector<16xi32>
            %ge3A_479 = arith.constant 0 : i32
            %ge3A_480 = vector.broadcast %ge3A_479 : i32 to vector<16xi32>
            %ge3A_481 = arith.cmpi sge, %iota3A, %ge3A_480 : vector<16xi32>
            tpu.vector_store_idx %arg10[%broadcast_in_dim3A_473, %add3A_476], %broadcast_in_dim3A_478 masked %ge3A_481 : memref<2x128xi32, #tpu.memory_space<vmem>>[vector<16xi32>, vector<16xi32>], vector<16xi32>, vector<16xi1>
            %broadcast_in_dim3A_482 = vector.broadcast %shift_right_arithmetic3A_432 : i32 to vector<16xi32>
            %add3A_483 = arith.constant 32 : i32
            %add3A_484 = vector.broadcast %add3A_483 : i32 to vector<16xi32>
            %add3A_485 = arith.addi %add3A_484, %iota3A : vector<16xi32>
            %broadcast_in_dim3A_486 = arith.constant 8192 : i32
            %broadcast_in_dim3A_487 = vector.broadcast %broadcast_in_dim3A_486 : i32 to vector<16xi32>
            %ge3A_488 = arith.constant 0 : i32
            %ge3A_489 = vector.broadcast %ge3A_488 : i32 to vector<16xi32>
            %ge3A_490 = arith.cmpi sge, %iota3A, %ge3A_489 : vector<16xi32>
            tpu.vector_store_idx %arg10[%broadcast_in_dim3A_482, %add3A_485], %broadcast_in_dim3A_487 masked %ge3A_490 : memref<2x128xi32, #tpu.memory_space<vmem>>[vector<16xi32>, vector<16xi32>], vector<16xi32>, vector<16xi1>
            %broadcast_in_dim3A_491 = vector.broadcast %shift_right_arithmetic3A_432 : i32 to vector<16xi32>
            %add3A_492 = arith.constant 48 : i32
            %add3A_493 = vector.broadcast %add3A_492 : i32 to vector<16xi32>
            %add3A_494 = arith.addi %add3A_493, %iota3A : vector<16xi32>
            %broadcast_in_dim3A_495 = arith.constant 8192 : i32
            %broadcast_in_dim3A_496 = vector.broadcast %broadcast_in_dim3A_495 : i32 to vector<16xi32>
            %ge3A_497 = arith.constant 0 : i32
            %ge3A_498 = vector.broadcast %ge3A_497 : i32 to vector<16xi32>
            %ge3A_499 = arith.cmpi sge, %iota3A, %ge3A_498 : vector<16xi32>
            tpu.vector_store_idx %arg10[%broadcast_in_dim3A_491, %add3A_494], %broadcast_in_dim3A_496 masked %ge3A_499 : memref<2x128xi32, #tpu.memory_space<vmem>>[vector<16xi32>, vector<16xi32>], vector<16xi32>, vector<16xi1>
            %broadcast_in_dim3A_500 = vector.broadcast %shift_right_arithmetic3A_432 : i32 to vector<16xi32>
            %add3A_501 = arith.constant 64 : i32
            %add3A_502 = vector.broadcast %add3A_501 : i32 to vector<16xi32>
            %add3A_503 = arith.addi %add3A_502, %iota3A : vector<16xi32>
            %broadcast_in_dim3A_504 = arith.constant 8192 : i32
            %broadcast_in_dim3A_505 = vector.broadcast %broadcast_in_dim3A_504 : i32 to vector<16xi32>
            %ge3A_506 = arith.constant 0 : i32
            %ge3A_507 = vector.broadcast %ge3A_506 : i32 to vector<16xi32>
            %ge3A_508 = arith.cmpi sge, %iota3A, %ge3A_507 : vector<16xi32>
            tpu.vector_store_idx %arg10[%broadcast_in_dim3A_500, %add3A_503], %broadcast_in_dim3A_505 masked %ge3A_508 : memref<2x128xi32, #tpu.memory_space<vmem>>[vector<16xi32>, vector<16xi32>], vector<16xi32>, vector<16xi1>
            %broadcast_in_dim3A_509 = vector.broadcast %shift_right_arithmetic3A_432 : i32 to vector<16xi32>
            %add3A_510 = arith.constant 80 : i32
            %add3A_511 = vector.broadcast %add3A_510 : i32 to vector<16xi32>
            %add3A_512 = arith.addi %add3A_511, %iota3A : vector<16xi32>
            %broadcast_in_dim3A_513 = arith.constant 8192 : i32
            %broadcast_in_dim3A_514 = vector.broadcast %broadcast_in_dim3A_513 : i32 to vector<16xi32>
            %ge3A_515 = arith.constant 0 : i32
            %ge3A_516 = vector.broadcast %ge3A_515 : i32 to vector<16xi32>
            %ge3A_517 = arith.cmpi sge, %iota3A, %ge3A_516 : vector<16xi32>
            tpu.vector_store_idx %arg10[%broadcast_in_dim3A_509, %add3A_512], %broadcast_in_dim3A_514 masked %ge3A_517 : memref<2x128xi32, #tpu.memory_space<vmem>>[vector<16xi32>, vector<16xi32>], vector<16xi32>, vector<16xi1>
            %broadcast_in_dim3A_518 = vector.broadcast %shift_right_arithmetic3A_432 : i32 to vector<16xi32>
            %add3A_519 = arith.constant 96 : i32
            %add3A_520 = vector.broadcast %add3A_519 : i32 to vector<16xi32>
            %add3A_521 = arith.addi %add3A_520, %iota3A : vector<16xi32>
            %broadcast_in_dim3A_522 = arith.constant 8192 : i32
            %broadcast_in_dim3A_523 = vector.broadcast %broadcast_in_dim3A_522 : i32 to vector<16xi32>
            %ge3A_524 = arith.constant 0 : i32
            %ge3A_525 = vector.broadcast %ge3A_524 : i32 to vector<16xi32>
            %ge3A_526 = arith.cmpi sge, %iota3A, %ge3A_525 : vector<16xi32>
            tpu.vector_store_idx %arg10[%broadcast_in_dim3A_518, %add3A_521], %broadcast_in_dim3A_523 masked %ge3A_526 : memref<2x128xi32, #tpu.memory_space<vmem>>[vector<16xi32>, vector<16xi32>], vector<16xi32>, vector<16xi1>
            %broadcast_in_dim3A_527 = vector.broadcast %shift_right_arithmetic3A_432 : i32 to vector<16xi32>
            %add3A_528 = arith.constant 112 : i32
            %add3A_529 = vector.broadcast %add3A_528 : i32 to vector<16xi32>
            %add3A_530 = arith.addi %add3A_529, %iota3A : vector<16xi32>
            %broadcast_in_dim3A_531 = arith.constant 8192 : i32
            %broadcast_in_dim3A_532 = vector.broadcast %broadcast_in_dim3A_531 : i32 to vector<16xi32>
            %ge3A_533 = arith.constant 0 : i32
            %ge3A_534 = vector.broadcast %ge3A_533 : i32 to vector<16xi32>
            %ge3A_535 = arith.cmpi sge, %iota3A, %ge3A_534 : vector<16xi32>
            tpu.vector_store_idx %arg10[%broadcast_in_dim3A_527, %add3A_530], %broadcast_in_dim3A_532 masked %ge3A_535 : memref<2x128xi32, #tpu.memory_space<vmem>>[vector<16xi32>, vector<16xi32>], vector<16xi32>, vector<16xi1>
            %cond3A_536 = arith.constant 0 : i32
            scf.yield %cond3A_536 : i32
          } else {
            %cond3A_446 = arith.constant 0 : i32
            scf.yield %cond3A_446 : i32
          }
          %add3A_442 = arith.constant 1 : i32
          %add3A_443 = arith.addi %while3A_329, %add3A_442 : i32
          %and3A_444 = arith.constant 255 : i32
          %and3A_445 = arith.andi %add3A_443, %and3A_444 : i32
          scf.yield %and3A_430, %and3A_445 : vector<16xi1>, i32
        }
        scf.yield %while3A_327#1 : i32
      }
      %while3A_245 = arith.constant 1 : i32
      %while3A_246 = scf.for %while3A_309 = %while3A_242 to %while3A_238 step %while3A_245 iter_args(%while3A_310 = %while3A_244) -> (i32)  : i32 {
        %mul3A_311 = arith.constant 16 : i32
        %mul3A_312 = arith.muli %while3A_309, %mul3A_311 : i32
        %get3A = arith.index_cast %mul3A_312 : i32 to index
        %get3A_313 = tpu.vector_load %arg7[%get3A] {strides = array<i32>} : memref<8208xi32, #tpu.memory_space<vmem>>, vector<16xi32>,
        %mul3A_314 = arith.constant 16 : i32
        %mul3A_315 = arith.muli %while3A_309, %mul3A_314 : i32
        %add3A_316 = vector.broadcast %mul3A_315 : i32 to vector<16xi32>
        %add3A_317 = arith.addi %add3A_316, %iota3A : vector<16xi32>
        %lt3A_318 = arith.cmpi slt, %add3A_317, %broadcast_in_dim3A_172 : vector<16xi32>
        %and3A_319 = arith.constant 32767 : i32
        %and3A_320 = vector.broadcast %and3A_319 : i32 to vector<16xi32>
        %and3A_321 = arith.andi %get3A_313, %and3A_320 : vector<16xi32>
        %shift_right_arithmetic3A_322 = arith.constant 8 : i32
        %shift_right_arithmetic3A_323 = vector.broadcast %shift_right_arithmetic3A_322 : i32 to vector<16xi32>
        %shift_right_arithmetic3A_324 = arith.shrsi %and3A_321, %shift_right_arithmetic3A_323 : vector<16xi32>
        %eq3A_325 = arith.cmpi eq, %shift_right_arithmetic3A_324, %broadcast_in_dim3A_233 : vector<16xi32>
        %and3A_326 = arith.andi %eq3A_325, %lt3A_318 : vector<16xi1>
        %while3A_327:2 = scf.while (%while3A_328 = %and3A_326, %while3A_329 = %while3A_310) : (vector<16xi1>, i32) -> (vector<16xi1>, i32) {
          %reduce_or3A = arith.constant 1.000000e+00 : f32
          %reduce_or3A_330 = arith.constant 0.000000e+00 : f32
          %reduce_or3A_331 = vector.broadcast %reduce_or3A : f32 to vector<16xf32>
          %reduce_or3A_332 = vector.broadcast %reduce_or3A_330 : f32 to vector<16xf32>
          %reduce_or3A_333 = arith.select %while3A_328, %reduce_or3A_331, %reduce_or3A_332 : vector<16xi1>, vector<16xf32>
          %reduce_or3A_334 = arith.constant true
          %reduce_or3A_335 = vector.broadcast %reduce_or3A_334 : i1 to vector<16xi1>
          %reduce_or3A_336 = tpu.scan <max>, %reduce_or3A_333 masked %reduce_or3A_335 : vector<16xf32>, vector<16xi1> -> vector<16xf32>
          %reduce_or3A_337 = vector.extract %reduce_or3A_336[15] : f32 from vector<16xf32>
          %reduce_or3A_338 = arith.constant 0.000000e+00 : f32
          %reduce_or3A_339 = arith.cmpf ogt, %reduce_or3A_337, %reduce_or3A_338 : f32
          scf.condition(%reduce_or3A_339) %while3A_328, %while3A_329 : vector<16xi1>, i32
        } do {
        ^bb0(%while3A_328: vector<16xi1>, %while3A_329: i32):
          %all_reduce_ffs3A = tpu.all_reduce %while3A_328 {dim = 0 : i64, kind = #tpu.reduction_kind<find_first_set>} : vector<16xi1> -> vector<16xi32>
          %lt3A_330 = arith.constant 0 : i32
          %lt3A_331 = vector.broadcast %lt3A_330 : i32 to vector<16xi32>
          %lt3A_332 = arith.cmpi slt, %all_reduce_ffs3A, %lt3A_331 : vector<16xi32>
          %add3A_333 = arith.constant 16 : i32
          %add3A_334 = vector.broadcast %add3A_333 : i32 to vector<16xi32>
          %add3A_335 = arith.addi %all_reduce_ffs3A, %add3A_334 : vector<16xi32>
          %select_n3A_336 = arith.select %lt3A_332, %add3A_335, %all_reduce_ffs3A : vector<16xi1>, vector<16xi32>
          %reshape3A = vector.shape_cast %select_n3A_336 : vector<16xi32> to vector<16x1xi32>
          %gather3A = vector.shape_cast %reshape3A : vector<16x1xi32> to vector<16xi32>
          %gather3A_337 = tpu.dynamic_gather %get3A_313[%gather3A] in [0] : vector<16xi32>, vector<16xi32> -> vector<16xi32>
          %and3A_338 = arith.constant 32767 : i32
          %and3A_339 = vector.broadcast %and3A_338 : i32 to vector<16xi32>
          %and3A_340 = arith.andi %gather3A_337, %and3A_339 : vector<16xi32>
          %shift_right_arithmetic3A_341 = arith.constant 15 : i32
          %shift_right_arithmetic3A_342 = vector.broadcast %shift_right_arithmetic3A_341 : i32 to vector<16xi32>
          %shift_right_arithmetic3A_343 = arith.shrsi %gather3A_337, %shift_right_arithmetic3A_342 : vector<16xi32>
          %add3A_344 = arith.constant 0 : i32
          %add3A_345 = vector.broadcast %add3A_344 : i32 to vector<16xi32>
          %add3A_346 = arith.addi %add3A_345, %iota3A : vector<16xi32>
          %shift_right_arithmetic3A_347 = arith.constant 3 : i32
          %shift_right_arithmetic3A_348 = vector.broadcast %shift_right_arithmetic3A_347 : i32 to vector<16xi32>
          %shift_right_arithmetic3A_349 = arith.shrsi %add3A_346, %shift_right_arithmetic3A_348 : vector<16xi32>
          %and3A_350 = arith.constant 7 : i32
          %and3A_351 = vector.broadcast %and3A_350 : i32 to vector<16xi32>
          %and3A_352 = arith.andi %add3A_346, %and3A_351 : vector<16xi32>
          %and3A_353 = arith.constant 255 : i32
          %and3A_354 = vector.broadcast %and3A_353 : i32 to vector<16xi32>
          %and3A_355 = arith.andi %and3A_340, %and3A_354 : vector<16xi32>
          %gather3A_356 = tpu.vector_load_idx %arg8[%broadcast_in_dim3A_235, %shift_right_arithmetic3A_349, %and3A_352, %and3A_355] : memref<3x8x8x256xf32, #tpu.memory_space<vmem>>[vector<16xi32>, vector<16xi32>, vector<16xi32>, vector<16xi32>], vector<16xf32>,
          %mul3A_357 = arith.constant 8.000000e+00 : f32
          %mul3A_358 = vector.broadcast %mul3A_357 : f32 to vector<16xf32>
          %mul3A_359 = arith.mulf %gather3A_356, %mul3A_358 : vector<16xf32>
          %swap3A_360 = arith.index_cast %while3A_329 : i32 to index
          %swap3A_361 = arith.constant 0 : index
          %swap3A_362 = tpu.vector_load %arg9[%swap3A_360, %swap3A_361] {strides = array<i32>} : memref<256x128xf32, #tpu.memory_space<vmem>>, vector<16xf32>,
          tpu.vector_store %arg9[%swap3A_360, %swap3A_361], %mul3A_359 {strides = array<i32>} : memref<256x128xf32, #tpu.memory_space<vmem>>, vector<16xf32>,
          %add3A_363 = arith.constant 16 : i32
          %add3A_364 = vector.broadcast %add3A_363 : i32 to vector<16xi32>
          %add3A_365 = arith.addi %add3A_364, %iota3A : vector<16xi32>
          %shift_right_arithmetic3A_366 = arith.constant 3 : i32
          %shift_right_arithmetic3A_367 = vector.broadcast %shift_right_arithmetic3A_366 : i32 to vector<16xi32>
          %shift_right_arithmetic3A_368 = arith.shrsi %add3A_365, %shift_right_arithmetic3A_367 : vector<16xi32>
          %and3A_369 = arith.constant 7 : i32
          %and3A_370 = vector.broadcast %and3A_369 : i32 to vector<16xi32>
          %and3A_371 = arith.andi %add3A_365, %and3A_370 : vector<16xi32>
          %and3A_372 = arith.constant 255 : i32
          %and3A_373 = vector.broadcast %and3A_372 : i32 to vector<16xi32>
          %and3A_374 = arith.andi %and3A_340, %and3A_373 : vector<16xi32>
          %gather3A_375 = tpu.vector_load_idx %arg8[%broadcast_in_dim3A_235, %shift_right_arithmetic3A_368, %and3A_371, %and3A_374] : memref<3x8x8x256xf32, #tpu.memory_space<vmem>>[vector<16xi32>, vector<16xi32>, vector<16xi32>, vector<16xi32>], vector<16xf32>,
          %mul3A_376 = arith.constant 8.000000e+00 : f32
          %mul3A_377 = vector.broadcast %mul3A_376 : f32 to vector<16xf32>
          %mul3A_378 = arith.mulf %gather3A_375, %mul3A_377 : vector<16xf32>
          %swap3A_379 = arith.index_cast %while3A_329 : i32 to index
          %swap3A_380 = arith.constant 16 : index
          %swap3A_381 = tpu.vector_load %arg9[%swap3A_379, %swap3A_380] {strides = array<i32>} : memref<256x128xf32, #tpu.memory_space<vmem>>, vector<16xf32>,
          tpu.vector_store %arg9[%swap3A_379, %swap3A_380], %mul3A_378 {strides = array<i32>} : memref<256x128xf32, #tpu.memory_space<vmem>>, vector<16xf32>,
          %add3A_382 = arith.constant 32 : i32
          %add3A_383 = vector.broadcast %add3A_382 : i32 to vector<16xi32>
          %add3A_384 = arith.addi %add3A_383, %iota3A : vector<16xi32>
          %shift_right_arithmetic3A_385 = arith.constant 3 : i32
          %shift_right_arithmetic3A_386 = vector.broadcast %shift_right_arithmetic3A_385 : i32 to vector<16xi32>
          %shift_right_arithmetic3A_387 = arith.shrsi %add3A_384, %shift_right_arithmetic3A_386 : vector<16xi32>
          %and3A_388 = arith.constant 7 : i32
          %and3A_389 = vector.broadcast %and3A_388 : i32 to vector<16xi32>
          %and3A_390 = arith.andi %add3A_384, %and3A_389 : vector<16xi32>
          %and3A_391 = arith.constant 255 : i32
          %and3A_392 = vector.broadcast %and3A_391 : i32 to vector<16xi32>
          %and3A_393 = arith.andi %and3A_340, %and3A_392 : vector<16xi32>
          %gather3A_394 = tpu.vector_load_idx %arg8[%broadcast_in_dim3A_235, %shift_right_arithmetic3A_387, %and3A_390, %and3A_393] : memref<3x8x8x256xf32, #tpu.memory_space<vmem>>[vector<16xi32>, vector<16xi32>, vector<16xi32>, vector<16xi32>], vector<16xf32>,
          %mul3A_395 = arith.constant 8.000000e+00 : f32
          %mul3A_396 = vector.broadcast %mul3A_395 : f32 to vector<16xf32>
          %mul3A_397 = arith.mulf %gather3A_394, %mul3A_396 : vector<16xf32>
          %swap3A_398 = arith.index_cast %while3A_329 : i32 to index
          %swap3A_399 = arith.constant 32 : index
          %swap3A_400 = tpu.vector_load %arg9[%swap3A_398, %swap3A_399] {strides = array<i32>} : memref<256x128xf32, #tpu.memory_space<vmem>>, vector<16xf32>,
          tpu.vector_store %arg9[%swap3A_398, %swap3A_399], %mul3A_397 {strides = array<i32>} : memref<256x128xf32, #tpu.memory_space<vmem>>, vector<16xf32>,
          %add3A_401 = arith.constant 48 : i32
          %add3A_402 = vector.broadcast %add3A_401 : i32 to vector<16xi32>
          %add3A_403 = arith.addi %add3A_402, %iota3A : vector<16xi32>
          %shift_right_arithmetic3A_404 = arith.constant 3 : i32
          %shift_right_arithmetic3A_405 = vector.broadcast %shift_right_arithmetic3A_404 : i32 to vector<16xi32>
          %shift_right_arithmetic3A_406 = arith.shrsi %add3A_403, %shift_right_arithmetic3A_405 : vector<16xi32>
          %and3A_407 = arith.constant 7 : i32
          %and3A_408 = vector.broadcast %and3A_407 : i32 to vector<16xi32>
          %and3A_409 = arith.andi %add3A_403, %and3A_408 : vector<16xi32>
          %and3A_410 = arith.constant 255 : i32
          %and3A_411 = vector.broadcast %and3A_410 : i32 to vector<16xi32>
          %and3A_412 = arith.andi %and3A_340, %and3A_411 : vector<16xi32>
          %gather3A_413 = tpu.vector_load_idx %arg8[%broadcast_in_dim3A_235, %shift_right_arithmetic3A_406, %and3A_409, %and3A_412] : memref<3x8x8x256xf32, #tpu.memory_space<vmem>>[vector<16xi32>, vector<16xi32>, vector<16xi32>, vector<16xi32>], vector<16xf32>,
          %mul3A_414 = arith.constant 8.000000e+00 : f32
          %mul3A_415 = vector.broadcast %mul3A_414 : f32 to vector<16xf32>
          %mul3A_416 = arith.mulf %gather3A_413, %mul3A_415 : vector<16xf32>
          %swap3A_417 = arith.index_cast %while3A_329 : i32 to index
          %swap3A_418 = arith.constant 48 : index
          %swap3A_419 = tpu.vector_load %arg9[%swap3A_417, %swap3A_418] {strides = array<i32>} : memref<256x128xf32, #tpu.memory_space<vmem>>, vector<16xf32>,
          tpu.vector_store %arg9[%swap3A_417, %swap3A_418], %mul3A_416 {strides = array<i32>} : memref<256x128xf32, #tpu.memory_space<vmem>>, vector<16xf32>,
          %shift_right_arithmetic3A_420 = arith.constant 7 : i32
          %shift_right_arithmetic3A_421 = arith.shrsi %while3A_329, %shift_right_arithmetic3A_420 : i32
          %broadcast_in_dim3A_422 = vector.broadcast %shift_right_arithmetic3A_421 : i32 to vector<16xi32>
          %and3A_423 = arith.constant 127 : i32
          %and3A_424 = arith.andi %while3A_329, %and3A_423 : i32
          %broadcast_in_dim3A_425 = vector.broadcast %and3A_424 : i32 to vector<16xi32>
          %lt3A_426 = arith.constant 1 : i32
          %lt3A_427 = vector.broadcast %lt3A_426 : i32 to vector<16xi32>
          %lt3A_428 = arith.cmpi slt, %iota3A, %lt3A_427 : vector<16xi32>
          tpu.vector_store_idx %arg10[%broadcast_in_dim3A_422, %broadcast_in_dim3A_425], %shift_right_arithmetic3A_343 masked %lt3A_428 : memref<2x128xi32, #tpu.memory_space<vmem>>[vector<16xi32>, vector<16xi32>], vector<16xi32>, vector<16xi1>
          %ne3A_429 = arith.cmpi ne, %iota3A, %all_reduce_ffs3A : vector<16xi32>
          %and3A_430 = arith.andi %while3A_328, %ne3A_429 : vector<16xi1>
          %shift_right_arithmetic3A_431 = arith.constant 7 : i32
          %shift_right_arithmetic3A_432 = arith.shrsi %while3A_329, %shift_right_arithmetic3A_431 : i32
          %and3A_433 = arith.constant 127 : i32
          %and3A_434 = arith.andi %while3A_329, %and3A_433 : i32
          %eq3A_435 = arith.constant 127 : i32
          %eq3A_436 = arith.cmpi eq, %and3A_434, %eq3A_435 : i32
          %convert_element_type3A_437 = arith.extui %eq3A_436 : i1 to i32
          %cond3A_438 = arith.constant 0 : i32
          %cond3A_439 = arith.constant 0 : i32
          %cond3A_440 = arith.cmpi ne, %convert_element_type3A_437, %cond3A_439 : i32
          %cond3A_441 = scf.if %cond3A_440 -> (i32) {
            %mul3A_446 = arith.constant 128 : i32
            %mul3A_447 = arith.muli %shift_right_arithmetic3A_432, %mul3A_446 : i32
            %multiple_of3A_448 = tpu.assume_multiple %mul3A_447, 128 : i32
            %dma_start3A_449 = arith.constant 0 : i32
            %dma_start3A_450 = tpu.memref_slice %arg9[%multiple_of3A_448, %dma_start3A_449] : memref<256x128xf32, #tpu.memory_space<vmem>> -> memref<128x128xf32, #tpu.memory_space<vmem>>
            %dma_start3A_451 = arith.constant 0 : i32
            %dma_start3A_452 = tpu.memref_slice %arg10[%shift_right_arithmetic3A_432, %dma_start3A_451] : memref<2x128xi32, #tpu.memory_space<vmem>> -> memref<1x128xi32, #tpu.memory_space<vmem>>
            %dma_start3A_453 = tpu.memref_squeeze %dma_start3A_452 : memref<1x128xi32, #tpu.memory_space<vmem>> -> memref<128xi32, #tpu.memory_space<vmem>>
            %dma_start3A_454 = arith.constant 0 : i32
            %dma_start3A_455 = arith.constant 0 : i32
            %dma_start3A_456 = tpu.memref_slice %arg5[%dma_start3A_454, %dma_start3A_455] : memref<8200x128xf32, #tpu.memory_space<hbm>> -> memref<8200x128xf32, #tpu.memory_space<hbm>>
            tpu.enqueue_indirect_dma source(%dma_start3A_450 : memref<128x128xf32, #tpu.memory_space<vmem>>) target(%dma_start3A_456 : memref<8200x128xf32, #tpu.memory_space<hbm>>) offsets(%dma_start3A_453 : memref<128xi32, #tpu.memory_space<vmem>>) semaphore(%arg15 : memref<!tpu.dma_semaphore, #tpu.memory_space<semaphore_mem>>)
            %dma_wait3A_457 = arith.constant 0 : i32
            %dma_wait3A_458 = tpu.memref_slice %arg9[%multiple_of3A_448, %dma_wait3A_457] : memref<256x128xf32, #tpu.memory_space<vmem>> -> memref<128x128xf32, #tpu.memory_space<vmem>>
            %dma_wait3A_459 = arith.constant 0 : i32
            %dma_wait3A_460 = tpu.memref_slice %arg10[%shift_right_arithmetic3A_432, %dma_wait3A_459] : memref<2x128xi32, #tpu.memory_space<vmem>> -> memref<1x128xi32, #tpu.memory_space<vmem>>
            %dma_wait3A_461 = tpu.memref_squeeze %dma_wait3A_460 : memref<1x128xi32, #tpu.memory_space<vmem>> -> memref<128xi32, #tpu.memory_space<vmem>>
            %dma_wait3A_462 = arith.constant 0 : i32
            %dma_wait3A_463 = arith.constant 0 : i32
            %dma_wait3A_464 = tpu.memref_slice %arg5[%dma_wait3A_462, %dma_wait3A_463] : memref<8200x128xf32, #tpu.memory_space<hbm>> -> memref<8200x128xf32, #tpu.memory_space<hbm>>
            tpu.wait_indirect_dma semaphore(%arg15 : memref<!tpu.dma_semaphore, #tpu.memory_space<semaphore_mem>>) src(%dma_wait3A_458 : memref<128x128xf32, #tpu.memory_space<vmem>>) dst(%dma_wait3A_464 : memref<8200x128xf32, #tpu.memory_space<hbm>>)
            %broadcast_in_dim3A_465 = vector.broadcast %shift_right_arithmetic3A_432 : i32 to vector<16xi32>
            %add3A_466 = arith.constant 0 : i32
            %add3A_467 = vector.broadcast %add3A_466 : i32 to vector<16xi32>
            %add3A_468 = arith.addi %add3A_467, %iota3A : vector<16xi32>
            %broadcast_in_dim3A_469 = arith.constant 8192 : i32
            %broadcast_in_dim3A_470 = vector.broadcast %broadcast_in_dim3A_469 : i32 to vector<16xi32>
            %ge3A = arith.constant 0 : i32
            %ge3A_471 = vector.broadcast %ge3A : i32 to vector<16xi32>
            %ge3A_472 = arith.cmpi sge, %iota3A, %ge3A_471 : vector<16xi32>
            tpu.vector_store_idx %arg10[%broadcast_in_dim3A_465, %add3A_468], %broadcast_in_dim3A_470 masked %ge3A_472 : memref<2x128xi32, #tpu.memory_space<vmem>>[vector<16xi32>, vector<16xi32>], vector<16xi32>, vector<16xi1>
            %broadcast_in_dim3A_473 = vector.broadcast %shift_right_arithmetic3A_432 : i32 to vector<16xi32>
            %add3A_474 = arith.constant 16 : i32
            %add3A_475 = vector.broadcast %add3A_474 : i32 to vector<16xi32>
            %add3A_476 = arith.addi %add3A_475, %iota3A : vector<16xi32>
            %broadcast_in_dim3A_477 = arith.constant 8192 : i32
            %broadcast_in_dim3A_478 = vector.broadcast %broadcast_in_dim3A_477 : i32 to vector<16xi32>
            %ge3A_479 = arith.constant 0 : i32
            %ge3A_480 = vector.broadcast %ge3A_479 : i32 to vector<16xi32>
            %ge3A_481 = arith.cmpi sge, %iota3A, %ge3A_480 : vector<16xi32>
            tpu.vector_store_idx %arg10[%broadcast_in_dim3A_473, %add3A_476], %broadcast_in_dim3A_478 masked %ge3A_481 : memref<2x128xi32, #tpu.memory_space<vmem>>[vector<16xi32>, vector<16xi32>], vector<16xi32>, vector<16xi1>
            %broadcast_in_dim3A_482 = vector.broadcast %shift_right_arithmetic3A_432 : i32 to vector<16xi32>
            %add3A_483 = arith.constant 32 : i32
            %add3A_484 = vector.broadcast %add3A_483 : i32 to vector<16xi32>
            %add3A_485 = arith.addi %add3A_484, %iota3A : vector<16xi32>
            %broadcast_in_dim3A_486 = arith.constant 8192 : i32
            %broadcast_in_dim3A_487 = vector.broadcast %broadcast_in_dim3A_486 : i32 to vector<16xi32>
            %ge3A_488 = arith.constant 0 : i32
            %ge3A_489 = vector.broadcast %ge3A_488 : i32 to vector<16xi32>
            %ge3A_490 = arith.cmpi sge, %iota3A, %ge3A_489 : vector<16xi32>
            tpu.vector_store_idx %arg10[%broadcast_in_dim3A_482, %add3A_485], %broadcast_in_dim3A_487 masked %ge3A_490 : memref<2x128xi32, #tpu.memory_space<vmem>>[vector<16xi32>, vector<16xi32>], vector<16xi32>, vector<16xi1>
            %broadcast_in_dim3A_491 = vector.broadcast %shift_right_arithmetic3A_432 : i32 to vector<16xi32>
            %add3A_492 = arith.constant 48 : i32
            %add3A_493 = vector.broadcast %add3A_492 : i32 to vector<16xi32>
            %add3A_494 = arith.addi %add3A_493, %iota3A : vector<16xi32>
            %broadcast_in_dim3A_495 = arith.constant 8192 : i32
            %broadcast_in_dim3A_496 = vector.broadcast %broadcast_in_dim3A_495 : i32 to vector<16xi32>
            %ge3A_497 = arith.constant 0 : i32
            %ge3A_498 = vector.broadcast %ge3A_497 : i32 to vector<16xi32>
            %ge3A_499 = arith.cmpi sge, %iota3A, %ge3A_498 : vector<16xi32>
            tpu.vector_store_idx %arg10[%broadcast_in_dim3A_491, %add3A_494], %broadcast_in_dim3A_496 masked %ge3A_499 : memref<2x128xi32, #tpu.memory_space<vmem>>[vector<16xi32>, vector<16xi32>], vector<16xi32>, vector<16xi1>
            %broadcast_in_dim3A_500 = vector.broadcast %shift_right_arithmetic3A_432 : i32 to vector<16xi32>
            %add3A_501 = arith.constant 64 : i32
            %add3A_502 = vector.broadcast %add3A_501 : i32 to vector<16xi32>
            %add3A_503 = arith.addi %add3A_502, %iota3A : vector<16xi32>
            %broadcast_in_dim3A_504 = arith.constant 8192 : i32
            %broadcast_in_dim3A_505 = vector.broadcast %broadcast_in_dim3A_504 : i32 to vector<16xi32>
            %ge3A_506 = arith.constant 0 : i32
            %ge3A_507 = vector.broadcast %ge3A_506 : i32 to vector<16xi32>
            %ge3A_508 = arith.cmpi sge, %iota3A, %ge3A_507 : vector<16xi32>
            tpu.vector_store_idx %arg10[%broadcast_in_dim3A_500, %add3A_503], %broadcast_in_dim3A_505 masked %ge3A_508 : memref<2x128xi32, #tpu.memory_space<vmem>>[vector<16xi32>, vector<16xi32>], vector<16xi32>, vector<16xi1>
            %broadcast_in_dim3A_509 = vector.broadcast %shift_right_arithmetic3A_432 : i32 to vector<16xi32>
            %add3A_510 = arith.constant 80 : i32
            %add3A_511 = vector.broadcast %add3A_510 : i32 to vector<16xi32>
            %add3A_512 = arith.addi %add3A_511, %iota3A : vector<16xi32>
            %broadcast_in_dim3A_513 = arith.constant 8192 : i32
            %broadcast_in_dim3A_514 = vector.broadcast %broadcast_in_dim3A_513 : i32 to vector<16xi32>
            %ge3A_515 = arith.constant 0 : i32
            %ge3A_516 = vector.broadcast %ge3A_515 : i32 to vector<16xi32>
            %ge3A_517 = arith.cmpi sge, %iota3A, %ge3A_516 : vector<16xi32>
            tpu.vector_store_idx %arg10[%broadcast_in_dim3A_509, %add3A_512], %broadcast_in_dim3A_514 masked %ge3A_517 : memref<2x128xi32, #tpu.memory_space<vmem>>[vector<16xi32>, vector<16xi32>], vector<16xi32>, vector<16xi1>
            %broadcast_in_dim3A_518 = vector.broadcast %shift_right_arithmetic3A_432 : i32 to vector<16xi32>
            %add3A_519 = arith.constant 96 : i32
            %add3A_520 = vector.broadcast %add3A_519 : i32 to vector<16xi32>
            %add3A_521 = arith.addi %add3A_520, %iota3A : vector<16xi32>
            %broadcast_in_dim3A_522 = arith.constant 8192 : i32
            %broadcast_in_dim3A_523 = vector.broadcast %broadcast_in_dim3A_522 : i32 to vector<16xi32>
            %ge3A_524 = arith.constant 0 : i32
            %ge3A_525 = vector.broadcast %ge3A_524 : i32 to vector<16xi32>
            %ge3A_526 = arith.cmpi sge, %iota3A, %ge3A_525 : vector<16xi32>
            tpu.vector_store_idx %arg10[%broadcast_in_dim3A_518, %add3A_521], %broadcast_in_dim3A_523 masked %ge3A_526 : memref<2x128xi32, #tpu.memory_space<vmem>>[vector<16xi32>, vector<16xi32>], vector<16xi32>, vector<16xi1>
            %broadcast_in_dim3A_527 = vector.broadcast %shift_right_arithmetic3A_432 : i32 to vector<16xi32>
            %add3A_528 = arith.constant 112 : i32
            %add3A_529 = vector.broadcast %add3A_528 : i32 to vector<16xi32>
            %add3A_530 = arith.addi %add3A_529, %iota3A : vector<16xi32>
            %broadcast_in_dim3A_531 = arith.constant 8192 : i32
            %broadcast_in_dim3A_532 = vector.broadcast %broadcast_in_dim3A_531 : i32 to vector<16xi32>
            %ge3A_533 = arith.constant 0 : i32
            %ge3A_534 = vector.broadcast %ge3A_533 : i32 to vector<16xi32>
            %ge3A_535 = arith.cmpi sge, %iota3A, %ge3A_534 : vector<16xi32>
            tpu.vector_store_idx %arg10[%broadcast_in_dim3A_527, %add3A_530], %broadcast_in_dim3A_532 masked %ge3A_535 : memref<2x128xi32, #tpu.memory_space<vmem>>[vector<16xi32>, vector<16xi32>], vector<16xi32>, vector<16xi1>
            %cond3A_536 = arith.constant 0 : i32
            scf.yield %cond3A_536 : i32
          } else {
            %cond3A_446 = arith.constant 0 : i32
            scf.yield %cond3A_446 : i32
          }
          %add3A_442 = arith.constant 1 : i32
          %add3A_443 = arith.addi %while3A_329, %add3A_442 : i32
          %and3A_444 = arith.constant 255 : i32
          %and3A_445 = arith.andi %add3A_443, %and3A_444 : i32
          scf.yield %and3A_430, %and3A_445 : vector<16xi1>, i32
        }
        scf.yield %while3A_327#1 : i32
      }
      %mul3A_247 = arith.constant 3 : i32
      %mul3A_248 = arith.muli %scan3A_216, %mul3A_247 : i32
      %add3A_249 = arith.constant 1 : i32
      %add3A_250 = arith.addi %mul3A_248, %add3A_249 : i32
      %lt3A_251 = arith.cmpi slt, %add3A_250, %select_n3A : i32
      %convert_element_type3A_252 = arith.extui %lt3A_251 : i1 to i32
      %cond3A_253 = arith.constant 0 : i32
      %cond3A_254 = arith.cmpi ne, %convert_element_type3A_252, %cond3A_253 : i32
      scf.if %cond3A_254 {
        %mul3A_309 = arith.constant 2 : i32
        %mul3A_310 = arith.muli %add3A_250, %mul3A_309 : i32
        %add3A_311 = arith.addi %mul3A_2, %mul3A_310 : i32
        %mul3A_312 = arith.constant 128 : i32
        %mul3A_313 = arith.muli %add3A_311, %mul3A_312 : i32
        %multiple_of3A_314 = tpu.assume_multiple %mul3A_313, 128 : i32
        %dma_wait3A_315 = arith.constant 1 : i32
        %dma_wait3A_316 = arith.constant 0 : i32
        %dma_wait3A_317 = arith.constant 0 : i32
        %dma_wait3A_318 = arith.constant 0 : i32
        %dma_wait3A_319 = tpu.memref_slice %arg8[%dma_wait3A_315, %dma_wait3A_316, %dma_wait3A_317, %dma_wait3A_318] : memref<3x8x8x256xf32, #tpu.memory_space<vmem>> -> memref<1x8x8x256xf32, #tpu.memory_space<vmem>>
        %dma_wait3A_320 = tpu.memref_squeeze %dma_wait3A_319 : memref<1x8x8x256xf32, #tpu.memory_space<vmem>> -> memref<8x8x256xf32, #tpu.memory_space<vmem>>
        %dma_wait3A_321 = arith.constant 0 : i32
        %dma_wait3A_322 = arith.constant 0 : i32
        %dma_wait3A_323 = tpu.memref_slice %arg3[%dma_wait3A_321, %dma_wait3A_322, %multiple_of3A_314] : memref<8x8x1000000xf32, #tpu.memory_space<hbm>> -> memref<8x8x256xf32, #tpu.memory_space<hbm>>
        %dma_wait3A_324 = arith.constant 0 : i32
        %dma_wait3A_325 = arith.constant 0 : i32
        %dma_wait3A_326 = arith.constant 0 : i32
        %dma_wait3A_327 = tpu.memref_slice %arg8[%dma_wait3A_315, %dma_wait3A_324, %dma_wait3A_325, %dma_wait3A_326] : memref<3x8x8x256xf32, #tpu.memory_space<vmem>> -> memref<1x8x8x256xf32, #tpu.memory_space<vmem>>
        %dma_wait3A_328 = tpu.memref_squeeze %dma_wait3A_327 : memref<1x8x8x256xf32, #tpu.memory_space<vmem>> -> memref<8x8x256xf32, #tpu.memory_space<vmem>>
        %dma_wait3A_329 = arith.constant 0 : i32
        %dma_wait3A_330 = arith.constant 0 : i32
        %dma_wait3A_331 = tpu.memref_slice %arg3[%dma_wait3A_329, %dma_wait3A_330, %multiple_of3A_314] : memref<8x8x1000000xf32, #tpu.memory_space<hbm>> -> memref<8x8x256xf32, #tpu.memory_space<hbm>>
        tpu.wait_dma2 semaphore(%arg13 : memref<!tpu.dma_semaphore, #tpu.memory_space<semaphore_mem>>) src(%dma_wait3A_331 : memref<8x8x256xf32, #tpu.memory_space<hbm>>) dst(%dma_wait3A_328 : memref<8x8x256xf32, #tpu.memory_space<vmem>>)
      } else {
      }
      %add3A_255 = arith.constant 2 : i32
      %add3A_256 = arith.addi %add3A_250, %add3A_255 : i32
      %lt3A_257 = arith.cmpi slt, %add3A_256, %select_n3A : i32
      %convert_element_type3A_258 = arith.extui %lt3A_257 : i1 to i32
      %cond3A_259 = arith.constant 0 : i32
      %cond3A_260 = arith.cmpi ne, %convert_element_type3A_258, %cond3A_259 : i32
      scf.if %cond3A_260 {
        %add3A_309 = arith.constant 2 : i32
        %add3A_310 = arith.addi %add3A_250, %add3A_309 : i32
        %mul3A_311 = arith.constant 2 : i32
        %mul3A_312 = arith.muli %add3A_310, %mul3A_311 : i32
        %add3A_313 = arith.addi %mul3A_2, %mul3A_312 : i32
        %mul3A_314 = arith.constant 128 : i32
        %mul3A_315 = arith.muli %add3A_313, %mul3A_314 : i32
        %multiple_of3A_316 = tpu.assume_multiple %mul3A_315, 128 : i32
        %dma_start3A_317 = arith.constant 0 : i32
        %dma_start3A_318 = arith.constant 0 : i32
        %dma_start3A_319 = arith.constant 0 : i32
        %dma_start3A_320 = arith.constant 0 : i32
        %dma_start3A_321 = tpu.memref_slice %arg8[%dma_start3A_317, %dma_start3A_318, %dma_start3A_319, %dma_start3A_320] : memref<3x8x8x256xf32, #tpu.memory_space<vmem>> -> memref<1x8x8x256xf32, #tpu.memory_space<vmem>>
        %dma_start3A_322 = tpu.memref_squeeze %dma_start3A_321 : memref<1x8x8x256xf32, #tpu.memory_space<vmem>> -> memref<8x8x256xf32, #tpu.memory_space<vmem>>
        %dma_start3A_323 = arith.constant 0 : i32
        %dma_start3A_324 = arith.constant 0 : i32
        %dma_start3A_325 = tpu.memref_slice %arg3[%dma_start3A_323, %dma_start3A_324, %multiple_of3A_316] : memref<8x8x1000000xf32, #tpu.memory_space<hbm>> -> memref<8x8x256xf32, #tpu.memory_space<hbm>>
        %dma_start3A_326 = arith.constant 0 : i32
        %dma_start3A_327 = arith.constant 0 : i32
        %dma_start3A_328 = arith.constant 0 : i32
        %dma_start3A_329 = tpu.memref_slice %arg8[%dma_start3A_317, %dma_start3A_326, %dma_start3A_327, %dma_start3A_328] : memref<3x8x8x256xf32, #tpu.memory_space<vmem>> -> memref<1x8x8x256xf32, #tpu.memory_space<vmem>>
        %dma_start3A_330 = tpu.memref_squeeze %dma_start3A_329 : memref<1x8x8x256xf32, #tpu.memory_space<vmem>> -> memref<8x8x256xf32, #tpu.memory_space<vmem>>
        %dma_start3A_331 = arith.constant 0 : i32
        %dma_start3A_332 = arith.constant 0 : i32
        %dma_start3A_333 = tpu.memref_slice %arg3[%dma_start3A_331, %dma_start3A_332, %multiple_of3A_316] : memref<8x8x1000000xf32, #tpu.memory_space<hbm>> -> memref<8x8x256xf32, #tpu.memory_space<hbm>>
        tpu.enqueue_dma source(%dma_start3A_333 : memref<8x8x256xf32, #tpu.memory_space<hbm>>) target(%dma_start3A_330 : memref<8x8x256xf32, #tpu.memory_space<vmem>>) target_semaphore(%arg12 : memref<!tpu.dma_semaphore, #tpu.memory_space<semaphore_mem>>)
      } else {
      }
      %lt3A_261 = arith.cmpi slt, %add3A_250, %select_n3A : i32
      %jit3A_262 = arith.constant -1 : i32
      %select_n3A_263 = arith.select %lt3A_261, %add3A_250, %jit3A_262 : i32
      %broadcast_in_dim3A_264 = vector.broadcast %select_n3A_263 : i32 to vector<16xi32>
      %broadcast_in_dim3A_265 = arith.constant 1 : i32
      %broadcast_in_dim3A_266 = vector.broadcast %broadcast_in_dim3A_265 : i32 to vector<16xi32>
      %while3A_267 = arith.constant 0 : i32
      %while3A_268 = arith.subi %shift_right_arithmetic3A_175, %while3A_267 : i32
      %while3A_269 = arith.addi %while3A_267, %while3A_268 : i32
      %while3A_270 = arith.constant 1 : i32
      %while3A_271 = arith.divsi %while3A_268, %while3A_270 : i32
      %while3A_272 = arith.muli %while3A_271, %while3A_270 : i32
      %while3A_273 = arith.addi %while3A_267, %while3A_272 : i32
      %while3A_274 = arith.constant 1 : i32
      %while3A_275 = scf.for %while3A_309 = %while3A_267 to %while3A_273 step %while3A_274 iter_args(%while3A_310 = %while3A_246) -> (i32)  : i32 {
        %mul3A_311 = arith.constant 16 : i32
        %mul3A_312 = arith.muli %while3A_309, %mul3A_311 : i32
        %get3A = arith.index_cast %mul3A_312 : i32 to index
        %get3A_313 = tpu.vector_load %arg7[%get3A] {strides = array<i32>} : memref<8208xi32, #tpu.memory_space<vmem>>, vector<16xi32>,
        %mul3A_314 = arith.constant 16 : i32
        %mul3A_315 = arith.muli %while3A_309, %mul3A_314 : i32
        %add3A_316 = vector.broadcast %mul3A_315 : i32 to vector<16xi32>
        %add3A_317 = arith.addi %add3A_316, %iota3A : vector<16xi32>
        %lt3A_318 = arith.cmpi slt, %add3A_317, %broadcast_in_dim3A_172 : vector<16xi32>
        %and3A_319 = arith.constant 32767 : i32
        %and3A_320 = vector.broadcast %and3A_319 : i32 to vector<16xi32>
        %and3A_321 = arith.andi %get3A_313, %and3A_320 : vector<16xi32>
        %shift_right_arithmetic3A_322 = arith.constant 8 : i32
        %shift_right_arithmetic3A_323 = vector.broadcast %shift_right_arithmetic3A_322 : i32 to vector<16xi32>
        %shift_right_arithmetic3A_324 = arith.shrsi %and3A_321, %shift_right_arithmetic3A_323 : vector<16xi32>
        %eq3A_325 = arith.cmpi eq, %shift_right_arithmetic3A_324, %broadcast_in_dim3A_264 : vector<16xi32>
        %and3A_326 = arith.andi %eq3A_325, %lt3A_318 : vector<16xi1>
        %while3A_327:2 = scf.while (%while3A_328 = %and3A_326, %while3A_329 = %while3A_310) : (vector<16xi1>, i32) -> (vector<16xi1>, i32) {
          %reduce_or3A = arith.constant 1.000000e+00 : f32
          %reduce_or3A_330 = arith.constant 0.000000e+00 : f32
          %reduce_or3A_331 = vector.broadcast %reduce_or3A : f32 to vector<16xf32>
          %reduce_or3A_332 = vector.broadcast %reduce_or3A_330 : f32 to vector<16xf32>
          %reduce_or3A_333 = arith.select %while3A_328, %reduce_or3A_331, %reduce_or3A_332 : vector<16xi1>, vector<16xf32>
          %reduce_or3A_334 = arith.constant true
          %reduce_or3A_335 = vector.broadcast %reduce_or3A_334 : i1 to vector<16xi1>
          %reduce_or3A_336 = tpu.scan <max>, %reduce_or3A_333 masked %reduce_or3A_335 : vector<16xf32>, vector<16xi1> -> vector<16xf32>
          %reduce_or3A_337 = vector.extract %reduce_or3A_336[15] : f32 from vector<16xf32>
          %reduce_or3A_338 = arith.constant 0.000000e+00 : f32
          %reduce_or3A_339 = arith.cmpf ogt, %reduce_or3A_337, %reduce_or3A_338 : f32
          scf.condition(%reduce_or3A_339) %while3A_328, %while3A_329 : vector<16xi1>, i32
        } do {
        ^bb0(%while3A_328: vector<16xi1>, %while3A_329: i32):
          %all_reduce_ffs3A = tpu.all_reduce %while3A_328 {dim = 0 : i64, kind = #tpu.reduction_kind<find_first_set>} : vector<16xi1> -> vector<16xi32>
          %lt3A_330 = arith.constant 0 : i32
          %lt3A_331 = vector.broadcast %lt3A_330 : i32 to vector<16xi32>
          %lt3A_332 = arith.cmpi slt, %all_reduce_ffs3A, %lt3A_331 : vector<16xi32>
          %add3A_333 = arith.constant 16 : i32
          %add3A_334 = vector.broadcast %add3A_333 : i32 to vector<16xi32>
          %add3A_335 = arith.addi %all_reduce_ffs3A, %add3A_334 : vector<16xi32>
          %select_n3A_336 = arith.select %lt3A_332, %add3A_335, %all_reduce_ffs3A : vector<16xi1>, vector<16xi32>
          %reshape3A = vector.shape_cast %select_n3A_336 : vector<16xi32> to vector<16x1xi32>
          %gather3A = vector.shape_cast %reshape3A : vector<16x1xi32> to vector<16xi32>
          %gather3A_337 = tpu.dynamic_gather %get3A_313[%gather3A] in [0] : vector<16xi32>, vector<16xi32> -> vector<16xi32>
          %and3A_338 = arith.constant 32767 : i32
          %and3A_339 = vector.broadcast %and3A_338 : i32 to vector<16xi32>
          %and3A_340 = arith.andi %gather3A_337, %and3A_339 : vector<16xi32>
          %shift_right_arithmetic3A_341 = arith.constant 15 : i32
          %shift_right_arithmetic3A_342 = vector.broadcast %shift_right_arithmetic3A_341 : i32 to vector<16xi32>
          %shift_right_arithmetic3A_343 = arith.shrsi %gather3A_337, %shift_right_arithmetic3A_342 : vector<16xi32>
          %add3A_344 = arith.constant 0 : i32
          %add3A_345 = vector.broadcast %add3A_344 : i32 to vector<16xi32>
          %add3A_346 = arith.addi %add3A_345, %iota3A : vector<16xi32>
          %shift_right_arithmetic3A_347 = arith.constant 3 : i32
          %shift_right_arithmetic3A_348 = vector.broadcast %shift_right_arithmetic3A_347 : i32 to vector<16xi32>
          %shift_right_arithmetic3A_349 = arith.shrsi %add3A_346, %shift_right_arithmetic3A_348 : vector<16xi32>
          %and3A_350 = arith.constant 7 : i32
          %and3A_351 = vector.broadcast %and3A_350 : i32 to vector<16xi32>
          %and3A_352 = arith.andi %add3A_346, %and3A_351 : vector<16xi32>
          %and3A_353 = arith.constant 255 : i32
          %and3A_354 = vector.broadcast %and3A_353 : i32 to vector<16xi32>
          %and3A_355 = arith.andi %and3A_340, %and3A_354 : vector<16xi32>
          %gather3A_356 = tpu.vector_load_idx %arg8[%broadcast_in_dim3A_266, %shift_right_arithmetic3A_349, %and3A_352, %and3A_355] : memref<3x8x8x256xf32, #tpu.memory_space<vmem>>[vector<16xi32>, vector<16xi32>, vector<16xi32>, vector<16xi32>], vector<16xf32>,
          %mul3A_357 = arith.constant 8.000000e+00 : f32
          %mul3A_358 = vector.broadcast %mul3A_357 : f32 to vector<16xf32>
          %mul3A_359 = arith.mulf %gather3A_356, %mul3A_358 : vector<16xf32>
          %swap3A_360 = arith.index_cast %while3A_329 : i32 to index
          %swap3A_361 = arith.constant 0 : index
          %swap3A_362 = tpu.vector_load %arg9[%swap3A_360, %swap3A_361] {strides = array<i32>} : memref<256x128xf32, #tpu.memory_space<vmem>>, vector<16xf32>,
          tpu.vector_store %arg9[%swap3A_360, %swap3A_361], %mul3A_359 {strides = array<i32>} : memref<256x128xf32, #tpu.memory_space<vmem>>, vector<16xf32>,
          %add3A_363 = arith.constant 16 : i32
          %add3A_364 = vector.broadcast %add3A_363 : i32 to vector<16xi32>
          %add3A_365 = arith.addi %add3A_364, %iota3A : vector<16xi32>
          %shift_right_arithmetic3A_366 = arith.constant 3 : i32
          %shift_right_arithmetic3A_367 = vector.broadcast %shift_right_arithmetic3A_366 : i32 to vector<16xi32>
          %shift_right_arithmetic3A_368 = arith.shrsi %add3A_365, %shift_right_arithmetic3A_367 : vector<16xi32>
          %and3A_369 = arith.constant 7 : i32
          %and3A_370 = vector.broadcast %and3A_369 : i32 to vector<16xi32>
          %and3A_371 = arith.andi %add3A_365, %and3A_370 : vector<16xi32>
          %and3A_372 = arith.constant 255 : i32
          %and3A_373 = vector.broadcast %and3A_372 : i32 to vector<16xi32>
          %and3A_374 = arith.andi %and3A_340, %and3A_373 : vector<16xi32>
          %gather3A_375 = tpu.vector_load_idx %arg8[%broadcast_in_dim3A_266, %shift_right_arithmetic3A_368, %and3A_371, %and3A_374] : memref<3x8x8x256xf32, #tpu.memory_space<vmem>>[vector<16xi32>, vector<16xi32>, vector<16xi32>, vector<16xi32>], vector<16xf32>,
          %mul3A_376 = arith.constant 8.000000e+00 : f32
          %mul3A_377 = vector.broadcast %mul3A_376 : f32 to vector<16xf32>
          %mul3A_378 = arith.mulf %gather3A_375, %mul3A_377 : vector<16xf32>
          %swap3A_379 = arith.index_cast %while3A_329 : i32 to index
          %swap3A_380 = arith.constant 16 : index
          %swap3A_381 = tpu.vector_load %arg9[%swap3A_379, %swap3A_380] {strides = array<i32>} : memref<256x128xf32, #tpu.memory_space<vmem>>, vector<16xf32>,
          tpu.vector_store %arg9[%swap3A_379, %swap3A_380], %mul3A_378 {strides = array<i32>} : memref<256x128xf32, #tpu.memory_space<vmem>>, vector<16xf32>,
          %add3A_382 = arith.constant 32 : i32
          %add3A_383 = vector.broadcast %add3A_382 : i32 to vector<16xi32>
          %add3A_384 = arith.addi %add3A_383, %iota3A : vector<16xi32>
          %shift_right_arithmetic3A_385 = arith.constant 3 : i32
          %shift_right_arithmetic3A_386 = vector.broadcast %shift_right_arithmetic3A_385 : i32 to vector<16xi32>
          %shift_right_arithmetic3A_387 = arith.shrsi %add3A_384, %shift_right_arithmetic3A_386 : vector<16xi32>
          %and3A_388 = arith.constant 7 : i32
          %and3A_389 = vector.broadcast %and3A_388 : i32 to vector<16xi32>
          %and3A_390 = arith.andi %add3A_384, %and3A_389 : vector<16xi32>
          %and3A_391 = arith.constant 255 : i32
          %and3A_392 = vector.broadcast %and3A_391 : i32 to vector<16xi32>
          %and3A_393 = arith.andi %and3A_340, %and3A_392 : vector<16xi32>
          %gather3A_394 = tpu.vector_load_idx %arg8[%broadcast_in_dim3A_266, %shift_right_arithmetic3A_387, %and3A_390, %and3A_393] : memref<3x8x8x256xf32, #tpu.memory_space<vmem>>[vector<16xi32>, vector<16xi32>, vector<16xi32>, vector<16xi32>], vector<16xf32>,
          %mul3A_395 = arith.constant 8.000000e+00 : f32
          %mul3A_396 = vector.broadcast %mul3A_395 : f32 to vector<16xf32>
          %mul3A_397 = arith.mulf %gather3A_394, %mul3A_396 : vector<16xf32>
          %swap3A_398 = arith.index_cast %while3A_329 : i32 to index
          %swap3A_399 = arith.constant 32 : index
          %swap3A_400 = tpu.vector_load %arg9[%swap3A_398, %swap3A_399] {strides = array<i32>} : memref<256x128xf32, #tpu.memory_space<vmem>>, vector<16xf32>,
          tpu.vector_store %arg9[%swap3A_398, %swap3A_399], %mul3A_397 {strides = array<i32>} : memref<256x128xf32, #tpu.memory_space<vmem>>, vector<16xf32>,
          %add3A_401 = arith.constant 48 : i32
          %add3A_402 = vector.broadcast %add3A_401 : i32 to vector<16xi32>
          %add3A_403 = arith.addi %add3A_402, %iota3A : vector<16xi32>
          %shift_right_arithmetic3A_404 = arith.constant 3 : i32
          %shift_right_arithmetic3A_405 = vector.broadcast %shift_right_arithmetic3A_404 : i32 to vector<16xi32>
          %shift_right_arithmetic3A_406 = arith.shrsi %add3A_403, %shift_right_arithmetic3A_405 : vector<16xi32>
          %and3A_407 = arith.constant 7 : i32
          %and3A_408 = vector.broadcast %and3A_407 : i32 to vector<16xi32>
          %and3A_409 = arith.andi %add3A_403, %and3A_408 : vector<16xi32>
          %and3A_410 = arith.constant 255 : i32
          %and3A_411 = vector.broadcast %and3A_410 : i32 to vector<16xi32>
          %and3A_412 = arith.andi %and3A_340, %and3A_411 : vector<16xi32>
          %gather3A_413 = tpu.vector_load_idx %arg8[%broadcast_in_dim3A_266, %shift_right_arithmetic3A_406, %and3A_409, %and3A_412] : memref<3x8x8x256xf32, #tpu.memory_space<vmem>>[vector<16xi32>, vector<16xi32>, vector<16xi32>, vector<16xi32>], vector<16xf32>,
          %mul3A_414 = arith.constant 8.000000e+00 : f32
          %mul3A_415 = vector.broadcast %mul3A_414 : f32 to vector<16xf32>
          %mul3A_416 = arith.mulf %gather3A_413, %mul3A_415 : vector<16xf32>
          %swap3A_417 = arith.index_cast %while3A_329 : i32 to index
          %swap3A_418 = arith.constant 48 : index
          %swap3A_419 = tpu.vector_load %arg9[%swap3A_417, %swap3A_418] {strides = array<i32>} : memref<256x128xf32, #tpu.memory_space<vmem>>, vector<16xf32>,
          tpu.vector_store %arg9[%swap3A_417, %swap3A_418], %mul3A_416 {strides = array<i32>} : memref<256x128xf32, #tpu.memory_space<vmem>>, vector<16xf32>,
          %shift_right_arithmetic3A_420 = arith.constant 7 : i32
          %shift_right_arithmetic3A_421 = arith.shrsi %while3A_329, %shift_right_arithmetic3A_420 : i32
          %broadcast_in_dim3A_422 = vector.broadcast %shift_right_arithmetic3A_421 : i32 to vector<16xi32>
          %and3A_423 = arith.constant 127 : i32
          %and3A_424 = arith.andi %while3A_329, %and3A_423 : i32
          %broadcast_in_dim3A_425 = vector.broadcast %and3A_424 : i32 to vector<16xi32>
          %lt3A_426 = arith.constant 1 : i32
          %lt3A_427 = vector.broadcast %lt3A_426 : i32 to vector<16xi32>
          %lt3A_428 = arith.cmpi slt, %iota3A, %lt3A_427 : vector<16xi32>
          tpu.vector_store_idx %arg10[%broadcast_in_dim3A_422, %broadcast_in_dim3A_425], %shift_right_arithmetic3A_343 masked %lt3A_428 : memref<2x128xi32, #tpu.memory_space<vmem>>[vector<16xi32>, vector<16xi32>], vector<16xi32>, vector<16xi1>
          %ne3A_429 = arith.cmpi ne, %iota3A, %all_reduce_ffs3A : vector<16xi32>
          %and3A_430 = arith.andi %while3A_328, %ne3A_429 : vector<16xi1>
          %shift_right_arithmetic3A_431 = arith.constant 7 : i32
          %shift_right_arithmetic3A_432 = arith.shrsi %while3A_329, %shift_right_arithmetic3A_431 : i32
          %and3A_433 = arith.constant 127 : i32
          %and3A_434 = arith.andi %while3A_329, %and3A_433 : i32
          %eq3A_435 = arith.constant 127 : i32
          %eq3A_436 = arith.cmpi eq, %and3A_434, %eq3A_435 : i32
          %convert_element_type3A_437 = arith.extui %eq3A_436 : i1 to i32
          %cond3A_438 = arith.constant 0 : i32
          %cond3A_439 = arith.constant 0 : i32
          %cond3A_440 = arith.cmpi ne, %convert_element_type3A_437, %cond3A_439 : i32
          %cond3A_441 = scf.if %cond3A_440 -> (i32) {
            %mul3A_446 = arith.constant 128 : i32
            %mul3A_447 = arith.muli %shift_right_arithmetic3A_432, %mul3A_446 : i32
            %multiple_of3A_448 = tpu.assume_multiple %mul3A_447, 128 : i32
            %dma_start3A_449 = arith.constant 0 : i32
            %dma_start3A_450 = tpu.memref_slice %arg9[%multiple_of3A_448, %dma_start3A_449] : memref<256x128xf32, #tpu.memory_space<vmem>> -> memref<128x128xf32, #tpu.memory_space<vmem>>
            %dma_start3A_451 = arith.constant 0 : i32
            %dma_start3A_452 = tpu.memref_slice %arg10[%shift_right_arithmetic3A_432, %dma_start3A_451] : memref<2x128xi32, #tpu.memory_space<vmem>> -> memref<1x128xi32, #tpu.memory_space<vmem>>
            %dma_start3A_453 = tpu.memref_squeeze %dma_start3A_452 : memref<1x128xi32, #tpu.memory_space<vmem>> -> memref<128xi32, #tpu.memory_space<vmem>>
            %dma_start3A_454 = arith.constant 0 : i32
            %dma_start3A_455 = arith.constant 0 : i32
            %dma_start3A_456 = tpu.memref_slice %arg5[%dma_start3A_454, %dma_start3A_455] : memref<8200x128xf32, #tpu.memory_space<hbm>> -> memref<8200x128xf32, #tpu.memory_space<hbm>>
            tpu.enqueue_indirect_dma source(%dma_start3A_450 : memref<128x128xf32, #tpu.memory_space<vmem>>) target(%dma_start3A_456 : memref<8200x128xf32, #tpu.memory_space<hbm>>) offsets(%dma_start3A_453 : memref<128xi32, #tpu.memory_space<vmem>>) semaphore(%arg15 : memref<!tpu.dma_semaphore, #tpu.memory_space<semaphore_mem>>)
            %dma_wait3A_457 = arith.constant 0 : i32
            %dma_wait3A_458 = tpu.memref_slice %arg9[%multiple_of3A_448, %dma_wait3A_457] : memref<256x128xf32, #tpu.memory_space<vmem>> -> memref<128x128xf32, #tpu.memory_space<vmem>>
            %dma_wait3A_459 = arith.constant 0 : i32
            %dma_wait3A_460 = tpu.memref_slice %arg10[%shift_right_arithmetic3A_432, %dma_wait3A_459] : memref<2x128xi32, #tpu.memory_space<vmem>> -> memref<1x128xi32, #tpu.memory_space<vmem>>
            %dma_wait3A_461 = tpu.memref_squeeze %dma_wait3A_460 : memref<1x128xi32, #tpu.memory_space<vmem>> -> memref<128xi32, #tpu.memory_space<vmem>>
            %dma_wait3A_462 = arith.constant 0 : i32
            %dma_wait3A_463 = arith.constant 0 : i32
            %dma_wait3A_464 = tpu.memref_slice %arg5[%dma_wait3A_462, %dma_wait3A_463] : memref<8200x128xf32, #tpu.memory_space<hbm>> -> memref<8200x128xf32, #tpu.memory_space<hbm>>
            tpu.wait_indirect_dma semaphore(%arg15 : memref<!tpu.dma_semaphore, #tpu.memory_space<semaphore_mem>>) src(%dma_wait3A_458 : memref<128x128xf32, #tpu.memory_space<vmem>>) dst(%dma_wait3A_464 : memref<8200x128xf32, #tpu.memory_space<hbm>>)
            %broadcast_in_dim3A_465 = vector.broadcast %shift_right_arithmetic3A_432 : i32 to vector<16xi32>
            %add3A_466 = arith.constant 0 : i32
            %add3A_467 = vector.broadcast %add3A_466 : i32 to vector<16xi32>
            %add3A_468 = arith.addi %add3A_467, %iota3A : vector<16xi32>
            %broadcast_in_dim3A_469 = arith.constant 8192 : i32
            %broadcast_in_dim3A_470 = vector.broadcast %broadcast_in_dim3A_469 : i32 to vector<16xi32>
            %ge3A = arith.constant 0 : i32
            %ge3A_471 = vector.broadcast %ge3A : i32 to vector<16xi32>
            %ge3A_472 = arith.cmpi sge, %iota3A, %ge3A_471 : vector<16xi32>
            tpu.vector_store_idx %arg10[%broadcast_in_dim3A_465, %add3A_468], %broadcast_in_dim3A_470 masked %ge3A_472 : memref<2x128xi32, #tpu.memory_space<vmem>>[vector<16xi32>, vector<16xi32>], vector<16xi32>, vector<16xi1>
            %broadcast_in_dim3A_473 = vector.broadcast %shift_right_arithmetic3A_432 : i32 to vector<16xi32>
            %add3A_474 = arith.constant 16 : i32
            %add3A_475 = vector.broadcast %add3A_474 : i32 to vector<16xi32>
            %add3A_476 = arith.addi %add3A_475, %iota3A : vector<16xi32>
            %broadcast_in_dim3A_477 = arith.constant 8192 : i32
            %broadcast_in_dim3A_478 = vector.broadcast %broadcast_in_dim3A_477 : i32 to vector<16xi32>
            %ge3A_479 = arith.constant 0 : i32
            %ge3A_480 = vector.broadcast %ge3A_479 : i32 to vector<16xi32>
            %ge3A_481 = arith.cmpi sge, %iota3A, %ge3A_480 : vector<16xi32>
            tpu.vector_store_idx %arg10[%broadcast_in_dim3A_473, %add3A_476], %broadcast_in_dim3A_478 masked %ge3A_481 : memref<2x128xi32, #tpu.memory_space<vmem>>[vector<16xi32>, vector<16xi32>], vector<16xi32>, vector<16xi1>
            %broadcast_in_dim3A_482 = vector.broadcast %shift_right_arithmetic3A_432 : i32 to vector<16xi32>
            %add3A_483 = arith.constant 32 : i32
            %add3A_484 = vector.broadcast %add3A_483 : i32 to vector<16xi32>
            %add3A_485 = arith.addi %add3A_484, %iota3A : vector<16xi32>
            %broadcast_in_dim3A_486 = arith.constant 8192 : i32
            %broadcast_in_dim3A_487 = vector.broadcast %broadcast_in_dim3A_486 : i32 to vector<16xi32>
            %ge3A_488 = arith.constant 0 : i32
            %ge3A_489 = vector.broadcast %ge3A_488 : i32 to vector<16xi32>
            %ge3A_490 = arith.cmpi sge, %iota3A, %ge3A_489 : vector<16xi32>
            tpu.vector_store_idx %arg10[%broadcast_in_dim3A_482, %add3A_485], %broadcast_in_dim3A_487 masked %ge3A_490 : memref<2x128xi32, #tpu.memory_space<vmem>>[vector<16xi32>, vector<16xi32>], vector<16xi32>, vector<16xi1>
            %broadcast_in_dim3A_491 = vector.broadcast %shift_right_arithmetic3A_432 : i32 to vector<16xi32>
            %add3A_492 = arith.constant 48 : i32
            %add3A_493 = vector.broadcast %add3A_492 : i32 to vector<16xi32>
            %add3A_494 = arith.addi %add3A_493, %iota3A : vector<16xi32>
            %broadcast_in_dim3A_495 = arith.constant 8192 : i32
            %broadcast_in_dim3A_496 = vector.broadcast %broadcast_in_dim3A_495 : i32 to vector<16xi32>
            %ge3A_497 = arith.constant 0 : i32
            %ge3A_498 = vector.broadcast %ge3A_497 : i32 to vector<16xi32>
            %ge3A_499 = arith.cmpi sge, %iota3A, %ge3A_498 : vector<16xi32>
            tpu.vector_store_idx %arg10[%broadcast_in_dim3A_491, %add3A_494], %broadcast_in_dim3A_496 masked %ge3A_499 : memref<2x128xi32, #tpu.memory_space<vmem>>[vector<16xi32>, vector<16xi32>], vector<16xi32>, vector<16xi1>
            %broadcast_in_dim3A_500 = vector.broadcast %shift_right_arithmetic3A_432 : i32 to vector<16xi32>
            %add3A_501 = arith.constant 64 : i32
            %add3A_502 = vector.broadcast %add3A_501 : i32 to vector<16xi32>
            %add3A_503 = arith.addi %add3A_502, %iota3A : vector<16xi32>
            %broadcast_in_dim3A_504 = arith.constant 8192 : i32
            %broadcast_in_dim3A_505 = vector.broadcast %broadcast_in_dim3A_504 : i32 to vector<16xi32>
            %ge3A_506 = arith.constant 0 : i32
            %ge3A_507 = vector.broadcast %ge3A_506 : i32 to vector<16xi32>
            %ge3A_508 = arith.cmpi sge, %iota3A, %ge3A_507 : vector<16xi32>
            tpu.vector_store_idx %arg10[%broadcast_in_dim3A_500, %add3A_503], %broadcast_in_dim3A_505 masked %ge3A_508 : memref<2x128xi32, #tpu.memory_space<vmem>>[vector<16xi32>, vector<16xi32>], vector<16xi32>, vector<16xi1>
            %broadcast_in_dim3A_509 = vector.broadcast %shift_right_arithmetic3A_432 : i32 to vector<16xi32>
            %add3A_510 = arith.constant 80 : i32
            %add3A_511 = vector.broadcast %add3A_510 : i32 to vector<16xi32>
            %add3A_512 = arith.addi %add3A_511, %iota3A : vector<16xi32>
            %broadcast_in_dim3A_513 = arith.constant 8192 : i32
            %broadcast_in_dim3A_514 = vector.broadcast %broadcast_in_dim3A_513 : i32 to vector<16xi32>
            %ge3A_515 = arith.constant 0 : i32
            %ge3A_516 = vector.broadcast %ge3A_515 : i32 to vector<16xi32>
            %ge3A_517 = arith.cmpi sge, %iota3A, %ge3A_516 : vector<16xi32>
            tpu.vector_store_idx %arg10[%broadcast_in_dim3A_509, %add3A_512], %broadcast_in_dim3A_514 masked %ge3A_517 : memref<2x128xi32, #tpu.memory_space<vmem>>[vector<16xi32>, vector<16xi32>], vector<16xi32>, vector<16xi1>
            %broadcast_in_dim3A_518 = vector.broadcast %shift_right_arithmetic3A_432 : i32 to vector<16xi32>
            %add3A_519 = arith.constant 96 : i32
            %add3A_520 = vector.broadcast %add3A_519 : i32 to vector<16xi32>
            %add3A_521 = arith.addi %add3A_520, %iota3A : vector<16xi32>
            %broadcast_in_dim3A_522 = arith.constant 8192 : i32
            %broadcast_in_dim3A_523 = vector.broadcast %broadcast_in_dim3A_522 : i32 to vector<16xi32>
            %ge3A_524 = arith.constant 0 : i32
            %ge3A_525 = vector.broadcast %ge3A_524 : i32 to vector<16xi32>
            %ge3A_526 = arith.cmpi sge, %iota3A, %ge3A_525 : vector<16xi32>
            tpu.vector_store_idx %arg10[%broadcast_in_dim3A_518, %add3A_521], %broadcast_in_dim3A_523 masked %ge3A_526 : memref<2x128xi32, #tpu.memory_space<vmem>>[vector<16xi32>, vector<16xi32>], vector<16xi32>, vector<16xi1>
            %broadcast_in_dim3A_527 = vector.broadcast %shift_right_arithmetic3A_432 : i32 to vector<16xi32>
            %add3A_528 = arith.constant 112 : i32
            %add3A_529 = vector.broadcast %add3A_528 : i32 to vector<16xi32>
            %add3A_530 = arith.addi %add3A_529, %iota3A : vector<16xi32>
            %broadcast_in_dim3A_531 = arith.constant 8192 : i32
            %broadcast_in_dim3A_532 = vector.broadcast %broadcast_in_dim3A_531 : i32 to vector<16xi32>
            %ge3A_533 = arith.constant 0 : i32
            %ge3A_534 = vector.broadcast %ge3A_533 : i32 to vector<16xi32>
            %ge3A_535 = arith.cmpi sge, %iota3A, %ge3A_534 : vector<16xi32>
            tpu.vector_store_idx %arg10[%broadcast_in_dim3A_527, %add3A_530], %broadcast_in_dim3A_532 masked %ge3A_535 : memref<2x128xi32, #tpu.memory_space<vmem>>[vector<16xi32>, vector<16xi32>], vector<16xi32>, vector<16xi1>
            %cond3A_536 = arith.constant 0 : i32
            scf.yield %cond3A_536 : i32
          } else {
            %cond3A_446 = arith.constant 0 : i32
            scf.yield %cond3A_446 : i32
          }
          %add3A_442 = arith.constant 1 : i32
          %add3A_443 = arith.addi %while3A_329, %add3A_442 : i32
          %and3A_444 = arith.constant 255 : i32
          %and3A_445 = arith.andi %add3A_443, %and3A_444 : i32
          scf.yield %and3A_430, %and3A_445 : vector<16xi1>, i32
        }
        scf.yield %while3A_327#1 : i32
      }
      %while3A_276 = arith.constant 1 : i32
      %while3A_277 = scf.for %while3A_309 = %while3A_273 to %while3A_269 step %while3A_276 iter_args(%while3A_310 = %while3A_275) -> (i32)  : i32 {
        %mul3A_311 = arith.constant 16 : i32
        %mul3A_312 = arith.muli %while3A_309, %mul3A_311 : i32
        %get3A = arith.index_cast %mul3A_312 : i32 to index
        %get3A_313 = tpu.vector_load %arg7[%get3A] {strides = array<i32>} : memref<8208xi32, #tpu.memory_space<vmem>>, vector<16xi32>,
        %mul3A_314 = arith.constant 16 : i32
        %mul3A_315 = arith.muli %while3A_309, %mul3A_314 : i32
        %add3A_316 = vector.broadcast %mul3A_315 : i32 to vector<16xi32>
        %add3A_317 = arith.addi %add3A_316, %iota3A : vector<16xi32>
        %lt3A_318 = arith.cmpi slt, %add3A_317, %broadcast_in_dim3A_172 : vector<16xi32>
        %and3A_319 = arith.constant 32767 : i32
        %and3A_320 = vector.broadcast %and3A_319 : i32 to vector<16xi32>
        %and3A_321 = arith.andi %get3A_313, %and3A_320 : vector<16xi32>
        %shift_right_arithmetic3A_322 = arith.constant 8 : i32
        %shift_right_arithmetic3A_323 = vector.broadcast %shift_right_arithmetic3A_322 : i32 to vector<16xi32>
        %shift_right_arithmetic3A_324 = arith.shrsi %and3A_321, %shift_right_arithmetic3A_323 : vector<16xi32>
        %eq3A_325 = arith.cmpi eq, %shift_right_arithmetic3A_324, %broadcast_in_dim3A_264 : vector<16xi32>
        %and3A_326 = arith.andi %eq3A_325, %lt3A_318 : vector<16xi1>
        %while3A_327:2 = scf.while (%while3A_328 = %and3A_326, %while3A_329 = %while3A_310) : (vector<16xi1>, i32) -> (vector<16xi1>, i32) {
          %reduce_or3A = arith.constant 1.000000e+00 : f32
          %reduce_or3A_330 = arith.constant 0.000000e+00 : f32
          %reduce_or3A_331 = vector.broadcast %reduce_or3A : f32 to vector<16xf32>
          %reduce_or3A_332 = vector.broadcast %reduce_or3A_330 : f32 to vector<16xf32>
          %reduce_or3A_333 = arith.select %while3A_328, %reduce_or3A_331, %reduce_or3A_332 : vector<16xi1>, vector<16xf32>
          %reduce_or3A_334 = arith.constant true
          %reduce_or3A_335 = vector.broadcast %reduce_or3A_334 : i1 to vector<16xi1>
          %reduce_or3A_336 = tpu.scan <max>, %reduce_or3A_333 masked %reduce_or3A_335 : vector<16xf32>, vector<16xi1> -> vector<16xf32>
          %reduce_or3A_337 = vector.extract %reduce_or3A_336[15] : f32 from vector<16xf32>
          %reduce_or3A_338 = arith.constant 0.000000e+00 : f32
          %reduce_or3A_339 = arith.cmpf ogt, %reduce_or3A_337, %reduce_or3A_338 : f32
          scf.condition(%reduce_or3A_339) %while3A_328, %while3A_329 : vector<16xi1>, i32
        } do {
        ^bb0(%while3A_328: vector<16xi1>, %while3A_329: i32):
          %all_reduce_ffs3A = tpu.all_reduce %while3A_328 {dim = 0 : i64, kind = #tpu.reduction_kind<find_first_set>} : vector<16xi1> -> vector<16xi32>
          %lt3A_330 = arith.constant 0 : i32
          %lt3A_331 = vector.broadcast %lt3A_330 : i32 to vector<16xi32>
          %lt3A_332 = arith.cmpi slt, %all_reduce_ffs3A, %lt3A_331 : vector<16xi32>
          %add3A_333 = arith.constant 16 : i32
          %add3A_334 = vector.broadcast %add3A_333 : i32 to vector<16xi32>
          %add3A_335 = arith.addi %all_reduce_ffs3A, %add3A_334 : vector<16xi32>
          %select_n3A_336 = arith.select %lt3A_332, %add3A_335, %all_reduce_ffs3A : vector<16xi1>, vector<16xi32>
          %reshape3A = vector.shape_cast %select_n3A_336 : vector<16xi32> to vector<16x1xi32>
          %gather3A = vector.shape_cast %reshape3A : vector<16x1xi32> to vector<16xi32>
          %gather3A_337 = tpu.dynamic_gather %get3A_313[%gather3A] in [0] : vector<16xi32>, vector<16xi32> -> vector<16xi32>
          %and3A_338 = arith.constant 32767 : i32
          %and3A_339 = vector.broadcast %and3A_338 : i32 to vector<16xi32>
          %and3A_340 = arith.andi %gather3A_337, %and3A_339 : vector<16xi32>
          %shift_right_arithmetic3A_341 = arith.constant 15 : i32
          %shift_right_arithmetic3A_342 = vector.broadcast %shift_right_arithmetic3A_341 : i32 to vector<16xi32>
          %shift_right_arithmetic3A_343 = arith.shrsi %gather3A_337, %shift_right_arithmetic3A_342 : vector<16xi32>
          %add3A_344 = arith.constant 0 : i32
          %add3A_345 = vector.broadcast %add3A_344 : i32 to vector<16xi32>
          %add3A_346 = arith.addi %add3A_345, %iota3A : vector<16xi32>
          %shift_right_arithmetic3A_347 = arith.constant 3 : i32
          %shift_right_arithmetic3A_348 = vector.broadcast %shift_right_arithmetic3A_347 : i32 to vector<16xi32>
          %shift_right_arithmetic3A_349 = arith.shrsi %add3A_346, %shift_right_arithmetic3A_348 : vector<16xi32>
          %and3A_350 = arith.constant 7 : i32
          %and3A_351 = vector.broadcast %and3A_350 : i32 to vector<16xi32>
          %and3A_352 = arith.andi %add3A_346, %and3A_351 : vector<16xi32>
          %and3A_353 = arith.constant 255 : i32
          %and3A_354 = vector.broadcast %and3A_353 : i32 to vector<16xi32>
          %and3A_355 = arith.andi %and3A_340, %and3A_354 : vector<16xi32>
          %gather3A_356 = tpu.vector_load_idx %arg8[%broadcast_in_dim3A_266, %shift_right_arithmetic3A_349, %and3A_352, %and3A_355] : memref<3x8x8x256xf32, #tpu.memory_space<vmem>>[vector<16xi32>, vector<16xi32>, vector<16xi32>, vector<16xi32>], vector<16xf32>,
          %mul3A_357 = arith.constant 8.000000e+00 : f32
          %mul3A_358 = vector.broadcast %mul3A_357 : f32 to vector<16xf32>
          %mul3A_359 = arith.mulf %gather3A_356, %mul3A_358 : vector<16xf32>
          %swap3A_360 = arith.index_cast %while3A_329 : i32 to index
          %swap3A_361 = arith.constant 0 : index
          %swap3A_362 = tpu.vector_load %arg9[%swap3A_360, %swap3A_361] {strides = array<i32>} : memref<256x128xf32, #tpu.memory_space<vmem>>, vector<16xf32>,
          tpu.vector_store %arg9[%swap3A_360, %swap3A_361], %mul3A_359 {strides = array<i32>} : memref<256x128xf32, #tpu.memory_space<vmem>>, vector<16xf32>,
          %add3A_363 = arith.constant 16 : i32
          %add3A_364 = vector.broadcast %add3A_363 : i32 to vector<16xi32>
          %add3A_365 = arith.addi %add3A_364, %iota3A : vector<16xi32>
          %shift_right_arithmetic3A_366 = arith.constant 3 : i32
          %shift_right_arithmetic3A_367 = vector.broadcast %shift_right_arithmetic3A_366 : i32 to vector<16xi32>
          %shift_right_arithmetic3A_368 = arith.shrsi %add3A_365, %shift_right_arithmetic3A_367 : vector<16xi32>
          %and3A_369 = arith.constant 7 : i32
          %and3A_370 = vector.broadcast %and3A_369 : i32 to vector<16xi32>
          %and3A_371 = arith.andi %add3A_365, %and3A_370 : vector<16xi32>
          %and3A_372 = arith.constant 255 : i32
          %and3A_373 = vector.broadcast %and3A_372 : i32 to vector<16xi32>
          %and3A_374 = arith.andi %and3A_340, %and3A_373 : vector<16xi32>
          %gather3A_375 = tpu.vector_load_idx %arg8[%broadcast_in_dim3A_266, %shift_right_arithmetic3A_368, %and3A_371, %and3A_374] : memref<3x8x8x256xf32, #tpu.memory_space<vmem>>[vector<16xi32>, vector<16xi32>, vector<16xi32>, vector<16xi32>], vector<16xf32>,
          %mul3A_376 = arith.constant 8.000000e+00 : f32
          %mul3A_377 = vector.broadcast %mul3A_376 : f32 to vector<16xf32>
          %mul3A_378 = arith.mulf %gather3A_375, %mul3A_377 : vector<16xf32>
          %swap3A_379 = arith.index_cast %while3A_329 : i32 to index
          %swap3A_380 = arith.constant 16 : index
          %swap3A_381 = tpu.vector_load %arg9[%swap3A_379, %swap3A_380] {strides = array<i32>} : memref<256x128xf32, #tpu.memory_space<vmem>>, vector<16xf32>,
          tpu.vector_store %arg9[%swap3A_379, %swap3A_380], %mul3A_378 {strides = array<i32>} : memref<256x128xf32, #tpu.memory_space<vmem>>, vector<16xf32>,
          %add3A_382 = arith.constant 32 : i32
          %add3A_383 = vector.broadcast %add3A_382 : i32 to vector<16xi32>
          %add3A_384 = arith.addi %add3A_383, %iota3A : vector<16xi32>
          %shift_right_arithmetic3A_385 = arith.constant 3 : i32
          %shift_right_arithmetic3A_386 = vector.broadcast %shift_right_arithmetic3A_385 : i32 to vector<16xi32>
          %shift_right_arithmetic3A_387 = arith.shrsi %add3A_384, %shift_right_arithmetic3A_386 : vector<16xi32>
          %and3A_388 = arith.constant 7 : i32
          %and3A_389 = vector.broadcast %and3A_388 : i32 to vector<16xi32>
          %and3A_390 = arith.andi %add3A_384, %and3A_389 : vector<16xi32>
          %and3A_391 = arith.constant 255 : i32
          %and3A_392 = vector.broadcast %and3A_391 : i32 to vector<16xi32>
          %and3A_393 = arith.andi %and3A_340, %and3A_392 : vector<16xi32>
          %gather3A_394 = tpu.vector_load_idx %arg8[%broadcast_in_dim3A_266, %shift_right_arithmetic3A_387, %and3A_390, %and3A_393] : memref<3x8x8x256xf32, #tpu.memory_space<vmem>>[vector<16xi32>, vector<16xi32>, vector<16xi32>, vector<16xi32>], vector<16xf32>,
          %mul3A_395 = arith.constant 8.000000e+00 : f32
          %mul3A_396 = vector.broadcast %mul3A_395 : f32 to vector<16xf32>
          %mul3A_397 = arith.mulf %gather3A_394, %mul3A_396 : vector<16xf32>
          %swap3A_398 = arith.index_cast %while3A_329 : i32 to index
          %swap3A_399 = arith.constant 32 : index
          %swap3A_400 = tpu.vector_load %arg9[%swap3A_398, %swap3A_399] {strides = array<i32>} : memref<256x128xf32, #tpu.memory_space<vmem>>, vector<16xf32>,
          tpu.vector_store %arg9[%swap3A_398, %swap3A_399], %mul3A_397 {strides = array<i32>} : memref<256x128xf32, #tpu.memory_space<vmem>>, vector<16xf32>,
          %add3A_401 = arith.constant 48 : i32
          %add3A_402 = vector.broadcast %add3A_401 : i32 to vector<16xi32>
          %add3A_403 = arith.addi %add3A_402, %iota3A : vector<16xi32>
          %shift_right_arithmetic3A_404 = arith.constant 3 : i32
          %shift_right_arithmetic3A_405 = vector.broadcast %shift_right_arithmetic3A_404 : i32 to vector<16xi32>
          %shift_right_arithmetic3A_406 = arith.shrsi %add3A_403, %shift_right_arithmetic3A_405 : vector<16xi32>
          %and3A_407 = arith.constant 7 : i32
          %and3A_408 = vector.broadcast %and3A_407 : i32 to vector<16xi32>
          %and3A_409 = arith.andi %add3A_403, %and3A_408 : vector<16xi32>
          %and3A_410 = arith.constant 255 : i32
          %and3A_411 = vector.broadcast %and3A_410 : i32 to vector<16xi32>
          %and3A_412 = arith.andi %and3A_340, %and3A_411 : vector<16xi32>
          %gather3A_413 = tpu.vector_load_idx %arg8[%broadcast_in_dim3A_266, %shift_right_arithmetic3A_406, %and3A_409, %and3A_412] : memref<3x8x8x256xf32, #tpu.memory_space<vmem>>[vector<16xi32>, vector<16xi32>, vector<16xi32>, vector<16xi32>], vector<16xf32>,
          %mul3A_414 = arith.constant 8.000000e+00 : f32
          %mul3A_415 = vector.broadcast %mul3A_414 : f32 to vector<16xf32>
          %mul3A_416 = arith.mulf %gather3A_413, %mul3A_415 : vector<16xf32>
          %swap3A_417 = arith.index_cast %while3A_329 : i32 to index
          %swap3A_418 = arith.constant 48 : index
          %swap3A_419 = tpu.vector_load %arg9[%swap3A_417, %swap3A_418] {strides = array<i32>} : memref<256x128xf32, #tpu.memory_space<vmem>>, vector<16xf32>,
          tpu.vector_store %arg9[%swap3A_417, %swap3A_418], %mul3A_416 {strides = array<i32>} : memref<256x128xf32, #tpu.memory_space<vmem>>, vector<16xf32>,
          %shift_right_arithmetic3A_420 = arith.constant 7 : i32
          %shift_right_arithmetic3A_421 = arith.shrsi %while3A_329, %shift_right_arithmetic3A_420 : i32
          %broadcast_in_dim3A_422 = vector.broadcast %shift_right_arithmetic3A_421 : i32 to vector<16xi32>
          %and3A_423 = arith.constant 127 : i32
          %and3A_424 = arith.andi %while3A_329, %and3A_423 : i32
          %broadcast_in_dim3A_425 = vector.broadcast %and3A_424 : i32 to vector<16xi32>
          %lt3A_426 = arith.constant 1 : i32
          %lt3A_427 = vector.broadcast %lt3A_426 : i32 to vector<16xi32>
          %lt3A_428 = arith.cmpi slt, %iota3A, %lt3A_427 : vector<16xi32>
          tpu.vector_store_idx %arg10[%broadcast_in_dim3A_422, %broadcast_in_dim3A_425], %shift_right_arithmetic3A_343 masked %lt3A_428 : memref<2x128xi32, #tpu.memory_space<vmem>>[vector<16xi32>, vector<16xi32>], vector<16xi32>, vector<16xi1>
          %ne3A_429 = arith.cmpi ne, %iota3A, %all_reduce_ffs3A : vector<16xi32>
          %and3A_430 = arith.andi %while3A_328, %ne3A_429 : vector<16xi1>
          %shift_right_arithmetic3A_431 = arith.constant 7 : i32
          %shift_right_arithmetic3A_432 = arith.shrsi %while3A_329, %shift_right_arithmetic3A_431 : i32
          %and3A_433 = arith.constant 127 : i32
          %and3A_434 = arith.andi %while3A_329, %and3A_433 : i32
          %eq3A_435 = arith.constant 127 : i32
          %eq3A_436 = arith.cmpi eq, %and3A_434, %eq3A_435 : i32
          %convert_element_type3A_437 = arith.extui %eq3A_436 : i1 to i32
          %cond3A_438 = arith.constant 0 : i32
          %cond3A_439 = arith.constant 0 : i32
          %cond3A_440 = arith.cmpi ne, %convert_element_type3A_437, %cond3A_439 : i32
          %cond3A_441 = scf.if %cond3A_440 -> (i32) {
            %mul3A_446 = arith.constant 128 : i32
            %mul3A_447 = arith.muli %shift_right_arithmetic3A_432, %mul3A_446 : i32
            %multiple_of3A_448 = tpu.assume_multiple %mul3A_447, 128 : i32
            %dma_start3A_449 = arith.constant 0 : i32
            %dma_start3A_450 = tpu.memref_slice %arg9[%multiple_of3A_448, %dma_start3A_449] : memref<256x128xf32, #tpu.memory_space<vmem>> -> memref<128x128xf32, #tpu.memory_space<vmem>>
            %dma_start3A_451 = arith.constant 0 : i32
            %dma_start3A_452 = tpu.memref_slice %arg10[%shift_right_arithmetic3A_432, %dma_start3A_451] : memref<2x128xi32, #tpu.memory_space<vmem>> -> memref<1x128xi32, #tpu.memory_space<vmem>>
            %dma_start3A_453 = tpu.memref_squeeze %dma_start3A_452 : memref<1x128xi32, #tpu.memory_space<vmem>> -> memref<128xi32, #tpu.memory_space<vmem>>
            %dma_start3A_454 = arith.constant 0 : i32
            %dma_start3A_455 = arith.constant 0 : i32
            %dma_start3A_456 = tpu.memref_slice %arg5[%dma_start3A_454, %dma_start3A_455] : memref<8200x128xf32, #tpu.memory_space<hbm>> -> memref<8200x128xf32, #tpu.memory_space<hbm>>
            tpu.enqueue_indirect_dma source(%dma_start3A_450 : memref<128x128xf32, #tpu.memory_space<vmem>>) target(%dma_start3A_456 : memref<8200x128xf32, #tpu.memory_space<hbm>>) offsets(%dma_start3A_453 : memref<128xi32, #tpu.memory_space<vmem>>) semaphore(%arg15 : memref<!tpu.dma_semaphore, #tpu.memory_space<semaphore_mem>>)
            %dma_wait3A_457 = arith.constant 0 : i32
            %dma_wait3A_458 = tpu.memref_slice %arg9[%multiple_of3A_448, %dma_wait3A_457] : memref<256x128xf32, #tpu.memory_space<vmem>> -> memref<128x128xf32, #tpu.memory_space<vmem>>
            %dma_wait3A_459 = arith.constant 0 : i32
            %dma_wait3A_460 = tpu.memref_slice %arg10[%shift_right_arithmetic3A_432, %dma_wait3A_459] : memref<2x128xi32, #tpu.memory_space<vmem>> -> memref<1x128xi32, #tpu.memory_space<vmem>>
            %dma_wait3A_461 = tpu.memref_squeeze %dma_wait3A_460 : memref<1x128xi32, #tpu.memory_space<vmem>> -> memref<128xi32, #tpu.memory_space<vmem>>
            %dma_wait3A_462 = arith.constant 0 : i32
            %dma_wait3A_463 = arith.constant 0 : i32
            %dma_wait3A_464 = tpu.memref_slice %arg5[%dma_wait3A_462, %dma_wait3A_463] : memref<8200x128xf32, #tpu.memory_space<hbm>> -> memref<8200x128xf32, #tpu.memory_space<hbm>>
            tpu.wait_indirect_dma semaphore(%arg15 : memref<!tpu.dma_semaphore, #tpu.memory_space<semaphore_mem>>) src(%dma_wait3A_458 : memref<128x128xf32, #tpu.memory_space<vmem>>) dst(%dma_wait3A_464 : memref<8200x128xf32, #tpu.memory_space<hbm>>)
            %broadcast_in_dim3A_465 = vector.broadcast %shift_right_arithmetic3A_432 : i32 to vector<16xi32>
            %add3A_466 = arith.constant 0 : i32
            %add3A_467 = vector.broadcast %add3A_466 : i32 to vector<16xi32>
            %add3A_468 = arith.addi %add3A_467, %iota3A : vector<16xi32>
            %broadcast_in_dim3A_469 = arith.constant 8192 : i32
            %broadcast_in_dim3A_470 = vector.broadcast %broadcast_in_dim3A_469 : i32 to vector<16xi32>
            %ge3A = arith.constant 0 : i32
            %ge3A_471 = vector.broadcast %ge3A : i32 to vector<16xi32>
            %ge3A_472 = arith.cmpi sge, %iota3A, %ge3A_471 : vector<16xi32>
            tpu.vector_store_idx %arg10[%broadcast_in_dim3A_465, %add3A_468], %broadcast_in_dim3A_470 masked %ge3A_472 : memref<2x128xi32, #tpu.memory_space<vmem>>[vector<16xi32>, vector<16xi32>], vector<16xi32>, vector<16xi1>
            %broadcast_in_dim3A_473 = vector.broadcast %shift_right_arithmetic3A_432 : i32 to vector<16xi32>
            %add3A_474 = arith.constant 16 : i32
            %add3A_475 = vector.broadcast %add3A_474 : i32 to vector<16xi32>
            %add3A_476 = arith.addi %add3A_475, %iota3A : vector<16xi32>
            %broadcast_in_dim3A_477 = arith.constant 8192 : i32
            %broadcast_in_dim3A_478 = vector.broadcast %broadcast_in_dim3A_477 : i32 to vector<16xi32>
            %ge3A_479 = arith.constant 0 : i32
            %ge3A_480 = vector.broadcast %ge3A_479 : i32 to vector<16xi32>
            %ge3A_481 = arith.cmpi sge, %iota3A, %ge3A_480 : vector<16xi32>
            tpu.vector_store_idx %arg10[%broadcast_in_dim3A_473, %add3A_476], %broadcast_in_dim3A_478 masked %ge3A_481 : memref<2x128xi32, #tpu.memory_space<vmem>>[vector<16xi32>, vector<16xi32>], vector<16xi32>, vector<16xi1>
            %broadcast_in_dim3A_482 = vector.broadcast %shift_right_arithmetic3A_432 : i32 to vector<16xi32>
            %add3A_483 = arith.constant 32 : i32
            %add3A_484 = vector.broadcast %add3A_483 : i32 to vector<16xi32>
            %add3A_485 = arith.addi %add3A_484, %iota3A : vector<16xi32>
            %broadcast_in_dim3A_486 = arith.constant 8192 : i32
            %broadcast_in_dim3A_487 = vector.broadcast %broadcast_in_dim3A_486 : i32 to vector<16xi32>
            %ge3A_488 = arith.constant 0 : i32
            %ge3A_489 = vector.broadcast %ge3A_488 : i32 to vector<16xi32>
            %ge3A_490 = arith.cmpi sge, %iota3A, %ge3A_489 : vector<16xi32>
            tpu.vector_store_idx %arg10[%broadcast_in_dim3A_482, %add3A_485], %broadcast_in_dim3A_487 masked %ge3A_490 : memref<2x128xi32, #tpu.memory_space<vmem>>[vector<16xi32>, vector<16xi32>], vector<16xi32>, vector<16xi1>
            %broadcast_in_dim3A_491 = vector.broadcast %shift_right_arithmetic3A_432 : i32 to vector<16xi32>
            %add3A_492 = arith.constant 48 : i32
            %add3A_493 = vector.broadcast %add3A_492 : i32 to vector<16xi32>
            %add3A_494 = arith.addi %add3A_493, %iota3A : vector<16xi32>
            %broadcast_in_dim3A_495 = arith.constant 8192 : i32
            %broadcast_in_dim3A_496 = vector.broadcast %broadcast_in_dim3A_495 : i32 to vector<16xi32>
            %ge3A_497 = arith.constant 0 : i32
            %ge3A_498 = vector.broadcast %ge3A_497 : i32 to vector<16xi32>
            %ge3A_499 = arith.cmpi sge, %iota3A, %ge3A_498 : vector<16xi32>
            tpu.vector_store_idx %arg10[%broadcast_in_dim3A_491, %add3A_494], %broadcast_in_dim3A_496 masked %ge3A_499 : memref<2x128xi32, #tpu.memory_space<vmem>>[vector<16xi32>, vector<16xi32>], vector<16xi32>, vector<16xi1>
            %broadcast_in_dim3A_500 = vector.broadcast %shift_right_arithmetic3A_432 : i32 to vector<16xi32>
            %add3A_501 = arith.constant 64 : i32
            %add3A_502 = vector.broadcast %add3A_501 : i32 to vector<16xi32>
            %add3A_503 = arith.addi %add3A_502, %iota3A : vector<16xi32>
            %broadcast_in_dim3A_504 = arith.constant 8192 : i32
            %broadcast_in_dim3A_505 = vector.broadcast %broadcast_in_dim3A_504 : i32 to vector<16xi32>
            %ge3A_506 = arith.constant 0 : i32
            %ge3A_507 = vector.broadcast %ge3A_506 : i32 to vector<16xi32>
            %ge3A_508 = arith.cmpi sge, %iota3A, %ge3A_507 : vector<16xi32>
            tpu.vector_store_idx %arg10[%broadcast_in_dim3A_500, %add3A_503], %broadcast_in_dim3A_505 masked %ge3A_508 : memref<2x128xi32, #tpu.memory_space<vmem>>[vector<16xi32>, vector<16xi32>], vector<16xi32>, vector<16xi1>
            %broadcast_in_dim3A_509 = vector.broadcast %shift_right_arithmetic3A_432 : i32 to vector<16xi32>
            %add3A_510 = arith.constant 80 : i32
            %add3A_511 = vector.broadcast %add3A_510 : i32 to vector<16xi32>
            %add3A_512 = arith.addi %add3A_511, %iota3A : vector<16xi32>
            %broadcast_in_dim3A_513 = arith.constant 8192 : i32
            %broadcast_in_dim3A_514 = vector.broadcast %broadcast_in_dim3A_513 : i32 to vector<16xi32>
            %ge3A_515 = arith.constant 0 : i32
            %ge3A_516 = vector.broadcast %ge3A_515 : i32 to vector<16xi32>
            %ge3A_517 = arith.cmpi sge, %iota3A, %ge3A_516 : vector<16xi32>
            tpu.vector_store_idx %arg10[%broadcast_in_dim3A_509, %add3A_512], %broadcast_in_dim3A_514 masked %ge3A_517 : memref<2x128xi32, #tpu.memory_space<vmem>>[vector<16xi32>, vector<16xi32>], vector<16xi32>, vector<16xi1>
            %broadcast_in_dim3A_518 = vector.broadcast %shift_right_arithmetic3A_432 : i32 to vector<16xi32>
            %add3A_519 = arith.constant 96 : i32
            %add3A_520 = vector.broadcast %add3A_519 : i32 to vector<16xi32>
            %add3A_521 = arith.addi %add3A_520, %iota3A : vector<16xi32>
            %broadcast_in_dim3A_522 = arith.constant 8192 : i32
            %broadcast_in_dim3A_523 = vector.broadcast %broadcast_in_dim3A_522 : i32 to vector<16xi32>
            %ge3A_524 = arith.constant 0 : i32
            %ge3A_525 = vector.broadcast %ge3A_524 : i32 to vector<16xi32>
            %ge3A_526 = arith.cmpi sge, %iota3A, %ge3A_525 : vector<16xi32>
            tpu.vector_store_idx %arg10[%broadcast_in_dim3A_518, %add3A_521], %broadcast_in_dim3A_523 masked %ge3A_526 : memref<2x128xi32, #tpu.memory_space<vmem>>[vector<16xi32>, vector<16xi32>], vector<16xi32>, vector<16xi1>
            %broadcast_in_dim3A_527 = vector.broadcast %shift_right_arithmetic3A_432 : i32 to vector<16xi32>
            %add3A_528 = arith.constant 112 : i32
            %add3A_529 = vector.broadcast %add3A_528 : i32 to vector<16xi32>
            %add3A_530 = arith.addi %add3A_529, %iota3A : vector<16xi32>
            %broadcast_in_dim3A_531 = arith.constant 8192 : i32
            %broadcast_in_dim3A_532 = vector.broadcast %broadcast_in_dim3A_531 : i32 to vector<16xi32>
            %ge3A_533 = arith.constant 0 : i32
            %ge3A_534 = vector.broadcast %ge3A_533 : i32 to vector<16xi32>
            %ge3A_535 = arith.cmpi sge, %iota3A, %ge3A_534 : vector<16xi32>
            tpu.vector_store_idx %arg10[%broadcast_in_dim3A_527, %add3A_530], %broadcast_in_dim3A_532 masked %ge3A_535 : memref<2x128xi32, #tpu.memory_space<vmem>>[vector<16xi32>, vector<16xi32>], vector<16xi32>, vector<16xi1>
            %cond3A_536 = arith.constant 0 : i32
            scf.yield %cond3A_536 : i32
          } else {
            %cond3A_446 = arith.constant 0 : i32
            scf.yield %cond3A_446 : i32
          }
          %add3A_442 = arith.constant 1 : i32
          %add3A_443 = arith.addi %while3A_329, %add3A_442 : i32
          %and3A_444 = arith.constant 255 : i32
          %and3A_445 = arith.andi %add3A_443, %and3A_444 : i32
          scf.yield %and3A_430, %and3A_445 : vector<16xi1>, i32
        }
        scf.yield %while3A_327#1 : i32
      }
      %mul3A_278 = arith.constant 3 : i32
      %mul3A_279 = arith.muli %scan3A_216, %mul3A_278 : i32
      %add3A_280 = arith.constant 2 : i32
      %add3A_281 = arith.addi %mul3A_279, %add3A_280 : i32
      %lt3A_282 = arith.cmpi slt, %add3A_281, %select_n3A : i32
      %convert_element_type3A_283 = arith.extui %lt3A_282 : i1 to i32
      %cond3A_284 = arith.constant 0 : i32
      %cond3A_285 = arith.cmpi ne, %convert_element_type3A_283, %cond3A_284 : i32
      scf.if %cond3A_285 {
        %mul3A_309 = arith.constant 2 : i32
        %mul3A_310 = arith.muli %add3A_281, %mul3A_309 : i32
        %add3A_311 = arith.addi %mul3A_2, %mul3A_310 : i32
        %mul3A_312 = arith.constant 128 : i32
        %mul3A_313 = arith.muli %add3A_311, %mul3A_312 : i32
        %multiple_of3A_314 = tpu.assume_multiple %mul3A_313, 128 : i32
        %dma_wait3A_315 = arith.constant 2 : i32
        %dma_wait3A_316 = arith.constant 0 : i32
        %dma_wait3A_317 = arith.constant 0 : i32
        %dma_wait3A_318 = arith.constant 0 : i32
        %dma_wait3A_319 = tpu.memref_slice %arg8[%dma_wait3A_315, %dma_wait3A_316, %dma_wait3A_317, %dma_wait3A_318] : memref<3x8x8x256xf32, #tpu.memory_space<vmem>> -> memref<1x8x8x256xf32, #tpu.memory_space<vmem>>
        %dma_wait3A_320 = tpu.memref_squeeze %dma_wait3A_319 : memref<1x8x8x256xf32, #tpu.memory_space<vmem>> -> memref<8x8x256xf32, #tpu.memory_space<vmem>>
        %dma_wait3A_321 = arith.constant 0 : i32
        %dma_wait3A_322 = arith.constant 0 : i32
        %dma_wait3A_323 = tpu.memref_slice %arg3[%dma_wait3A_321, %dma_wait3A_322, %multiple_of3A_314] : memref<8x8x1000000xf32, #tpu.memory_space<hbm>> -> memref<8x8x256xf32, #tpu.memory_space<hbm>>
        %dma_wait3A_324 = arith.constant 0 : i32
        %dma_wait3A_325 = arith.constant 0 : i32
        %dma_wait3A_326 = arith.constant 0 : i32
        %dma_wait3A_327 = tpu.memref_slice %arg8[%dma_wait3A_315, %dma_wait3A_324, %dma_wait3A_325, %dma_wait3A_326] : memref<3x8x8x256xf32, #tpu.memory_space<vmem>> -> memref<1x8x8x256xf32, #tpu.memory_space<vmem>>
        %dma_wait3A_328 = tpu.memref_squeeze %dma_wait3A_327 : memref<1x8x8x256xf32, #tpu.memory_space<vmem>> -> memref<8x8x256xf32, #tpu.memory_space<vmem>>
        %dma_wait3A_329 = arith.constant 0 : i32
        %dma_wait3A_330 = arith.constant 0 : i32
        %dma_wait3A_331 = tpu.memref_slice %arg3[%dma_wait3A_329, %dma_wait3A_330, %multiple_of3A_314] : memref<8x8x1000000xf32, #tpu.memory_space<hbm>> -> memref<8x8x256xf32, #tpu.memory_space<hbm>>
        tpu.wait_dma2 semaphore(%arg14 : memref<!tpu.dma_semaphore, #tpu.memory_space<semaphore_mem>>) src(%dma_wait3A_331 : memref<8x8x256xf32, #tpu.memory_space<hbm>>) dst(%dma_wait3A_328 : memref<8x8x256xf32, #tpu.memory_space<vmem>>)
      } else {
      }
      %add3A_286 = arith.constant 2 : i32
      %add3A_287 = arith.addi %add3A_281, %add3A_286 : i32
      %lt3A_288 = arith.cmpi slt, %add3A_287, %select_n3A : i32
      %convert_element_type3A_289 = arith.extui %lt3A_288 : i1 to i32
      %cond3A_290 = arith.constant 0 : i32
      %cond3A_291 = arith.cmpi ne, %convert_element_type3A_289, %cond3A_290 : i32
      scf.if %cond3A_291 {
        %add3A_309 = arith.constant 2 : i32
        %add3A_310 = arith.addi %add3A_281, %add3A_309 : i32
        %mul3A_311 = arith.constant 2 : i32
        %mul3A_312 = arith.muli %add3A_310, %mul3A_311 : i32
        %add3A_313 = arith.addi %mul3A_2, %mul3A_312 : i32
        %mul3A_314 = arith.constant 128 : i32
        %mul3A_315 = arith.muli %add3A_313, %mul3A_314 : i32
        %multiple_of3A_316 = tpu.assume_multiple %mul3A_315, 128 : i32
        %dma_start3A_317 = arith.constant 1 : i32
        %dma_start3A_318 = arith.constant 0 : i32
        %dma_start3A_319 = arith.constant 0 : i32
        %dma_start3A_320 = arith.constant 0 : i32
        %dma_start3A_321 = tpu.memref_slice %arg8[%dma_start3A_317, %dma_start3A_318, %dma_start3A_319, %dma_start3A_320] : memref<3x8x8x256xf32, #tpu.memory_space<vmem>> -> memref<1x8x8x256xf32, #tpu.memory_space<vmem>>
        %dma_start3A_322 = tpu.memref_squeeze %dma_start3A_321 : memref<1x8x8x256xf32, #tpu.memory_space<vmem>> -> memref<8x8x256xf32, #tpu.memory_space<vmem>>
        %dma_start3A_323 = arith.constant 0 : i32
        %dma_start3A_324 = arith.constant 0 : i32
        %dma_start3A_325 = tpu.memref_slice %arg3[%dma_start3A_323, %dma_start3A_324, %multiple_of3A_316] : memref<8x8x1000000xf32, #tpu.memory_space<hbm>> -> memref<8x8x256xf32, #tpu.memory_space<hbm>>
        %dma_start3A_326 = arith.constant 0 : i32
        %dma_start3A_327 = arith.constant 0 : i32
        %dma_start3A_328 = arith.constant 0 : i32
        %dma_start3A_329 = tpu.memref_slice %arg8[%dma_start3A_317, %dma_start3A_326, %dma_start3A_327, %dma_start3A_328] : memref<3x8x8x256xf32, #tpu.memory_space<vmem>> -> memref<1x8x8x256xf32, #tpu.memory_space<vmem>>
        %dma_start3A_330 = tpu.memref_squeeze %dma_start3A_329 : memref<1x8x8x256xf32, #tpu.memory_space<vmem>> -> memref<8x8x256xf32, #tpu.memory_space<vmem>>
        %dma_start3A_331 = arith.constant 0 : i32
        %dma_start3A_332 = arith.constant 0 : i32
        %dma_start3A_333 = tpu.memref_slice %arg3[%dma_start3A_331, %dma_start3A_332, %multiple_of3A_316] : memref<8x8x1000000xf32, #tpu.memory_space<hbm>> -> memref<8x8x256xf32, #tpu.memory_space<hbm>>
        tpu.enqueue_dma source(%dma_start3A_333 : memref<8x8x256xf32, #tpu.memory_space<hbm>>) target(%dma_start3A_330 : memref<8x8x256xf32, #tpu.memory_space<vmem>>) target_semaphore(%arg13 : memref<!tpu.dma_semaphore, #tpu.memory_space<semaphore_mem>>)
      } else {
      }
      %lt3A_292 = arith.cmpi slt, %add3A_281, %select_n3A : i32
      %jit3A_293 = arith.constant -1 : i32
      %select_n3A_294 = arith.select %lt3A_292, %add3A_281, %jit3A_293 : i32
      %broadcast_in_dim3A_295 = vector.broadcast %select_n3A_294 : i32 to vector<16xi32>
      %broadcast_in_dim3A_296 = arith.constant 2 : i32
      %broadcast_in_dim3A_297 = vector.broadcast %broadcast_in_dim3A_296 : i32 to vector<16xi32>
      %while3A_298 = arith.constant 0 : i32
      %while3A_299 = arith.subi %shift_right_arithmetic3A_175, %while3A_298 : i32
      %while3A_300 = arith.addi %while3A_298, %while3A_299 : i32
      %while3A_301 = arith.constant 1 : i32
      %while3A_302 = arith.divsi %while3A_299, %while3A_301 : i32
      %while3A_303 = arith.muli %while3A_302, %while3A_301 : i32
      %while3A_304 = arith.addi %while3A_298, %while3A_303 : i32
      %while3A_305 = arith.constant 1 : i32
      %while3A_306 = scf.for %while3A_309 = %while3A_298 to %while3A_304 step %while3A_305 iter_args(%while3A_310 = %while3A_277) -> (i32)  : i32 {
        %mul3A_311 = arith.constant 16 : i32
        %mul3A_312 = arith.muli %while3A_309, %mul3A_311 : i32
        %get3A = arith.index_cast %mul3A_312 : i32 to index
        %get3A_313 = tpu.vector_load %arg7[%get3A] {strides = array<i32>} : memref<8208xi32, #tpu.memory_space<vmem>>, vector<16xi32>,
        %mul3A_314 = arith.constant 16 : i32
        %mul3A_315 = arith.muli %while3A_309, %mul3A_314 : i32
        %add3A_316 = vector.broadcast %mul3A_315 : i32 to vector<16xi32>
        %add3A_317 = arith.addi %add3A_316, %iota3A : vector<16xi32>
        %lt3A_318 = arith.cmpi slt, %add3A_317, %broadcast_in_dim3A_172 : vector<16xi32>
        %and3A_319 = arith.constant 32767 : i32
        %and3A_320 = vector.broadcast %and3A_319 : i32 to vector<16xi32>
        %and3A_321 = arith.andi %get3A_313, %and3A_320 : vector<16xi32>
        %shift_right_arithmetic3A_322 = arith.constant 8 : i32
        %shift_right_arithmetic3A_323 = vector.broadcast %shift_right_arithmetic3A_322 : i32 to vector<16xi32>
        %shift_right_arithmetic3A_324 = arith.shrsi %and3A_321, %shift_right_arithmetic3A_323 : vector<16xi32>
        %eq3A_325 = arith.cmpi eq, %shift_right_arithmetic3A_324, %broadcast_in_dim3A_295 : vector<16xi32>
        %and3A_326 = arith.andi %eq3A_325, %lt3A_318 : vector<16xi1>
        %while3A_327:2 = scf.while (%while3A_328 = %and3A_326, %while3A_329 = %while3A_310) : (vector<16xi1>, i32) -> (vector<16xi1>, i32) {
          %reduce_or3A = arith.constant 1.000000e+00 : f32
          %reduce_or3A_330 = arith.constant 0.000000e+00 : f32
          %reduce_or3A_331 = vector.broadcast %reduce_or3A : f32 to vector<16xf32>
          %reduce_or3A_332 = vector.broadcast %reduce_or3A_330 : f32 to vector<16xf32>
          %reduce_or3A_333 = arith.select %while3A_328, %reduce_or3A_331, %reduce_or3A_332 : vector<16xi1>, vector<16xf32>
          %reduce_or3A_334 = arith.constant true
          %reduce_or3A_335 = vector.broadcast %reduce_or3A_334 : i1 to vector<16xi1>
          %reduce_or3A_336 = tpu.scan <max>, %reduce_or3A_333 masked %reduce_or3A_335 : vector<16xf32>, vector<16xi1> -> vector<16xf32>
          %reduce_or3A_337 = vector.extract %reduce_or3A_336[15] : f32 from vector<16xf32>
          %reduce_or3A_338 = arith.constant 0.000000e+00 : f32
          %reduce_or3A_339 = arith.cmpf ogt, %reduce_or3A_337, %reduce_or3A_338 : f32
          scf.condition(%reduce_or3A_339) %while3A_328, %while3A_329 : vector<16xi1>, i32
        } do {
        ^bb0(%while3A_328: vector<16xi1>, %while3A_329: i32):
          %all_reduce_ffs3A = tpu.all_reduce %while3A_328 {dim = 0 : i64, kind = #tpu.reduction_kind<find_first_set>} : vector<16xi1> -> vector<16xi32>
          %lt3A_330 = arith.constant 0 : i32
          %lt3A_331 = vector.broadcast %lt3A_330 : i32 to vector<16xi32>
          %lt3A_332 = arith.cmpi slt, %all_reduce_ffs3A, %lt3A_331 : vector<16xi32>
          %add3A_333 = arith.constant 16 : i32
          %add3A_334 = vector.broadcast %add3A_333 : i32 to vector<16xi32>
          %add3A_335 = arith.addi %all_reduce_ffs3A, %add3A_334 : vector<16xi32>
          %select_n3A_336 = arith.select %lt3A_332, %add3A_335, %all_reduce_ffs3A : vector<16xi1>, vector<16xi32>
          %reshape3A = vector.shape_cast %select_n3A_336 : vector<16xi32> to vector<16x1xi32>
          %gather3A = vector.shape_cast %reshape3A : vector<16x1xi32> to vector<16xi32>
          %gather3A_337 = tpu.dynamic_gather %get3A_313[%gather3A] in [0] : vector<16xi32>, vector<16xi32> -> vector<16xi32>
          %and3A_338 = arith.constant 32767 : i32
          %and3A_339 = vector.broadcast %and3A_338 : i32 to vector<16xi32>
          %and3A_340 = arith.andi %gather3A_337, %and3A_339 : vector<16xi32>
          %shift_right_arithmetic3A_341 = arith.constant 15 : i32
          %shift_right_arithmetic3A_342 = vector.broadcast %shift_right_arithmetic3A_341 : i32 to vector<16xi32>
          %shift_right_arithmetic3A_343 = arith.shrsi %gather3A_337, %shift_right_arithmetic3A_342 : vector<16xi32>
          %add3A_344 = arith.constant 0 : i32
          %add3A_345 = vector.broadcast %add3A_344 : i32 to vector<16xi32>
          %add3A_346 = arith.addi %add3A_345, %iota3A : vector<16xi32>
          %shift_right_arithmetic3A_347 = arith.constant 3 : i32
          %shift_right_arithmetic3A_348 = vector.broadcast %shift_right_arithmetic3A_347 : i32 to vector<16xi32>
          %shift_right_arithmetic3A_349 = arith.shrsi %add3A_346, %shift_right_arithmetic3A_348 : vector<16xi32>
          %and3A_350 = arith.constant 7 : i32
          %and3A_351 = vector.broadcast %and3A_350 : i32 to vector<16xi32>
          %and3A_352 = arith.andi %add3A_346, %and3A_351 : vector<16xi32>
          %and3A_353 = arith.constant 255 : i32
          %and3A_354 = vector.broadcast %and3A_353 : i32 to vector<16xi32>
          %and3A_355 = arith.andi %and3A_340, %and3A_354 : vector<16xi32>
          %gather3A_356 = tpu.vector_load_idx %arg8[%broadcast_in_dim3A_297, %shift_right_arithmetic3A_349, %and3A_352, %and3A_355] : memref<3x8x8x256xf32, #tpu.memory_space<vmem>>[vector<16xi32>, vector<16xi32>, vector<16xi32>, vector<16xi32>], vector<16xf32>,
          %mul3A_357 = arith.constant 8.000000e+00 : f32
          %mul3A_358 = vector.broadcast %mul3A_357 : f32 to vector<16xf32>
          %mul3A_359 = arith.mulf %gather3A_356, %mul3A_358 : vector<16xf32>
          %swap3A_360 = arith.index_cast %while3A_329 : i32 to index
          %swap3A_361 = arith.constant 0 : index
          %swap3A_362 = tpu.vector_load %arg9[%swap3A_360, %swap3A_361] {strides = array<i32>} : memref<256x128xf32, #tpu.memory_space<vmem>>, vector<16xf32>,
          tpu.vector_store %arg9[%swap3A_360, %swap3A_361], %mul3A_359 {strides = array<i32>} : memref<256x128xf32, #tpu.memory_space<vmem>>, vector<16xf32>,
          %add3A_363 = arith.constant 16 : i32
          %add3A_364 = vector.broadcast %add3A_363 : i32 to vector<16xi32>
          %add3A_365 = arith.addi %add3A_364, %iota3A : vector<16xi32>
          %shift_right_arithmetic3A_366 = arith.constant 3 : i32
          %shift_right_arithmetic3A_367 = vector.broadcast %shift_right_arithmetic3A_366 : i32 to vector<16xi32>
          %shift_right_arithmetic3A_368 = arith.shrsi %add3A_365, %shift_right_arithmetic3A_367 : vector<16xi32>
          %and3A_369 = arith.constant 7 : i32
          %and3A_370 = vector.broadcast %and3A_369 : i32 to vector<16xi32>
          %and3A_371 = arith.andi %add3A_365, %and3A_370 : vector<16xi32>
          %and3A_372 = arith.constant 255 : i32
          %and3A_373 = vector.broadcast %and3A_372 : i32 to vector<16xi32>
          %and3A_374 = arith.andi %and3A_340, %and3A_373 : vector<16xi32>
          %gather3A_375 = tpu.vector_load_idx %arg8[%broadcast_in_dim3A_297, %shift_right_arithmetic3A_368, %and3A_371, %and3A_374] : memref<3x8x8x256xf32, #tpu.memory_space<vmem>>[vector<16xi32>, vector<16xi32>, vector<16xi32>, vector<16xi32>], vector<16xf32>,
          %mul3A_376 = arith.constant 8.000000e+00 : f32
          %mul3A_377 = vector.broadcast %mul3A_376 : f32 to vector<16xf32>
          %mul3A_378 = arith.mulf %gather3A_375, %mul3A_377 : vector<16xf32>
          %swap3A_379 = arith.index_cast %while3A_329 : i32 to index
          %swap3A_380 = arith.constant 16 : index
          %swap3A_381 = tpu.vector_load %arg9[%swap3A_379, %swap3A_380] {strides = array<i32>} : memref<256x128xf32, #tpu.memory_space<vmem>>, vector<16xf32>,
          tpu.vector_store %arg9[%swap3A_379, %swap3A_380], %mul3A_378 {strides = array<i32>} : memref<256x128xf32, #tpu.memory_space<vmem>>, vector<16xf32>,
          %add3A_382 = arith.constant 32 : i32
          %add3A_383 = vector.broadcast %add3A_382 : i32 to vector<16xi32>
          %add3A_384 = arith.addi %add3A_383, %iota3A : vector<16xi32>
          %shift_right_arithmetic3A_385 = arith.constant 3 : i32
          %shift_right_arithmetic3A_386 = vector.broadcast %shift_right_arithmetic3A_385 : i32 to vector<16xi32>
          %shift_right_arithmetic3A_387 = arith.shrsi %add3A_384, %shift_right_arithmetic3A_386 : vector<16xi32>
          %and3A_388 = arith.constant 7 : i32
          %and3A_389 = vector.broadcast %and3A_388 : i32 to vector<16xi32>
          %and3A_390 = arith.andi %add3A_384, %and3A_389 : vector<16xi32>
          %and3A_391 = arith.constant 255 : i32
          %and3A_392 = vector.broadcast %and3A_391 : i32 to vector<16xi32>
          %and3A_393 = arith.andi %and3A_340, %and3A_392 : vector<16xi32>
          %gather3A_394 = tpu.vector_load_idx %arg8[%broadcast_in_dim3A_297, %shift_right_arithmetic3A_387, %and3A_390, %and3A_393] : memref<3x8x8x256xf32, #tpu.memory_space<vmem>>[vector<16xi32>, vector<16xi32>, vector<16xi32>, vector<16xi32>], vector<16xf32>,
          %mul3A_395 = arith.constant 8.000000e+00 : f32
          %mul3A_396 = vector.broadcast %mul3A_395 : f32 to vector<16xf32>
          %mul3A_397 = arith.mulf %gather3A_394, %mul3A_396 : vector<16xf32>
          %swap3A_398 = arith.index_cast %while3A_329 : i32 to index
          %swap3A_399 = arith.constant 32 : index
          %swap3A_400 = tpu.vector_load %arg9[%swap3A_398, %swap3A_399] {strides = array<i32>} : memref<256x128xf32, #tpu.memory_space<vmem>>, vector<16xf32>,
          tpu.vector_store %arg9[%swap3A_398, %swap3A_399], %mul3A_397 {strides = array<i32>} : memref<256x128xf32, #tpu.memory_space<vmem>>, vector<16xf32>,
          %add3A_401 = arith.constant 48 : i32
          %add3A_402 = vector.broadcast %add3A_401 : i32 to vector<16xi32>
          %add3A_403 = arith.addi %add3A_402, %iota3A : vector<16xi32>
          %shift_right_arithmetic3A_404 = arith.constant 3 : i32
          %shift_right_arithmetic3A_405 = vector.broadcast %shift_right_arithmetic3A_404 : i32 to vector<16xi32>
          %shift_right_arithmetic3A_406 = arith.shrsi %add3A_403, %shift_right_arithmetic3A_405 : vector<16xi32>
          %and3A_407 = arith.constant 7 : i32
          %and3A_408 = vector.broadcast %and3A_407 : i32 to vector<16xi32>
          %and3A_409 = arith.andi %add3A_403, %and3A_408 : vector<16xi32>
          %and3A_410 = arith.constant 255 : i32
          %and3A_411 = vector.broadcast %and3A_410 : i32 to vector<16xi32>
          %and3A_412 = arith.andi %and3A_340, %and3A_411 : vector<16xi32>
          %gather3A_413 = tpu.vector_load_idx %arg8[%broadcast_in_dim3A_297, %shift_right_arithmetic3A_406, %and3A_409, %and3A_412] : memref<3x8x8x256xf32, #tpu.memory_space<vmem>>[vector<16xi32>, vector<16xi32>, vector<16xi32>, vector<16xi32>], vector<16xf32>,
          %mul3A_414 = arith.constant 8.000000e+00 : f32
          %mul3A_415 = vector.broadcast %mul3A_414 : f32 to vector<16xf32>
          %mul3A_416 = arith.mulf %gather3A_413, %mul3A_415 : vector<16xf32>
          %swap3A_417 = arith.index_cast %while3A_329 : i32 to index
          %swap3A_418 = arith.constant 48 : index
          %swap3A_419 = tpu.vector_load %arg9[%swap3A_417, %swap3A_418] {strides = array<i32>} : memref<256x128xf32, #tpu.memory_space<vmem>>, vector<16xf32>,
          tpu.vector_store %arg9[%swap3A_417, %swap3A_418], %mul3A_416 {strides = array<i32>} : memref<256x128xf32, #tpu.memory_space<vmem>>, vector<16xf32>,
          %shift_right_arithmetic3A_420 = arith.constant 7 : i32
          %shift_right_arithmetic3A_421 = arith.shrsi %while3A_329, %shift_right_arithmetic3A_420 : i32
          %broadcast_in_dim3A_422 = vector.broadcast %shift_right_arithmetic3A_421 : i32 to vector<16xi32>
          %and3A_423 = arith.constant 127 : i32
          %and3A_424 = arith.andi %while3A_329, %and3A_423 : i32
          %broadcast_in_dim3A_425 = vector.broadcast %and3A_424 : i32 to vector<16xi32>
          %lt3A_426 = arith.constant 1 : i32
          %lt3A_427 = vector.broadcast %lt3A_426 : i32 to vector<16xi32>
          %lt3A_428 = arith.cmpi slt, %iota3A, %lt3A_427 : vector<16xi32>
          tpu.vector_store_idx %arg10[%broadcast_in_dim3A_422, %broadcast_in_dim3A_425], %shift_right_arithmetic3A_343 masked %lt3A_428 : memref<2x128xi32, #tpu.memory_space<vmem>>[vector<16xi32>, vector<16xi32>], vector<16xi32>, vector<16xi1>
          %ne3A_429 = arith.cmpi ne, %iota3A, %all_reduce_ffs3A : vector<16xi32>
          %and3A_430 = arith.andi %while3A_328, %ne3A_429 : vector<16xi1>
          %shift_right_arithmetic3A_431 = arith.constant 7 : i32
          %shift_right_arithmetic3A_432 = arith.shrsi %while3A_329, %shift_right_arithmetic3A_431 : i32
          %and3A_433 = arith.constant 127 : i32
          %and3A_434 = arith.andi %while3A_329, %and3A_433 : i32
          %eq3A_435 = arith.constant 127 : i32
          %eq3A_436 = arith.cmpi eq, %and3A_434, %eq3A_435 : i32
          %convert_element_type3A_437 = arith.extui %eq3A_436 : i1 to i32
          %cond3A_438 = arith.constant 0 : i32
          %cond3A_439 = arith.constant 0 : i32
          %cond3A_440 = arith.cmpi ne, %convert_element_type3A_437, %cond3A_439 : i32
          %cond3A_441 = scf.if %cond3A_440 -> (i32) {
            %mul3A_446 = arith.constant 128 : i32
            %mul3A_447 = arith.muli %shift_right_arithmetic3A_432, %mul3A_446 : i32
            %multiple_of3A_448 = tpu.assume_multiple %mul3A_447, 128 : i32
            %dma_start3A_449 = arith.constant 0 : i32
            %dma_start3A_450 = tpu.memref_slice %arg9[%multiple_of3A_448, %dma_start3A_449] : memref<256x128xf32, #tpu.memory_space<vmem>> -> memref<128x128xf32, #tpu.memory_space<vmem>>
            %dma_start3A_451 = arith.constant 0 : i32
            %dma_start3A_452 = tpu.memref_slice %arg10[%shift_right_arithmetic3A_432, %dma_start3A_451] : memref<2x128xi32, #tpu.memory_space<vmem>> -> memref<1x128xi32, #tpu.memory_space<vmem>>
            %dma_start3A_453 = tpu.memref_squeeze %dma_start3A_452 : memref<1x128xi32, #tpu.memory_space<vmem>> -> memref<128xi32, #tpu.memory_space<vmem>>
            %dma_start3A_454 = arith.constant 0 : i32
            %dma_start3A_455 = arith.constant 0 : i32
            %dma_start3A_456 = tpu.memref_slice %arg5[%dma_start3A_454, %dma_start3A_455] : memref<8200x128xf32, #tpu.memory_space<hbm>> -> memref<8200x128xf32, #tpu.memory_space<hbm>>
            tpu.enqueue_indirect_dma source(%dma_start3A_450 : memref<128x128xf32, #tpu.memory_space<vmem>>) target(%dma_start3A_456 : memref<8200x128xf32, #tpu.memory_space<hbm>>) offsets(%dma_start3A_453 : memref<128xi32, #tpu.memory_space<vmem>>) semaphore(%arg15 : memref<!tpu.dma_semaphore, #tpu.memory_space<semaphore_mem>>)
            %dma_wait3A_457 = arith.constant 0 : i32
            %dma_wait3A_458 = tpu.memref_slice %arg9[%multiple_of3A_448, %dma_wait3A_457] : memref<256x128xf32, #tpu.memory_space<vmem>> -> memref<128x128xf32, #tpu.memory_space<vmem>>
            %dma_wait3A_459 = arith.constant 0 : i32
            %dma_wait3A_460 = tpu.memref_slice %arg10[%shift_right_arithmetic3A_432, %dma_wait3A_459] : memref<2x128xi32, #tpu.memory_space<vmem>> -> memref<1x128xi32, #tpu.memory_space<vmem>>
            %dma_wait3A_461 = tpu.memref_squeeze %dma_wait3A_460 : memref<1x128xi32, #tpu.memory_space<vmem>> -> memref<128xi32, #tpu.memory_space<vmem>>
            %dma_wait3A_462 = arith.constant 0 : i32
            %dma_wait3A_463 = arith.constant 0 : i32
            %dma_wait3A_464 = tpu.memref_slice %arg5[%dma_wait3A_462, %dma_wait3A_463] : memref<8200x128xf32, #tpu.memory_space<hbm>> -> memref<8200x128xf32, #tpu.memory_space<hbm>>
            tpu.wait_indirect_dma semaphore(%arg15 : memref<!tpu.dma_semaphore, #tpu.memory_space<semaphore_mem>>) src(%dma_wait3A_458 : memref<128x128xf32, #tpu.memory_space<vmem>>) dst(%dma_wait3A_464 : memref<8200x128xf32, #tpu.memory_space<hbm>>)
            %broadcast_in_dim3A_465 = vector.broadcast %shift_right_arithmetic3A_432 : i32 to vector<16xi32>
            %add3A_466 = arith.constant 0 : i32
            %add3A_467 = vector.broadcast %add3A_466 : i32 to vector<16xi32>
            %add3A_468 = arith.addi %add3A_467, %iota3A : vector<16xi32>
            %broadcast_in_dim3A_469 = arith.constant 8192 : i32
            %broadcast_in_dim3A_470 = vector.broadcast %broadcast_in_dim3A_469 : i32 to vector<16xi32>
            %ge3A = arith.constant 0 : i32
            %ge3A_471 = vector.broadcast %ge3A : i32 to vector<16xi32>
            %ge3A_472 = arith.cmpi sge, %iota3A, %ge3A_471 : vector<16xi32>
            tpu.vector_store_idx %arg10[%broadcast_in_dim3A_465, %add3A_468], %broadcast_in_dim3A_470 masked %ge3A_472 : memref<2x128xi32, #tpu.memory_space<vmem>>[vector<16xi32>, vector<16xi32>], vector<16xi32>, vector<16xi1>
            %broadcast_in_dim3A_473 = vector.broadcast %shift_right_arithmetic3A_432 : i32 to vector<16xi32>
            %add3A_474 = arith.constant 16 : i32
            %add3A_475 = vector.broadcast %add3A_474 : i32 to vector<16xi32>
            %add3A_476 = arith.addi %add3A_475, %iota3A : vector<16xi32>
            %broadcast_in_dim3A_477 = arith.constant 8192 : i32
            %broadcast_in_dim3A_478 = vector.broadcast %broadcast_in_dim3A_477 : i32 to vector<16xi32>
            %ge3A_479 = arith.constant 0 : i32
            %ge3A_480 = vector.broadcast %ge3A_479 : i32 to vector<16xi32>
            %ge3A_481 = arith.cmpi sge, %iota3A, %ge3A_480 : vector<16xi32>
            tpu.vector_store_idx %arg10[%broadcast_in_dim3A_473, %add3A_476], %broadcast_in_dim3A_478 masked %ge3A_481 : memref<2x128xi32, #tpu.memory_space<vmem>>[vector<16xi32>, vector<16xi32>], vector<16xi32>, vector<16xi1>
            %broadcast_in_dim3A_482 = vector.broadcast %shift_right_arithmetic3A_432 : i32 to vector<16xi32>
            %add3A_483 = arith.constant 32 : i32
            %add3A_484 = vector.broadcast %add3A_483 : i32 to vector<16xi32>
            %add3A_485 = arith.addi %add3A_484, %iota3A : vector<16xi32>
            %broadcast_in_dim3A_486 = arith.constant 8192 : i32
            %broadcast_in_dim3A_487 = vector.broadcast %broadcast_in_dim3A_486 : i32 to vector<16xi32>
            %ge3A_488 = arith.constant 0 : i32
            %ge3A_489 = vector.broadcast %ge3A_488 : i32 to vector<16xi32>
            %ge3A_490 = arith.cmpi sge, %iota3A, %ge3A_489 : vector<16xi32>
            tpu.vector_store_idx %arg10[%broadcast_in_dim3A_482, %add3A_485], %broadcast_in_dim3A_487 masked %ge3A_490 : memref<2x128xi32, #tpu.memory_space<vmem>>[vector<16xi32>, vector<16xi32>], vector<16xi32>, vector<16xi1>
            %broadcast_in_dim3A_491 = vector.broadcast %shift_right_arithmetic3A_432 : i32 to vector<16xi32>
            %add3A_492 = arith.constant 48 : i32
            %add3A_493 = vector.broadcast %add3A_492 : i32 to vector<16xi32>
            %add3A_494 = arith.addi %add3A_493, %iota3A : vector<16xi32>
            %broadcast_in_dim3A_495 = arith.constant 8192 : i32
            %broadcast_in_dim3A_496 = vector.broadcast %broadcast_in_dim3A_495 : i32 to vector<16xi32>
            %ge3A_497 = arith.constant 0 : i32
            %ge3A_498 = vector.broadcast %ge3A_497 : i32 to vector<16xi32>
            %ge3A_499 = arith.cmpi sge, %iota3A, %ge3A_498 : vector<16xi32>
            tpu.vector_store_idx %arg10[%broadcast_in_dim3A_491, %add3A_494], %broadcast_in_dim3A_496 masked %ge3A_499 : memref<2x128xi32, #tpu.memory_space<vmem>>[vector<16xi32>, vector<16xi32>], vector<16xi32>, vector<16xi1>
            %broadcast_in_dim3A_500 = vector.broadcast %shift_right_arithmetic3A_432 : i32 to vector<16xi32>
            %add3A_501 = arith.constant 64 : i32
            %add3A_502 = vector.broadcast %add3A_501 : i32 to vector<16xi32>
            %add3A_503 = arith.addi %add3A_502, %iota3A : vector<16xi32>
            %broadcast_in_dim3A_504 = arith.constant 8192 : i32
            %broadcast_in_dim3A_505 = vector.broadcast %broadcast_in_dim3A_504 : i32 to vector<16xi32>
            %ge3A_506 = arith.constant 0 : i32
            %ge3A_507 = vector.broadcast %ge3A_506 : i32 to vector<16xi32>
            %ge3A_508 = arith.cmpi sge, %iota3A, %ge3A_507 : vector<16xi32>
            tpu.vector_store_idx %arg10[%broadcast_in_dim3A_500, %add3A_503], %broadcast_in_dim3A_505 masked %ge3A_508 : memref<2x128xi32, #tpu.memory_space<vmem>>[vector<16xi32>, vector<16xi32>], vector<16xi32>, vector<16xi1>
            %broadcast_in_dim3A_509 = vector.broadcast %shift_right_arithmetic3A_432 : i32 to vector<16xi32>
            %add3A_510 = arith.constant 80 : i32
            %add3A_511 = vector.broadcast %add3A_510 : i32 to vector<16xi32>
            %add3A_512 = arith.addi %add3A_511, %iota3A : vector<16xi32>
            %broadcast_in_dim3A_513 = arith.constant 8192 : i32
            %broadcast_in_dim3A_514 = vector.broadcast %broadcast_in_dim3A_513 : i32 to vector<16xi32>
            %ge3A_515 = arith.constant 0 : i32
            %ge3A_516 = vector.broadcast %ge3A_515 : i32 to vector<16xi32>
            %ge3A_517 = arith.cmpi sge, %iota3A, %ge3A_516 : vector<16xi32>
            tpu.vector_store_idx %arg10[%broadcast_in_dim3A_509, %add3A_512], %broadcast_in_dim3A_514 masked %ge3A_517 : memref<2x128xi32, #tpu.memory_space<vmem>>[vector<16xi32>, vector<16xi32>], vector<16xi32>, vector<16xi1>
            %broadcast_in_dim3A_518 = vector.broadcast %shift_right_arithmetic3A_432 : i32 to vector<16xi32>
            %add3A_519 = arith.constant 96 : i32
            %add3A_520 = vector.broadcast %add3A_519 : i32 to vector<16xi32>
            %add3A_521 = arith.addi %add3A_520, %iota3A : vector<16xi32>
            %broadcast_in_dim3A_522 = arith.constant 8192 : i32
            %broadcast_in_dim3A_523 = vector.broadcast %broadcast_in_dim3A_522 : i32 to vector<16xi32>
            %ge3A_524 = arith.constant 0 : i32
            %ge3A_525 = vector.broadcast %ge3A_524 : i32 to vector<16xi32>
            %ge3A_526 = arith.cmpi sge, %iota3A, %ge3A_525 : vector<16xi32>
            tpu.vector_store_idx %arg10[%broadcast_in_dim3A_518, %add3A_521], %broadcast_in_dim3A_523 masked %ge3A_526 : memref<2x128xi32, #tpu.memory_space<vmem>>[vector<16xi32>, vector<16xi32>], vector<16xi32>, vector<16xi1>
            %broadcast_in_dim3A_527 = vector.broadcast %shift_right_arithmetic3A_432 : i32 to vector<16xi32>
            %add3A_528 = arith.constant 112 : i32
            %add3A_529 = vector.broadcast %add3A_528 : i32 to vector<16xi32>
            %add3A_530 = arith.addi %add3A_529, %iota3A : vector<16xi32>
            %broadcast_in_dim3A_531 = arith.constant 8192 : i32
            %broadcast_in_dim3A_532 = vector.broadcast %broadcast_in_dim3A_531 : i32 to vector<16xi32>
            %ge3A_533 = arith.constant 0 : i32
            %ge3A_534 = vector.broadcast %ge3A_533 : i32 to vector<16xi32>
            %ge3A_535 = arith.cmpi sge, %iota3A, %ge3A_534 : vector<16xi32>
            tpu.vector_store_idx %arg10[%broadcast_in_dim3A_527, %add3A_530], %broadcast_in_dim3A_532 masked %ge3A_535 : memref<2x128xi32, #tpu.memory_space<vmem>>[vector<16xi32>, vector<16xi32>], vector<16xi32>, vector<16xi1>
            %cond3A_536 = arith.constant 0 : i32
            scf.yield %cond3A_536 : i32
          } else {
            %cond3A_446 = arith.constant 0 : i32
            scf.yield %cond3A_446 : i32
          }
          %add3A_442 = arith.constant 1 : i32
          %add3A_443 = arith.addi %while3A_329, %add3A_442 : i32
          %and3A_444 = arith.constant 255 : i32
          %and3A_445 = arith.andi %add3A_443, %and3A_444 : i32
          scf.yield %and3A_430, %and3A_445 : vector<16xi1>, i32
        }
        scf.yield %while3A_327#1 : i32
      }
      %while3A_307 = arith.constant 1 : i32
      %while3A_308 = scf.for %while3A_309 = %while3A_304 to %while3A_300 step %while3A_307 iter_args(%while3A_310 = %while3A_306) -> (i32)  : i32 {
        %mul3A_311 = arith.constant 16 : i32
        %mul3A_312 = arith.muli %while3A_309, %mul3A_311 : i32
        %get3A = arith.index_cast %mul3A_312 : i32 to index
        %get3A_313 = tpu.vector_load %arg7[%get3A] {strides = array<i32>} : memref<8208xi32, #tpu.memory_space<vmem>>, vector<16xi32>,
        %mul3A_314 = arith.constant 16 : i32
        %mul3A_315 = arith.muli %while3A_309, %mul3A_314 : i32
        %add3A_316 = vector.broadcast %mul3A_315 : i32 to vector<16xi32>
        %add3A_317 = arith.addi %add3A_316, %iota3A : vector<16xi32>
        %lt3A_318 = arith.cmpi slt, %add3A_317, %broadcast_in_dim3A_172 : vector<16xi32>
        %and3A_319 = arith.constant 32767 : i32
        %and3A_320 = vector.broadcast %and3A_319 : i32 to vector<16xi32>
        %and3A_321 = arith.andi %get3A_313, %and3A_320 : vector<16xi32>
        %shift_right_arithmetic3A_322 = arith.constant 8 : i32
        %shift_right_arithmetic3A_323 = vector.broadcast %shift_right_arithmetic3A_322 : i32 to vector<16xi32>
        %shift_right_arithmetic3A_324 = arith.shrsi %and3A_321, %shift_right_arithmetic3A_323 : vector<16xi32>
        %eq3A_325 = arith.cmpi eq, %shift_right_arithmetic3A_324, %broadcast_in_dim3A_295 : vector<16xi32>
        %and3A_326 = arith.andi %eq3A_325, %lt3A_318 : vector<16xi1>
        %while3A_327:2 = scf.while (%while3A_328 = %and3A_326, %while3A_329 = %while3A_310) : (vector<16xi1>, i32) -> (vector<16xi1>, i32) {
          %reduce_or3A = arith.constant 1.000000e+00 : f32
          %reduce_or3A_330 = arith.constant 0.000000e+00 : f32
          %reduce_or3A_331 = vector.broadcast %reduce_or3A : f32 to vector<16xf32>
          %reduce_or3A_332 = vector.broadcast %reduce_or3A_330 : f32 to vector<16xf32>
          %reduce_or3A_333 = arith.select %while3A_328, %reduce_or3A_331, %reduce_or3A_332 : vector<16xi1>, vector<16xf32>
          %reduce_or3A_334 = arith.constant true
          %reduce_or3A_335 = vector.broadcast %reduce_or3A_334 : i1 to vector<16xi1>
          %reduce_or3A_336 = tpu.scan <max>, %reduce_or3A_333 masked %reduce_or3A_335 : vector<16xf32>, vector<16xi1> -> vector<16xf32>
          %reduce_or3A_337 = vector.extract %reduce_or3A_336[15] : f32 from vector<16xf32>
          %reduce_or3A_338 = arith.constant 0.000000e+00 : f32
          %reduce_or3A_339 = arith.cmpf ogt, %reduce_or3A_337, %reduce_or3A_338 : f32
          scf.condition(%reduce_or3A_339) %while3A_328, %while3A_329 : vector<16xi1>, i32
        } do {
        ^bb0(%while3A_328: vector<16xi1>, %while3A_329: i32):
          %all_reduce_ffs3A = tpu.all_reduce %while3A_328 {dim = 0 : i64, kind = #tpu.reduction_kind<find_first_set>} : vector<16xi1> -> vector<16xi32>
          %lt3A_330 = arith.constant 0 : i32
          %lt3A_331 = vector.broadcast %lt3A_330 : i32 to vector<16xi32>
          %lt3A_332 = arith.cmpi slt, %all_reduce_ffs3A, %lt3A_331 : vector<16xi32>
          %add3A_333 = arith.constant 16 : i32
          %add3A_334 = vector.broadcast %add3A_333 : i32 to vector<16xi32>
          %add3A_335 = arith.addi %all_reduce_ffs3A, %add3A_334 : vector<16xi32>
          %select_n3A_336 = arith.select %lt3A_332, %add3A_335, %all_reduce_ffs3A : vector<16xi1>, vector<16xi32>
          %reshape3A = vector.shape_cast %select_n3A_336 : vector<16xi32> to vector<16x1xi32>
          %gather3A = vector.shape_cast %reshape3A : vector<16x1xi32> to vector<16xi32>
          %gather3A_337 = tpu.dynamic_gather %get3A_313[%gather3A] in [0] : vector<16xi32>, vector<16xi32> -> vector<16xi32>
          %and3A_338 = arith.constant 32767 : i32
          %and3A_339 = vector.broadcast %and3A_338 : i32 to vector<16xi32>
          %and3A_340 = arith.andi %gather3A_337, %and3A_339 : vector<16xi32>
          %shift_right_arithmetic3A_341 = arith.constant 15 : i32
          %shift_right_arithmetic3A_342 = vector.broadcast %shift_right_arithmetic3A_341 : i32 to vector<16xi32>
          %shift_right_arithmetic3A_343 = arith.shrsi %gather3A_337, %shift_right_arithmetic3A_342 : vector<16xi32>
          %add3A_344 = arith.constant 0 : i32
          %add3A_345 = vector.broadcast %add3A_344 : i32 to vector<16xi32>
          %add3A_346 = arith.addi %add3A_345, %iota3A : vector<16xi32>
          %shift_right_arithmetic3A_347 = arith.constant 3 : i32
          %shift_right_arithmetic3A_348 = vector.broadcast %shift_right_arithmetic3A_347 : i32 to vector<16xi32>
          %shift_right_arithmetic3A_349 = arith.shrsi %add3A_346, %shift_right_arithmetic3A_348 : vector<16xi32>
          %and3A_350 = arith.constant 7 : i32
          %and3A_351 = vector.broadcast %and3A_350 : i32 to vector<16xi32>
          %and3A_352 = arith.andi %add3A_346, %and3A_351 : vector<16xi32>
          %and3A_353 = arith.constant 255 : i32
          %and3A_354 = vector.broadcast %and3A_353 : i32 to vector<16xi32>
          %and3A_355 = arith.andi %and3A_340, %and3A_354 : vector<16xi32>
          %gather3A_356 = tpu.vector_load_idx %arg8[%broadcast_in_dim3A_297, %shift_right_arithmetic3A_349, %and3A_352, %and3A_355] : memref<3x8x8x256xf32, #tpu.memory_space<vmem>>[vector<16xi32>, vector<16xi32>, vector<16xi32>, vector<16xi32>], vector<16xf32>,
          %mul3A_357 = arith.constant 8.000000e+00 : f32
          %mul3A_358 = vector.broadcast %mul3A_357 : f32 to vector<16xf32>
          %mul3A_359 = arith.mulf %gather3A_356, %mul3A_358 : vector<16xf32>
          %swap3A_360 = arith.index_cast %while3A_329 : i32 to index
          %swap3A_361 = arith.constant 0 : index
          %swap3A_362 = tpu.vector_load %arg9[%swap3A_360, %swap3A_361] {strides = array<i32>} : memref<256x128xf32, #tpu.memory_space<vmem>>, vector<16xf32>,
          tpu.vector_store %arg9[%swap3A_360, %swap3A_361], %mul3A_359 {strides = array<i32>} : memref<256x128xf32, #tpu.memory_space<vmem>>, vector<16xf32>,
          %add3A_363 = arith.constant 16 : i32
          %add3A_364 = vector.broadcast %add3A_363 : i32 to vector<16xi32>
          %add3A_365 = arith.addi %add3A_364, %iota3A : vector<16xi32>
          %shift_right_arithmetic3A_366 = arith.constant 3 : i32
          %shift_right_arithmetic3A_367 = vector.broadcast %shift_right_arithmetic3A_366 : i32 to vector<16xi32>
          %shift_right_arithmetic3A_368 = arith.shrsi %add3A_365, %shift_right_arithmetic3A_367 : vector<16xi32>
          %and3A_369 = arith.constant 7 : i32
          %and3A_370 = vector.broadcast %and3A_369 : i32 to vector<16xi32>
          %and3A_371 = arith.andi %add3A_365, %and3A_370 : vector<16xi32>
          %and3A_372 = arith.constant 255 : i32
          %and3A_373 = vector.broadcast %and3A_372 : i32 to vector<16xi32>
          %and3A_374 = arith.andi %and3A_340, %and3A_373 : vector<16xi32>
          %gather3A_375 = tpu.vector_load_idx %arg8[%broadcast_in_dim3A_297, %shift_right_arithmetic3A_368, %and3A_371, %and3A_374] : memref<3x8x8x256xf32, #tpu.memory_space<vmem>>[vector<16xi32>, vector<16xi32>, vector<16xi32>, vector<16xi32>], vector<16xf32>,
          %mul3A_376 = arith.constant 8.000000e+00 : f32
          %mul3A_377 = vector.broadcast %mul3A_376 : f32 to vector<16xf32>
          %mul3A_378 = arith.mulf %gather3A_375, %mul3A_377 : vector<16xf32>
          %swap3A_379 = arith.index_cast %while3A_329 : i32 to index
          %swap3A_380 = arith.constant 16 : index
          %swap3A_381 = tpu.vector_load %arg9[%swap3A_379, %swap3A_380] {strides = array<i32>} : memref<256x128xf32, #tpu.memory_space<vmem>>, vector<16xf32>,
          tpu.vector_store %arg9[%swap3A_379, %swap3A_380], %mul3A_378 {strides = array<i32>} : memref<256x128xf32, #tpu.memory_space<vmem>>, vector<16xf32>,
          %add3A_382 = arith.constant 32 : i32
          %add3A_383 = vector.broadcast %add3A_382 : i32 to vector<16xi32>
          %add3A_384 = arith.addi %add3A_383, %iota3A : vector<16xi32>
          %shift_right_arithmetic3A_385 = arith.constant 3 : i32
          %shift_right_arithmetic3A_386 = vector.broadcast %shift_right_arithmetic3A_385 : i32 to vector<16xi32>
          %shift_right_arithmetic3A_387 = arith.shrsi %add3A_384, %shift_right_arithmetic3A_386 : vector<16xi32>
          %and3A_388 = arith.constant 7 : i32
          %and3A_389 = vector.broadcast %and3A_388 : i32 to vector<16xi32>
          %and3A_390 = arith.andi %add3A_384, %and3A_389 : vector<16xi32>
          %and3A_391 = arith.constant 255 : i32
          %and3A_392 = vector.broadcast %and3A_391 : i32 to vector<16xi32>
          %and3A_393 = arith.andi %and3A_340, %and3A_392 : vector<16xi32>
          %gather3A_394 = tpu.vector_load_idx %arg8[%broadcast_in_dim3A_297, %shift_right_arithmetic3A_387, %and3A_390, %and3A_393] : memref<3x8x8x256xf32, #tpu.memory_space<vmem>>[vector<16xi32>, vector<16xi32>, vector<16xi32>, vector<16xi32>], vector<16xf32>,
          %mul3A_395 = arith.constant 8.000000e+00 : f32
          %mul3A_396 = vector.broadcast %mul3A_395 : f32 to vector<16xf32>
          %mul3A_397 = arith.mulf %gather3A_394, %mul3A_396 : vector<16xf32>
          %swap3A_398 = arith.index_cast %while3A_329 : i32 to index
          %swap3A_399 = arith.constant 32 : index
          %swap3A_400 = tpu.vector_load %arg9[%swap3A_398, %swap3A_399] {strides = array<i32>} : memref<256x128xf32, #tpu.memory_space<vmem>>, vector<16xf32>,
          tpu.vector_store %arg9[%swap3A_398, %swap3A_399], %mul3A_397 {strides = array<i32>} : memref<256x128xf32, #tpu.memory_space<vmem>>, vector<16xf32>,
          %add3A_401 = arith.constant 48 : i32
          %add3A_402 = vector.broadcast %add3A_401 : i32 to vector<16xi32>
          %add3A_403 = arith.addi %add3A_402, %iota3A : vector<16xi32>
          %shift_right_arithmetic3A_404 = arith.constant 3 : i32
          %shift_right_arithmetic3A_405 = vector.broadcast %shift_right_arithmetic3A_404 : i32 to vector<16xi32>
          %shift_right_arithmetic3A_406 = arith.shrsi %add3A_403, %shift_right_arithmetic3A_405 : vector<16xi32>
          %and3A_407 = arith.constant 7 : i32
          %and3A_408 = vector.broadcast %and3A_407 : i32 to vector<16xi32>
          %and3A_409 = arith.andi %add3A_403, %and3A_408 : vector<16xi32>
          %and3A_410 = arith.constant 255 : i32
          %and3A_411 = vector.broadcast %and3A_410 : i32 to vector<16xi32>
          %and3A_412 = arith.andi %and3A_340, %and3A_411 : vector<16xi32>
          %gather3A_413 = tpu.vector_load_idx %arg8[%broadcast_in_dim3A_297, %shift_right_arithmetic3A_406, %and3A_409, %and3A_412] : memref<3x8x8x256xf32, #tpu.memory_space<vmem>>[vector<16xi32>, vector<16xi32>, vector<16xi32>, vector<16xi32>], vector<16xf32>,
          %mul3A_414 = arith.constant 8.000000e+00 : f32
          %mul3A_415 = vector.broadcast %mul3A_414 : f32 to vector<16xf32>
          %mul3A_416 = arith.mulf %gather3A_413, %mul3A_415 : vector<16xf32>
          %swap3A_417 = arith.index_cast %while3A_329 : i32 to index
          %swap3A_418 = arith.constant 48 : index
          %swap3A_419 = tpu.vector_load %arg9[%swap3A_417, %swap3A_418] {strides = array<i32>} : memref<256x128xf32, #tpu.memory_space<vmem>>, vector<16xf32>,
          tpu.vector_store %arg9[%swap3A_417, %swap3A_418], %mul3A_416 {strides = array<i32>} : memref<256x128xf32, #tpu.memory_space<vmem>>, vector<16xf32>,
          %shift_right_arithmetic3A_420 = arith.constant 7 : i32
          %shift_right_arithmetic3A_421 = arith.shrsi %while3A_329, %shift_right_arithmetic3A_420 : i32
          %broadcast_in_dim3A_422 = vector.broadcast %shift_right_arithmetic3A_421 : i32 to vector<16xi32>
          %and3A_423 = arith.constant 127 : i32
          %and3A_424 = arith.andi %while3A_329, %and3A_423 : i32
          %broadcast_in_dim3A_425 = vector.broadcast %and3A_424 : i32 to vector<16xi32>
          %lt3A_426 = arith.constant 1 : i32
          %lt3A_427 = vector.broadcast %lt3A_426 : i32 to vector<16xi32>
          %lt3A_428 = arith.cmpi slt, %iota3A, %lt3A_427 : vector<16xi32>
          tpu.vector_store_idx %arg10[%broadcast_in_dim3A_422, %broadcast_in_dim3A_425], %shift_right_arithmetic3A_343 masked %lt3A_428 : memref<2x128xi32, #tpu.memory_space<vmem>>[vector<16xi32>, vector<16xi32>], vector<16xi32>, vector<16xi1>
          %ne3A_429 = arith.cmpi ne, %iota3A, %all_reduce_ffs3A : vector<16xi32>
          %and3A_430 = arith.andi %while3A_328, %ne3A_429 : vector<16xi1>
          %shift_right_arithmetic3A_431 = arith.constant 7 : i32
          %shift_right_arithmetic3A_432 = arith.shrsi %while3A_329, %shift_right_arithmetic3A_431 : i32
          %and3A_433 = arith.constant 127 : i32
          %and3A_434 = arith.andi %while3A_329, %and3A_433 : i32
          %eq3A_435 = arith.constant 127 : i32
          %eq3A_436 = arith.cmpi eq, %and3A_434, %eq3A_435 : i32
          %convert_element_type3A_437 = arith.extui %eq3A_436 : i1 to i32
          %cond3A_438 = arith.constant 0 : i32
          %cond3A_439 = arith.constant 0 : i32
          %cond3A_440 = arith.cmpi ne, %convert_element_type3A_437, %cond3A_439 : i32
          %cond3A_441 = scf.if %cond3A_440 -> (i32) {
            %mul3A_446 = arith.constant 128 : i32
            %mul3A_447 = arith.muli %shift_right_arithmetic3A_432, %mul3A_446 : i32
            %multiple_of3A_448 = tpu.assume_multiple %mul3A_447, 128 : i32
            %dma_start3A_449 = arith.constant 0 : i32
            %dma_start3A_450 = tpu.memref_slice %arg9[%multiple_of3A_448, %dma_start3A_449] : memref<256x128xf32, #tpu.memory_space<vmem>> -> memref<128x128xf32, #tpu.memory_space<vmem>>
            %dma_start3A_451 = arith.constant 0 : i32
            %dma_start3A_452 = tpu.memref_slice %arg10[%shift_right_arithmetic3A_432, %dma_start3A_451] : memref<2x128xi32, #tpu.memory_space<vmem>> -> memref<1x128xi32, #tpu.memory_space<vmem>>
            %dma_start3A_453 = tpu.memref_squeeze %dma_start3A_452 : memref<1x128xi32, #tpu.memory_space<vmem>> -> memref<128xi32, #tpu.memory_space<vmem>>
            %dma_start3A_454 = arith.constant 0 : i32
            %dma_start3A_455 = arith.constant 0 : i32
            %dma_start3A_456 = tpu.memref_slice %arg5[%dma_start3A_454, %dma_start3A_455] : memref<8200x128xf32, #tpu.memory_space<hbm>> -> memref<8200x128xf32, #tpu.memory_space<hbm>>
            tpu.enqueue_indirect_dma source(%dma_start3A_450 : memref<128x128xf32, #tpu.memory_space<vmem>>) target(%dma_start3A_456 : memref<8200x128xf32, #tpu.memory_space<hbm>>) offsets(%dma_start3A_453 : memref<128xi32, #tpu.memory_space<vmem>>) semaphore(%arg15 : memref<!tpu.dma_semaphore, #tpu.memory_space<semaphore_mem>>)
            %dma_wait3A_457 = arith.constant 0 : i32
            %dma_wait3A_458 = tpu.memref_slice %arg9[%multiple_of3A_448, %dma_wait3A_457] : memref<256x128xf32, #tpu.memory_space<vmem>> -> memref<128x128xf32, #tpu.memory_space<vmem>>
            %dma_wait3A_459 = arith.constant 0 : i32
            %dma_wait3A_460 = tpu.memref_slice %arg10[%shift_right_arithmetic3A_432, %dma_wait3A_459] : memref<2x128xi32, #tpu.memory_space<vmem>> -> memref<1x128xi32, #tpu.memory_space<vmem>>
            %dma_wait3A_461 = tpu.memref_squeeze %dma_wait3A_460 : memref<1x128xi32, #tpu.memory_space<vmem>> -> memref<128xi32, #tpu.memory_space<vmem>>
            %dma_wait3A_462 = arith.constant 0 : i32
            %dma_wait3A_463 = arith.constant 0 : i32
            %dma_wait3A_464 = tpu.memref_slice %arg5[%dma_wait3A_462, %dma_wait3A_463] : memref<8200x128xf32, #tpu.memory_space<hbm>> -> memref<8200x128xf32, #tpu.memory_space<hbm>>
            tpu.wait_indirect_dma semaphore(%arg15 : memref<!tpu.dma_semaphore, #tpu.memory_space<semaphore_mem>>) src(%dma_wait3A_458 : memref<128x128xf32, #tpu.memory_space<vmem>>) dst(%dma_wait3A_464 : memref<8200x128xf32, #tpu.memory_space<hbm>>)
            %broadcast_in_dim3A_465 = vector.broadcast %shift_right_arithmetic3A_432 : i32 to vector<16xi32>
            %add3A_466 = arith.constant 0 : i32
            %add3A_467 = vector.broadcast %add3A_466 : i32 to vector<16xi32>
            %add3A_468 = arith.addi %add3A_467, %iota3A : vector<16xi32>
            %broadcast_in_dim3A_469 = arith.constant 8192 : i32
            %broadcast_in_dim3A_470 = vector.broadcast %broadcast_in_dim3A_469 : i32 to vector<16xi32>
            %ge3A = arith.constant 0 : i32
            %ge3A_471 = vector.broadcast %ge3A : i32 to vector<16xi32>
            %ge3A_472 = arith.cmpi sge, %iota3A, %ge3A_471 : vector<16xi32>
            tpu.vector_store_idx %arg10[%broadcast_in_dim3A_465, %add3A_468], %broadcast_in_dim3A_470 masked %ge3A_472 : memref<2x128xi32, #tpu.memory_space<vmem>>[vector<16xi32>, vector<16xi32>], vector<16xi32>, vector<16xi1>
            %broadcast_in_dim3A_473 = vector.broadcast %shift_right_arithmetic3A_432 : i32 to vector<16xi32>
            %add3A_474 = arith.constant 16 : i32
            %add3A_475 = vector.broadcast %add3A_474 : i32 to vector<16xi32>
            %add3A_476 = arith.addi %add3A_475, %iota3A : vector<16xi32>
            %broadcast_in_dim3A_477 = arith.constant 8192 : i32
            %broadcast_in_dim3A_478 = vector.broadcast %broadcast_in_dim3A_477 : i32 to vector<16xi32>
            %ge3A_479 = arith.constant 0 : i32
            %ge3A_480 = vector.broadcast %ge3A_479 : i32 to vector<16xi32>
            %ge3A_481 = arith.cmpi sge, %iota3A, %ge3A_480 : vector<16xi32>
            tpu.vector_store_idx %arg10[%broadcast_in_dim3A_473, %add3A_476], %broadcast_in_dim3A_478 masked %ge3A_481 : memref<2x128xi32, #tpu.memory_space<vmem>>[vector<16xi32>, vector<16xi32>], vector<16xi32>, vector<16xi1>
            %broadcast_in_dim3A_482 = vector.broadcast %shift_right_arithmetic3A_432 : i32 to vector<16xi32>
            %add3A_483 = arith.constant 32 : i32
            %add3A_484 = vector.broadcast %add3A_483 : i32 to vector<16xi32>
            %add3A_485 = arith.addi %add3A_484, %iota3A : vector<16xi32>
            %broadcast_in_dim3A_486 = arith.constant 8192 : i32
            %broadcast_in_dim3A_487 = vector.broadcast %broadcast_in_dim3A_486 : i32 to vector<16xi32>
            %ge3A_488 = arith.constant 0 : i32
            %ge3A_489 = vector.broadcast %ge3A_488 : i32 to vector<16xi32>
            %ge3A_490 = arith.cmpi sge, %iota3A, %ge3A_489 : vector<16xi32>
            tpu.vector_store_idx %arg10[%broadcast_in_dim3A_482, %add3A_485], %broadcast_in_dim3A_487 masked %ge3A_490 : memref<2x128xi32, #tpu.memory_space<vmem>>[vector<16xi32>, vector<16xi32>], vector<16xi32>, vector<16xi1>
            %broadcast_in_dim3A_491 = vector.broadcast %shift_right_arithmetic3A_432 : i32 to vector<16xi32>
            %add3A_492 = arith.constant 48 : i32
            %add3A_493 = vector.broadcast %add3A_492 : i32 to vector<16xi32>
            %add3A_494 = arith.addi %add3A_493, %iota3A : vector<16xi32>
            %broadcast_in_dim3A_495 = arith.constant 8192 : i32
            %broadcast_in_dim3A_496 = vector.broadcast %broadcast_in_dim3A_495 : i32 to vector<16xi32>
            %ge3A_497 = arith.constant 0 : i32
            %ge3A_498 = vector.broadcast %ge3A_497 : i32 to vector<16xi32>
            %ge3A_499 = arith.cmpi sge, %iota3A, %ge3A_498 : vector<16xi32>
            tpu.vector_store_idx %arg10[%broadcast_in_dim3A_491, %add3A_494], %broadcast_in_dim3A_496 masked %ge3A_499 : memref<2x128xi32, #tpu.memory_space<vmem>>[vector<16xi32>, vector<16xi32>], vector<16xi32>, vector<16xi1>
            %broadcast_in_dim3A_500 = vector.broadcast %shift_right_arithmetic3A_432 : i32 to vector<16xi32>
            %add3A_501 = arith.constant 64 : i32
            %add3A_502 = vector.broadcast %add3A_501 : i32 to vector<16xi32>
            %add3A_503 = arith.addi %add3A_502, %iota3A : vector<16xi32>
            %broadcast_in_dim3A_504 = arith.constant 8192 : i32
            %broadcast_in_dim3A_505 = vector.broadcast %broadcast_in_dim3A_504 : i32 to vector<16xi32>
            %ge3A_506 = arith.constant 0 : i32
            %ge3A_507 = vector.broadcast %ge3A_506 : i32 to vector<16xi32>
            %ge3A_508 = arith.cmpi sge, %iota3A, %ge3A_507 : vector<16xi32>
            tpu.vector_store_idx %arg10[%broadcast_in_dim3A_500, %add3A_503], %broadcast_in_dim3A_505 masked %ge3A_508 : memref<2x128xi32, #tpu.memory_space<vmem>>[vector<16xi32>, vector<16xi32>], vector<16xi32>, vector<16xi1>
            %broadcast_in_dim3A_509 = vector.broadcast %shift_right_arithmetic3A_432 : i32 to vector<16xi32>
            %add3A_510 = arith.constant 80 : i32
            %add3A_511 = vector.broadcast %add3A_510 : i32 to vector<16xi32>
            %add3A_512 = arith.addi %add3A_511, %iota3A : vector<16xi32>
            %broadcast_in_dim3A_513 = arith.constant 8192 : i32
            %broadcast_in_dim3A_514 = vector.broadcast %broadcast_in_dim3A_513 : i32 to vector<16xi32>
            %ge3A_515 = arith.constant 0 : i32
            %ge3A_516 = vector.broadcast %ge3A_515 : i32 to vector<16xi32>
            %ge3A_517 = arith.cmpi sge, %iota3A, %ge3A_516 : vector<16xi32>
            tpu.vector_store_idx %arg10[%broadcast_in_dim3A_509, %add3A_512], %broadcast_in_dim3A_514 masked %ge3A_517 : memref<2x128xi32, #tpu.memory_space<vmem>>[vector<16xi32>, vector<16xi32>], vector<16xi32>, vector<16xi1>
            %broadcast_in_dim3A_518 = vector.broadcast %shift_right_arithmetic3A_432 : i32 to vector<16xi32>
            %add3A_519 = arith.constant 96 : i32
            %add3A_520 = vector.broadcast %add3A_519 : i32 to vector<16xi32>
            %add3A_521 = arith.addi %add3A_520, %iota3A : vector<16xi32>
            %broadcast_in_dim3A_522 = arith.constant 8192 : i32
            %broadcast_in_dim3A_523 = vector.broadcast %broadcast_in_dim3A_522 : i32 to vector<16xi32>
            %ge3A_524 = arith.constant 0 : i32
            %ge3A_525 = vector.broadcast %ge3A_524 : i32 to vector<16xi32>
            %ge3A_526 = arith.cmpi sge, %iota3A, %ge3A_525 : vector<16xi32>
            tpu.vector_store_idx %arg10[%broadcast_in_dim3A_518, %add3A_521], %broadcast_in_dim3A_523 masked %ge3A_526 : memref<2x128xi32, #tpu.memory_space<vmem>>[vector<16xi32>, vector<16xi32>], vector<16xi32>, vector<16xi1>
            %broadcast_in_dim3A_527 = vector.broadcast %shift_right_arithmetic3A_432 : i32 to vector<16xi32>
            %add3A_528 = arith.constant 112 : i32
            %add3A_529 = vector.broadcast %add3A_528 : i32 to vector<16xi32>
            %add3A_530 = arith.addi %add3A_529, %iota3A : vector<16xi32>
            %broadcast_in_dim3A_531 = arith.constant 8192 : i32
            %broadcast_in_dim3A_532 = vector.broadcast %broadcast_in_dim3A_531 : i32 to vector<16xi32>
            %ge3A_533 = arith.constant 0 : i32
            %ge3A_534 = vector.broadcast %ge3A_533 : i32 to vector<16xi32>
            %ge3A_535 = arith.cmpi sge, %iota3A, %ge3A_534 : vector<16xi32>
            tpu.vector_store_idx %arg10[%broadcast_in_dim3A_527, %add3A_530], %broadcast_in_dim3A_532 masked %ge3A_535 : memref<2x128xi32, #tpu.memory_space<vmem>>[vector<16xi32>, vector<16xi32>], vector<16xi32>, vector<16xi1>
            %cond3A_536 = arith.constant 0 : i32
            scf.yield %cond3A_536 : i32
          } else {
            %cond3A_446 = arith.constant 0 : i32
            scf.yield %cond3A_446 : i32
          }
          %add3A_442 = arith.constant 1 : i32
          %add3A_443 = arith.addi %while3A_329, %add3A_442 : i32
          %and3A_444 = arith.constant 255 : i32
          %and3A_445 = arith.andi %add3A_443, %and3A_444 : i32
          scf.yield %and3A_430, %and3A_445 : vector<16xi1>, i32
        }
        scf.yield %while3A_327#1 : i32
      }
      scf.yield %while3A_308 : i32
    }
    %scan3A_182 = arith.constant 42 : i32
    %broadcast_in_dim3A_183 = arith.constant 999936 : i32
    %broadcast_in_dim3A_184 = vector.broadcast %broadcast_in_dim3A_183 : i32 to vector<16xi32>
    %sub3A_185 = arith.subi %broadcast_in_dim3A_184, %broadcast_in_dim3A_165 : vector<16xi32>
    %while3A = arith.constant 0 : i32
    %while3A_186 = arith.subi %shift_right_arithmetic3A_175, %while3A : i32
    %while3A_187 = arith.addi %while3A, %while3A_186 : i32
    %while3A_188 = arith.constant 1 : i32
    %while3A_189 = arith.divsi %while3A_186, %while3A_188 : i32
    %while3A_190 = arith.muli %while3A_189, %while3A_188 : i32
    %while3A_191 = arith.addi %while3A, %while3A_190 : i32
    %while3A_192 = arith.constant 1 : i32
    %while3A_193 = scf.for %while3A_216 = %while3A to %while3A_191 step %while3A_192 iter_args(%while3A_217 = %scan3A_181) -> (i32)  : i32 {
      %mul3A_218 = arith.constant 16 : i32
      %mul3A_219 = arith.muli %while3A_216, %mul3A_218 : i32
      %get3A = arith.index_cast %mul3A_219 : i32 to index
      %get3A_220 = tpu.vector_load %arg7[%get3A] {strides = array<i32>} : memref<8208xi32, #tpu.memory_space<vmem>>, vector<16xi32>,
      %mul3A_221 = arith.constant 16 : i32
      %mul3A_222 = arith.muli %while3A_216, %mul3A_221 : i32
      %add3A_223 = vector.broadcast %mul3A_222 : i32 to vector<16xi32>
      %add3A_224 = arith.addi %add3A_223, %iota3A : vector<16xi32>
      %lt3A = arith.cmpi slt, %add3A_224, %broadcast_in_dim3A_172 : vector<16xi32>
      %and3A_225 = arith.constant 32767 : i32
      %and3A_226 = vector.broadcast %and3A_225 : i32 to vector<16xi32>
      %and3A_227 = arith.andi %get3A_220, %and3A_226 : vector<16xi32>
      %ge3A = arith.cmpi sge, %and3A_227, %sub3A_185 : vector<16xi32>
      %and3A_228 = arith.andi %ge3A, %lt3A : vector<16xi1>
      %gt3A = arith.constant 0 : i32
      %gt3A_229 = vector.broadcast %gt3A : i32 to vector<16xi32>
      %gt3A_230 = arith.cmpi sgt, %broadcast_in_dim3A, %gt3A_229 : vector<16xi32>
      %and3A_231 = arith.andi %and3A_228, %gt3A_230 : vector<16xi1>
      %while3A_232:2 = scf.while (%while3A_233 = %and3A_231, %while3A_234 = %while3A_217) : (vector<16xi1>, i32) -> (vector<16xi1>, i32) {
        %reduce_or3A = arith.constant 1.000000e+00 : f32
        %reduce_or3A_235 = arith.constant 0.000000e+00 : f32
        %reduce_or3A_236 = vector.broadcast %reduce_or3A : f32 to vector<16xf32>
        %reduce_or3A_237 = vector.broadcast %reduce_or3A_235 : f32 to vector<16xf32>
        %reduce_or3A_238 = arith.select %while3A_233, %reduce_or3A_236, %reduce_or3A_237 : vector<16xi1>, vector<16xf32>
        %reduce_or3A_239 = arith.constant true
        %reduce_or3A_240 = vector.broadcast %reduce_or3A_239 : i1 to vector<16xi1>
        %reduce_or3A_241 = tpu.scan <max>, %reduce_or3A_238 masked %reduce_or3A_240 : vector<16xf32>, vector<16xi1> -> vector<16xf32>
        %reduce_or3A_242 = vector.extract %reduce_or3A_241[15] : f32 from vector<16xf32>
        %reduce_or3A_243 = arith.constant 0.000000e+00 : f32
        %reduce_or3A_244 = arith.cmpf ogt, %reduce_or3A_242, %reduce_or3A_243 : f32
        scf.condition(%reduce_or3A_244) %while3A_233, %while3A_234 : vector<16xi1>, i32
      } do {
      ^bb0(%while3A_233: vector<16xi1>, %while3A_234: i32):
        %all_reduce_ffs3A = tpu.all_reduce %while3A_233 {dim = 0 : i64, kind = #tpu.reduction_kind<find_first_set>} : vector<16xi1> -> vector<16xi32>
        %lt3A_235 = arith.constant 0 : i32
        %lt3A_236 = vector.broadcast %lt3A_235 : i32 to vector<16xi32>
        %lt3A_237 = arith.cmpi slt, %all_reduce_ffs3A, %lt3A_236 : vector<16xi32>
        %add3A_238 = arith.constant 16 : i32
        %add3A_239 = vector.broadcast %add3A_238 : i32 to vector<16xi32>
        %add3A_240 = arith.addi %all_reduce_ffs3A, %add3A_239 : vector<16xi32>
        %select_n3A_241 = arith.select %lt3A_237, %add3A_240, %all_reduce_ffs3A : vector<16xi1>, vector<16xi32>
        %reshape3A = vector.shape_cast %select_n3A_241 : vector<16xi32> to vector<16x1xi32>
        %gather3A = vector.shape_cast %reshape3A : vector<16x1xi32> to vector<16xi32>
        %gather3A_242 = tpu.dynamic_gather %get3A_220[%gather3A] in [0] : vector<16xi32>, vector<16xi32> -> vector<16xi32>
        %and3A_243 = arith.constant 32767 : i32
        %and3A_244 = vector.broadcast %and3A_243 : i32 to vector<16xi32>
        %and3A_245 = arith.andi %gather3A_242, %and3A_244 : vector<16xi32>
        %shift_right_arithmetic3A_246 = arith.constant 15 : i32
        %shift_right_arithmetic3A_247 = vector.broadcast %shift_right_arithmetic3A_246 : i32 to vector<16xi32>
        %shift_right_arithmetic3A_248 = arith.shrsi %gather3A_242, %shift_right_arithmetic3A_247 : vector<16xi32>
        %sub3A_249 = arith.subi %and3A_245, %sub3A_185 : vector<16xi32>
        %mul3A_250 = arith.constant 64 : i32
        %mul3A_251 = vector.broadcast %mul3A_250 : i32 to vector<16xi32>
        %mul3A_252 = arith.muli %sub3A_249, %mul3A_251 : vector<16xi32>
        %add3A_253 = arith.constant 0 : i32
        %add3A_254 = vector.broadcast %add3A_253 : i32 to vector<16xi32>
        %add3A_255 = arith.addi %mul3A_252, %add3A_254 : vector<16xi32>
        %add3A_256 = arith.addi %add3A_255, %iota3A : vector<16xi32>
        %gather3A_257 = tpu.vector_load_idx %arg11[%add3A_256] : memref<4096xf32, #tpu.memory_space<vmem>>[vector<16xi32>], vector<16xf32>,
        %mul3A_258 = arith.constant 8.000000e+00 : f32
        %mul3A_259 = vector.broadcast %mul3A_258 : f32 to vector<16xf32>
        %mul3A_260 = arith.mulf %gather3A_257, %mul3A_259 : vector<16xf32>
        %swap3A_261 = arith.index_cast %while3A_234 : i32 to index
        %swap3A_262 = arith.constant 0 : index
        %swap3A_263 = tpu.vector_load %arg9[%swap3A_261, %swap3A_262] {strides = array<i32>} : memref<256x128xf32, #tpu.memory_space<vmem>>, vector<16xf32>,
        tpu.vector_store %arg9[%swap3A_261, %swap3A_262], %mul3A_260 {strides = array<i32>} : memref<256x128xf32, #tpu.memory_space<vmem>>, vector<16xf32>,
        %sub3A_264 = arith.subi %and3A_245, %sub3A_185 : vector<16xi32>
        %mul3A_265 = arith.constant 64 : i32
        %mul3A_266 = vector.broadcast %mul3A_265 : i32 to vector<16xi32>
        %mul3A_267 = arith.muli %sub3A_264, %mul3A_266 : vector<16xi32>
        %add3A_268 = arith.constant 16 : i32
        %add3A_269 = vector.broadcast %add3A_268 : i32 to vector<16xi32>
        %add3A_270 = arith.addi %mul3A_267, %add3A_269 : vector<16xi32>
        %add3A_271 = arith.addi %add3A_270, %iota3A : vector<16xi32>
        %gather3A_272 = tpu.vector_load_idx %arg11[%add3A_271] : memref<4096xf32, #tpu.memory_space<vmem>>[vector<16xi32>], vector<16xf32>,
        %mul3A_273 = arith.constant 8.000000e+00 : f32
        %mul3A_274 = vector.broadcast %mul3A_273 : f32 to vector<16xf32>
        %mul3A_275 = arith.mulf %gather3A_272, %mul3A_274 : vector<16xf32>
        %swap3A_276 = arith.index_cast %while3A_234 : i32 to index
        %swap3A_277 = arith.constant 16 : index
        %swap3A_278 = tpu.vector_load %arg9[%swap3A_276, %swap3A_277] {strides = array<i32>} : memref<256x128xf32, #tpu.memory_space<vmem>>, vector<16xf32>,
        tpu.vector_store %arg9[%swap3A_276, %swap3A_277], %mul3A_275 {strides = array<i32>} : memref<256x128xf32, #tpu.memory_space<vmem>>, vector<16xf32>,
        %sub3A_279 = arith.subi %and3A_245, %sub3A_185 : vector<16xi32>
        %mul3A_280 = arith.constant 64 : i32
        %mul3A_281 = vector.broadcast %mul3A_280 : i32 to vector<16xi32>
        %mul3A_282 = arith.muli %sub3A_279, %mul3A_281 : vector<16xi32>
        %add3A_283 = arith.constant 32 : i32
        %add3A_284 = vector.broadcast %add3A_283 : i32 to vector<16xi32>
        %add3A_285 = arith.addi %mul3A_282, %add3A_284 : vector<16xi32>
        %add3A_286 = arith.addi %add3A_285, %iota3A : vector<16xi32>
        %gather3A_287 = tpu.vector_load_idx %arg11[%add3A_286] : memref<4096xf32, #tpu.memory_space<vmem>>[vector<16xi32>], vector<16xf32>,
        %mul3A_288 = arith.constant 8.000000e+00 : f32
        %mul3A_289 = vector.broadcast %mul3A_288 : f32 to vector<16xf32>
        %mul3A_290 = arith.mulf %gather3A_287, %mul3A_289 : vector<16xf32>
        %swap3A_291 = arith.index_cast %while3A_234 : i32 to index
        %swap3A_292 = arith.constant 32 : index
        %swap3A_293 = tpu.vector_load %arg9[%swap3A_291, %swap3A_292] {strides = array<i32>} : memref<256x128xf32, #tpu.memory_space<vmem>>, vector<16xf32>,
        tpu.vector_store %arg9[%swap3A_291, %swap3A_292], %mul3A_290 {strides = array<i32>} : memref<256x128xf32, #tpu.memory_space<vmem>>, vector<16xf32>,
        %sub3A_294 = arith.subi %and3A_245, %sub3A_185 : vector<16xi32>
        %mul3A_295 = arith.constant 64 : i32
        %mul3A_296 = vector.broadcast %mul3A_295 : i32 to vector<16xi32>
        %mul3A_297 = arith.muli %sub3A_294, %mul3A_296 : vector<16xi32>
        %add3A_298 = arith.constant 48 : i32
        %add3A_299 = vector.broadcast %add3A_298 : i32 to vector<16xi32>
        %add3A_300 = arith.addi %mul3A_297, %add3A_299 : vector<16xi32>
        %add3A_301 = arith.addi %add3A_300, %iota3A : vector<16xi32>
        %gather3A_302 = tpu.vector_load_idx %arg11[%add3A_301] : memref<4096xf32, #tpu.memory_space<vmem>>[vector<16xi32>], vector<16xf32>,
        %mul3A_303 = arith.constant 8.000000e+00 : f32
        %mul3A_304 = vector.broadcast %mul3A_303 : f32 to vector<16xf32>
        %mul3A_305 = arith.mulf %gather3A_302, %mul3A_304 : vector<16xf32>
        %swap3A_306 = arith.index_cast %while3A_234 : i32 to index
        %swap3A_307 = arith.constant 48 : index
        %swap3A_308 = tpu.vector_load %arg9[%swap3A_306, %swap3A_307] {strides = array<i32>} : memref<256x128xf32, #tpu.memory_space<vmem>>, vector<16xf32>,
        tpu.vector_store %arg9[%swap3A_306, %swap3A_307], %mul3A_305 {strides = array<i32>} : memref<256x128xf32, #tpu.memory_space<vmem>>, vector<16xf32>,
        %shift_right_arithmetic3A_309 = arith.constant 7 : i32
        %shift_right_arithmetic3A_310 = arith.shrsi %while3A_234, %shift_right_arithmetic3A_309 : i32
        %broadcast_in_dim3A_311 = vector.broadcast %shift_right_arithmetic3A_310 : i32 to vector<16xi32>
        %and3A_312 = arith.constant 127 : i32
        %and3A_313 = arith.andi %while3A_234, %and3A_312 : i32
        %broadcast_in_dim3A_314 = vector.broadcast %and3A_313 : i32 to vector<16xi32>
        %lt3A_315 = arith.constant 1 : i32
        %lt3A_316 = vector.broadcast %lt3A_315 : i32 to vector<16xi32>
        %lt3A_317 = arith.cmpi slt, %iota3A, %lt3A_316 : vector<16xi32>
        tpu.vector_store_idx %arg10[%broadcast_in_dim3A_311, %broadcast_in_dim3A_314], %shift_right_arithmetic3A_248 masked %lt3A_317 : memref<2x128xi32, #tpu.memory_space<vmem>>[vector<16xi32>, vector<16xi32>], vector<16xi32>, vector<16xi1>
        %ne3A_318 = arith.cmpi ne, %iota3A, %all_reduce_ffs3A : vector<16xi32>
        %and3A_319 = arith.andi %while3A_233, %ne3A_318 : vector<16xi1>
        %shift_right_arithmetic3A_320 = arith.constant 7 : i32
        %shift_right_arithmetic3A_321 = arith.shrsi %while3A_234, %shift_right_arithmetic3A_320 : i32
        %and3A_322 = arith.constant 127 : i32
        %and3A_323 = arith.andi %while3A_234, %and3A_322 : i32
        %eq3A_324 = arith.constant 127 : i32
        %eq3A_325 = arith.cmpi eq, %and3A_323, %eq3A_324 : i32
        %convert_element_type3A_326 = arith.extui %eq3A_325 : i1 to i32
        %cond3A = arith.constant 0 : i32
        %cond3A_327 = arith.constant 0 : i32
        %cond3A_328 = arith.cmpi ne, %convert_element_type3A_326, %cond3A_327 : i32
        %cond3A_329 = scf.if %cond3A_328 -> (i32) {
          %mul3A_334 = arith.constant 128 : i32
          %mul3A_335 = arith.muli %shift_right_arithmetic3A_321, %mul3A_334 : i32
          %multiple_of3A_336 = tpu.assume_multiple %mul3A_335, 128 : i32
          %dma_start3A_337 = arith.constant 0 : i32
          %dma_start3A_338 = tpu.memref_slice %arg9[%multiple_of3A_336, %dma_start3A_337] : memref<256x128xf32, #tpu.memory_space<vmem>> -> memref<128x128xf32, #tpu.memory_space<vmem>>
          %dma_start3A_339 = arith.constant 0 : i32
          %dma_start3A_340 = tpu.memref_slice %arg10[%shift_right_arithmetic3A_321, %dma_start3A_339] : memref<2x128xi32, #tpu.memory_space<vmem>> -> memref<1x128xi32, #tpu.memory_space<vmem>>
          %dma_start3A_341 = tpu.memref_squeeze %dma_start3A_340 : memref<1x128xi32, #tpu.memory_space<vmem>> -> memref<128xi32, #tpu.memory_space<vmem>>
          %dma_start3A_342 = arith.constant 0 : i32
          %dma_start3A_343 = arith.constant 0 : i32
          %dma_start3A_344 = tpu.memref_slice %arg5[%dma_start3A_342, %dma_start3A_343] : memref<8200x128xf32, #tpu.memory_space<hbm>> -> memref<8200x128xf32, #tpu.memory_space<hbm>>
          tpu.enqueue_indirect_dma source(%dma_start3A_338 : memref<128x128xf32, #tpu.memory_space<vmem>>) target(%dma_start3A_344 : memref<8200x128xf32, #tpu.memory_space<hbm>>) offsets(%dma_start3A_341 : memref<128xi32, #tpu.memory_space<vmem>>) semaphore(%arg15 : memref<!tpu.dma_semaphore, #tpu.memory_space<semaphore_mem>>)
          %dma_wait3A_345 = arith.constant 0 : i32
          %dma_wait3A_346 = tpu.memref_slice %arg9[%multiple_of3A_336, %dma_wait3A_345] : memref<256x128xf32, #tpu.memory_space<vmem>> -> memref<128x128xf32, #tpu.memory_space<vmem>>
          %dma_wait3A_347 = arith.constant 0 : i32
          %dma_wait3A_348 = tpu.memref_slice %arg10[%shift_right_arithmetic3A_321, %dma_wait3A_347] : memref<2x128xi32, #tpu.memory_space<vmem>> -> memref<1x128xi32, #tpu.memory_space<vmem>>
          %dma_wait3A_349 = tpu.memref_squeeze %dma_wait3A_348 : memref<1x128xi32, #tpu.memory_space<vmem>> -> memref<128xi32, #tpu.memory_space<vmem>>
          %dma_wait3A_350 = arith.constant 0 : i32
          %dma_wait3A_351 = arith.constant 0 : i32
          %dma_wait3A_352 = tpu.memref_slice %arg5[%dma_wait3A_350, %dma_wait3A_351] : memref<8200x128xf32, #tpu.memory_space<hbm>> -> memref<8200x128xf32, #tpu.memory_space<hbm>>
          tpu.wait_indirect_dma semaphore(%arg15 : memref<!tpu.dma_semaphore, #tpu.memory_space<semaphore_mem>>) src(%dma_wait3A_346 : memref<128x128xf32, #tpu.memory_space<vmem>>) dst(%dma_wait3A_352 : memref<8200x128xf32, #tpu.memory_space<hbm>>)
          %broadcast_in_dim3A_353 = vector.broadcast %shift_right_arithmetic3A_321 : i32 to vector<16xi32>
          %add3A_354 = arith.constant 0 : i32
          %add3A_355 = vector.broadcast %add3A_354 : i32 to vector<16xi32>
          %add3A_356 = arith.addi %add3A_355, %iota3A : vector<16xi32>
          %broadcast_in_dim3A_357 = arith.constant 8192 : i32
          %broadcast_in_dim3A_358 = vector.broadcast %broadcast_in_dim3A_357 : i32 to vector<16xi32>
          %ge3A_359 = arith.constant 0 : i32
          %ge3A_360 = vector.broadcast %ge3A_359 : i32 to vector<16xi32>
          %ge3A_361 = arith.cmpi sge, %iota3A, %ge3A_360 : vector<16xi32>
          tpu.vector_store_idx %arg10[%broadcast_in_dim3A_353, %add3A_356], %broadcast_in_dim3A_358 masked %ge3A_361 : memref<2x128xi32, #tpu.memory_space<vmem>>[vector<16xi32>, vector<16xi32>], vector<16xi32>, vector<16xi1>
          %broadcast_in_dim3A_362 = vector.broadcast %shift_right_arithmetic3A_321 : i32 to vector<16xi32>
          %add3A_363 = arith.constant 16 : i32
          %add3A_364 = vector.broadcast %add3A_363 : i32 to vector<16xi32>
          %add3A_365 = arith.addi %add3A_364, %iota3A : vector<16xi32>
          %broadcast_in_dim3A_366 = arith.constant 8192 : i32
          %broadcast_in_dim3A_367 = vector.broadcast %broadcast_in_dim3A_366 : i32 to vector<16xi32>
          %ge3A_368 = arith.constant 0 : i32
          %ge3A_369 = vector.broadcast %ge3A_368 : i32 to vector<16xi32>
          %ge3A_370 = arith.cmpi sge, %iota3A, %ge3A_369 : vector<16xi32>
          tpu.vector_store_idx %arg10[%broadcast_in_dim3A_362, %add3A_365], %broadcast_in_dim3A_367 masked %ge3A_370 : memref<2x128xi32, #tpu.memory_space<vmem>>[vector<16xi32>, vector<16xi32>], vector<16xi32>, vector<16xi1>
          %broadcast_in_dim3A_371 = vector.broadcast %shift_right_arithmetic3A_321 : i32 to vector<16xi32>
          %add3A_372 = arith.constant 32 : i32
          %add3A_373 = vector.broadcast %add3A_372 : i32 to vector<16xi32>
          %add3A_374 = arith.addi %add3A_373, %iota3A : vector<16xi32>
          %broadcast_in_dim3A_375 = arith.constant 8192 : i32
          %broadcast_in_dim3A_376 = vector.broadcast %broadcast_in_dim3A_375 : i32 to vector<16xi32>
          %ge3A_377 = arith.constant 0 : i32
          %ge3A_378 = vector.broadcast %ge3A_377 : i32 to vector<16xi32>
          %ge3A_379 = arith.cmpi sge, %iota3A, %ge3A_378 : vector<16xi32>
          tpu.vector_store_idx %arg10[%broadcast_in_dim3A_371, %add3A_374], %broadcast_in_dim3A_376 masked %ge3A_379 : memref<2x128xi32, #tpu.memory_space<vmem>>[vector<16xi32>, vector<16xi32>], vector<16xi32>, vector<16xi1>
          %broadcast_in_dim3A_380 = vector.broadcast %shift_right_arithmetic3A_321 : i32 to vector<16xi32>
          %add3A_381 = arith.constant 48 : i32
          %add3A_382 = vector.broadcast %add3A_381 : i32 to vector<16xi32>
          %add3A_383 = arith.addi %add3A_382, %iota3A : vector<16xi32>
          %broadcast_in_dim3A_384 = arith.constant 8192 : i32
          %broadcast_in_dim3A_385 = vector.broadcast %broadcast_in_dim3A_384 : i32 to vector<16xi32>
          %ge3A_386 = arith.constant 0 : i32
          %ge3A_387 = vector.broadcast %ge3A_386 : i32 to vector<16xi32>
          %ge3A_388 = arith.cmpi sge, %iota3A, %ge3A_387 : vector<16xi32>
          tpu.vector_store_idx %arg10[%broadcast_in_dim3A_380, %add3A_383], %broadcast_in_dim3A_385 masked %ge3A_388 : memref<2x128xi32, #tpu.memory_space<vmem>>[vector<16xi32>, vector<16xi32>], vector<16xi32>, vector<16xi1>
          %broadcast_in_dim3A_389 = vector.broadcast %shift_right_arithmetic3A_321 : i32 to vector<16xi32>
          %add3A_390 = arith.constant 64 : i32
          %add3A_391 = vector.broadcast %add3A_390 : i32 to vector<16xi32>
          %add3A_392 = arith.addi %add3A_391, %iota3A : vector<16xi32>
          %broadcast_in_dim3A_393 = arith.constant 8192 : i32
          %broadcast_in_dim3A_394 = vector.broadcast %broadcast_in_dim3A_393 : i32 to vector<16xi32>
          %ge3A_395 = arith.constant 0 : i32
          %ge3A_396 = vector.broadcast %ge3A_395 : i32 to vector<16xi32>
          %ge3A_397 = arith.cmpi sge, %iota3A, %ge3A_396 : vector<16xi32>
          tpu.vector_store_idx %arg10[%broadcast_in_dim3A_389, %add3A_392], %broadcast_in_dim3A_394 masked %ge3A_397 : memref<2x128xi32, #tpu.memory_space<vmem>>[vector<16xi32>, vector<16xi32>], vector<16xi32>, vector<16xi1>
          %broadcast_in_dim3A_398 = vector.broadcast %shift_right_arithmetic3A_321 : i32 to vector<16xi32>
          %add3A_399 = arith.constant 80 : i32
          %add3A_400 = vector.broadcast %add3A_399 : i32 to vector<16xi32>
          %add3A_401 = arith.addi %add3A_400, %iota3A : vector<16xi32>
          %broadcast_in_dim3A_402 = arith.constant 8192 : i32
          %broadcast_in_dim3A_403 = vector.broadcast %broadcast_in_dim3A_402 : i32 to vector<16xi32>
          %ge3A_404 = arith.constant 0 : i32
          %ge3A_405 = vector.broadcast %ge3A_404 : i32 to vector<16xi32>
          %ge3A_406 = arith.cmpi sge, %iota3A, %ge3A_405 : vector<16xi32>
          tpu.vector_store_idx %arg10[%broadcast_in_dim3A_398, %add3A_401], %broadcast_in_dim3A_403 masked %ge3A_406 : memref<2x128xi32, #tpu.memory_space<vmem>>[vector<16xi32>, vector<16xi32>], vector<16xi32>, vector<16xi1>
          %broadcast_in_dim3A_407 = vector.broadcast %shift_right_arithmetic3A_321 : i32 to vector<16xi32>
          %add3A_408 = arith.constant 96 : i32
          %add3A_409 = vector.broadcast %add3A_408 : i32 to vector<16xi32>
          %add3A_410 = arith.addi %add3A_409, %iota3A : vector<16xi32>
          %broadcast_in_dim3A_411 = arith.constant 8192 : i32
          %broadcast_in_dim3A_412 = vector.broadcast %broadcast_in_dim3A_411 : i32 to vector<16xi32>
          %ge3A_413 = arith.constant 0 : i32
          %ge3A_414 = vector.broadcast %ge3A_413 : i32 to vector<16xi32>
          %ge3A_415 = arith.cmpi sge, %iota3A, %ge3A_414 : vector<16xi32>
          tpu.vector_store_idx %arg10[%broadcast_in_dim3A_407, %add3A_410], %broadcast_in_dim3A_412 masked %ge3A_415 : memref<2x128xi32, #tpu.memory_space<vmem>>[vector<16xi32>, vector<16xi32>], vector<16xi32>, vector<16xi1>
          %broadcast_in_dim3A_416 = vector.broadcast %shift_right_arithmetic3A_321 : i32 to vector<16xi32>
          %add3A_417 = arith.constant 112 : i32
          %add3A_418 = vector.broadcast %add3A_417 : i32 to vector<16xi32>
          %add3A_419 = arith.addi %add3A_418, %iota3A : vector<16xi32>
          %broadcast_in_dim3A_420 = arith.constant 8192 : i32
          %broadcast_in_dim3A_421 = vector.broadcast %broadcast_in_dim3A_420 : i32 to vector<16xi32>
          %ge3A_422 = arith.constant 0 : i32
          %ge3A_423 = vector.broadcast %ge3A_422 : i32 to vector<16xi32>
          %ge3A_424 = arith.cmpi sge, %iota3A, %ge3A_423 : vector<16xi32>
          tpu.vector_store_idx %arg10[%broadcast_in_dim3A_416, %add3A_419], %broadcast_in_dim3A_421 masked %ge3A_424 : memref<2x128xi32, #tpu.memory_space<vmem>>[vector<16xi32>, vector<16xi32>], vector<16xi32>, vector<16xi1>
          %cond3A_425 = arith.constant 0 : i32
          scf.yield %cond3A_425 : i32
        } else {
          %cond3A_334 = arith.constant 0 : i32
          scf.yield %cond3A_334 : i32
        }
        %add3A_330 = arith.constant 1 : i32
        %add3A_331 = arith.addi %while3A_234, %add3A_330 : i32
        %and3A_332 = arith.constant 255 : i32
        %and3A_333 = arith.andi %add3A_331, %and3A_332 : i32
        scf.yield %and3A_319, %and3A_333 : vector<16xi1>, i32
      }
      scf.yield %while3A_232#1 : i32
    }
    %while3A_194 = arith.constant 1 : i32
    %while3A_195 = scf.for %while3A_216 = %while3A_191 to %while3A_187 step %while3A_194 iter_args(%while3A_217 = %while3A_193) -> (i32)  : i32 {
      %mul3A_218 = arith.constant 16 : i32
      %mul3A_219 = arith.muli %while3A_216, %mul3A_218 : i32
      %get3A = arith.index_cast %mul3A_219 : i32 to index
      %get3A_220 = tpu.vector_load %arg7[%get3A] {strides = array<i32>} : memref<8208xi32, #tpu.memory_space<vmem>>, vector<16xi32>,
      %mul3A_221 = arith.constant 16 : i32
      %mul3A_222 = arith.muli %while3A_216, %mul3A_221 : i32
      %add3A_223 = vector.broadcast %mul3A_222 : i32 to vector<16xi32>
      %add3A_224 = arith.addi %add3A_223, %iota3A : vector<16xi32>
      %lt3A = arith.cmpi slt, %add3A_224, %broadcast_in_dim3A_172 : vector<16xi32>
      %and3A_225 = arith.constant 32767 : i32
      %and3A_226 = vector.broadcast %and3A_225 : i32 to vector<16xi32>
      %and3A_227 = arith.andi %get3A_220, %and3A_226 : vector<16xi32>
      %ge3A = arith.cmpi sge, %and3A_227, %sub3A_185 : vector<16xi32>
      %and3A_228 = arith.andi %ge3A, %lt3A : vector<16xi1>
      %gt3A = arith.constant 0 : i32
      %gt3A_229 = vector.broadcast %gt3A : i32 to vector<16xi32>
      %gt3A_230 = arith.cmpi sgt, %broadcast_in_dim3A, %gt3A_229 : vector<16xi32>
      %and3A_231 = arith.andi %and3A_228, %gt3A_230 : vector<16xi1>
      %while3A_232:2 = scf.while (%while3A_233 = %and3A_231, %while3A_234 = %while3A_217) : (vector<16xi1>, i32) -> (vector<16xi1>, i32) {
        %reduce_or3A = arith.constant 1.000000e+00 : f32
        %reduce_or3A_235 = arith.constant 0.000000e+00 : f32
        %reduce_or3A_236 = vector.broadcast %reduce_or3A : f32 to vector<16xf32>
        %reduce_or3A_237 = vector.broadcast %reduce_or3A_235 : f32 to vector<16xf32>
        %reduce_or3A_238 = arith.select %while3A_233, %reduce_or3A_236, %reduce_or3A_237 : vector<16xi1>, vector<16xf32>
        %reduce_or3A_239 = arith.constant true
        %reduce_or3A_240 = vector.broadcast %reduce_or3A_239 : i1 to vector<16xi1>
        %reduce_or3A_241 = tpu.scan <max>, %reduce_or3A_238 masked %reduce_or3A_240 : vector<16xf32>, vector<16xi1> -> vector<16xf32>
        %reduce_or3A_242 = vector.extract %reduce_or3A_241[15] : f32 from vector<16xf32>
        %reduce_or3A_243 = arith.constant 0.000000e+00 : f32
        %reduce_or3A_244 = arith.cmpf ogt, %reduce_or3A_242, %reduce_or3A_243 : f32
        scf.condition(%reduce_or3A_244) %while3A_233, %while3A_234 : vector<16xi1>, i32
      } do {
      ^bb0(%while3A_233: vector<16xi1>, %while3A_234: i32):
        %all_reduce_ffs3A = tpu.all_reduce %while3A_233 {dim = 0 : i64, kind = #tpu.reduction_kind<find_first_set>} : vector<16xi1> -> vector<16xi32>
        %lt3A_235 = arith.constant 0 : i32
        %lt3A_236 = vector.broadcast %lt3A_235 : i32 to vector<16xi32>
        %lt3A_237 = arith.cmpi slt, %all_reduce_ffs3A, %lt3A_236 : vector<16xi32>
        %add3A_238 = arith.constant 16 : i32
        %add3A_239 = vector.broadcast %add3A_238 : i32 to vector<16xi32>
        %add3A_240 = arith.addi %all_reduce_ffs3A, %add3A_239 : vector<16xi32>
        %select_n3A_241 = arith.select %lt3A_237, %add3A_240, %all_reduce_ffs3A : vector<16xi1>, vector<16xi32>
        %reshape3A = vector.shape_cast %select_n3A_241 : vector<16xi32> to vector<16x1xi32>
        %gather3A = vector.shape_cast %reshape3A : vector<16x1xi32> to vector<16xi32>
        %gather3A_242 = tpu.dynamic_gather %get3A_220[%gather3A] in [0] : vector<16xi32>, vector<16xi32> -> vector<16xi32>
        %and3A_243 = arith.constant 32767 : i32
        %and3A_244 = vector.broadcast %and3A_243 : i32 to vector<16xi32>
        %and3A_245 = arith.andi %gather3A_242, %and3A_244 : vector<16xi32>
        %shift_right_arithmetic3A_246 = arith.constant 15 : i32
        %shift_right_arithmetic3A_247 = vector.broadcast %shift_right_arithmetic3A_246 : i32 to vector<16xi32>
        %shift_right_arithmetic3A_248 = arith.shrsi %gather3A_242, %shift_right_arithmetic3A_247 : vector<16xi32>
        %sub3A_249 = arith.subi %and3A_245, %sub3A_185 : vector<16xi32>
        %mul3A_250 = arith.constant 64 : i32
        %mul3A_251 = vector.broadcast %mul3A_250 : i32 to vector<16xi32>
        %mul3A_252 = arith.muli %sub3A_249, %mul3A_251 : vector<16xi32>
        %add3A_253 = arith.constant 0 : i32
        %add3A_254 = vector.broadcast %add3A_253 : i32 to vector<16xi32>
        %add3A_255 = arith.addi %mul3A_252, %add3A_254 : vector<16xi32>
        %add3A_256 = arith.addi %add3A_255, %iota3A : vector<16xi32>
        %gather3A_257 = tpu.vector_load_idx %arg11[%add3A_256] : memref<4096xf32, #tpu.memory_space<vmem>>[vector<16xi32>], vector<16xf32>,
        %mul3A_258 = arith.constant 8.000000e+00 : f32
        %mul3A_259 = vector.broadcast %mul3A_258 : f32 to vector<16xf32>
        %mul3A_260 = arith.mulf %gather3A_257, %mul3A_259 : vector<16xf32>
        %swap3A_261 = arith.index_cast %while3A_234 : i32 to index
        %swap3A_262 = arith.constant 0 : index
        %swap3A_263 = tpu.vector_load %arg9[%swap3A_261, %swap3A_262] {strides = array<i32>} : memref<256x128xf32, #tpu.memory_space<vmem>>, vector<16xf32>,
        tpu.vector_store %arg9[%swap3A_261, %swap3A_262], %mul3A_260 {strides = array<i32>} : memref<256x128xf32, #tpu.memory_space<vmem>>, vector<16xf32>,
        %sub3A_264 = arith.subi %and3A_245, %sub3A_185 : vector<16xi32>
        %mul3A_265 = arith.constant 64 : i32
        %mul3A_266 = vector.broadcast %mul3A_265 : i32 to vector<16xi32>
        %mul3A_267 = arith.muli %sub3A_264, %mul3A_266 : vector<16xi32>
        %add3A_268 = arith.constant 16 : i32
        %add3A_269 = vector.broadcast %add3A_268 : i32 to vector<16xi32>
        %add3A_270 = arith.addi %mul3A_267, %add3A_269 : vector<16xi32>
        %add3A_271 = arith.addi %add3A_270, %iota3A : vector<16xi32>
        %gather3A_272 = tpu.vector_load_idx %arg11[%add3A_271] : memref<4096xf32, #tpu.memory_space<vmem>>[vector<16xi32>], vector<16xf32>,
        %mul3A_273 = arith.constant 8.000000e+00 : f32
        %mul3A_274 = vector.broadcast %mul3A_273 : f32 to vector<16xf32>
        %mul3A_275 = arith.mulf %gather3A_272, %mul3A_274 : vector<16xf32>
        %swap3A_276 = arith.index_cast %while3A_234 : i32 to index
        %swap3A_277 = arith.constant 16 : index
        %swap3A_278 = tpu.vector_load %arg9[%swap3A_276, %swap3A_277] {strides = array<i32>} : memref<256x128xf32, #tpu.memory_space<vmem>>, vector<16xf32>,
        tpu.vector_store %arg9[%swap3A_276, %swap3A_277], %mul3A_275 {strides = array<i32>} : memref<256x128xf32, #tpu.memory_space<vmem>>, vector<16xf32>,
        %sub3A_279 = arith.subi %and3A_245, %sub3A_185 : vector<16xi32>
        %mul3A_280 = arith.constant 64 : i32
        %mul3A_281 = vector.broadcast %mul3A_280 : i32 to vector<16xi32>
        %mul3A_282 = arith.muli %sub3A_279, %mul3A_281 : vector<16xi32>
        %add3A_283 = arith.constant 32 : i32
        %add3A_284 = vector.broadcast %add3A_283 : i32 to vector<16xi32>
        %add3A_285 = arith.addi %mul3A_282, %add3A_284 : vector<16xi32>
        %add3A_286 = arith.addi %add3A_285, %iota3A : vector<16xi32>
        %gather3A_287 = tpu.vector_load_idx %arg11[%add3A_286] : memref<4096xf32, #tpu.memory_space<vmem>>[vector<16xi32>], vector<16xf32>,
        %mul3A_288 = arith.constant 8.000000e+00 : f32
        %mul3A_289 = vector.broadcast %mul3A_288 : f32 to vector<16xf32>
        %mul3A_290 = arith.mulf %gather3A_287, %mul3A_289 : vector<16xf32>
        %swap3A_291 = arith.index_cast %while3A_234 : i32 to index
        %swap3A_292 = arith.constant 32 : index
        %swap3A_293 = tpu.vector_load %arg9[%swap3A_291, %swap3A_292] {strides = array<i32>} : memref<256x128xf32, #tpu.memory_space<vmem>>, vector<16xf32>,
        tpu.vector_store %arg9[%swap3A_291, %swap3A_292], %mul3A_290 {strides = array<i32>} : memref<256x128xf32, #tpu.memory_space<vmem>>, vector<16xf32>,
        %sub3A_294 = arith.subi %and3A_245, %sub3A_185 : vector<16xi32>
        %mul3A_295 = arith.constant 64 : i32
        %mul3A_296 = vector.broadcast %mul3A_295 : i32 to vector<16xi32>
        %mul3A_297 = arith.muli %sub3A_294, %mul3A_296 : vector<16xi32>
        %add3A_298 = arith.constant 48 : i32
        %add3A_299 = vector.broadcast %add3A_298 : i32 to vector<16xi32>
        %add3A_300 = arith.addi %mul3A_297, %add3A_299 : vector<16xi32>
        %add3A_301 = arith.addi %add3A_300, %iota3A : vector<16xi32>
        %gather3A_302 = tpu.vector_load_idx %arg11[%add3A_301] : memref<4096xf32, #tpu.memory_space<vmem>>[vector<16xi32>], vector<16xf32>,
        %mul3A_303 = arith.constant 8.000000e+00 : f32
        %mul3A_304 = vector.broadcast %mul3A_303 : f32 to vector<16xf32>
        %mul3A_305 = arith.mulf %gather3A_302, %mul3A_304 : vector<16xf32>
        %swap3A_306 = arith.index_cast %while3A_234 : i32 to index
        %swap3A_307 = arith.constant 48 : index
        %swap3A_308 = tpu.vector_load %arg9[%swap3A_306, %swap3A_307] {strides = array<i32>} : memref<256x128xf32, #tpu.memory_space<vmem>>, vector<16xf32>,
        tpu.vector_store %arg9[%swap3A_306, %swap3A_307], %mul3A_305 {strides = array<i32>} : memref<256x128xf32, #tpu.memory_space<vmem>>, vector<16xf32>,
        %shift_right_arithmetic3A_309 = arith.constant 7 : i32
        %shift_right_arithmetic3A_310 = arith.shrsi %while3A_234, %shift_right_arithmetic3A_309 : i32
        %broadcast_in_dim3A_311 = vector.broadcast %shift_right_arithmetic3A_310 : i32 to vector<16xi32>
        %and3A_312 = arith.constant 127 : i32
        %and3A_313 = arith.andi %while3A_234, %and3A_312 : i32
        %broadcast_in_dim3A_314 = vector.broadcast %and3A_313 : i32 to vector<16xi32>
        %lt3A_315 = arith.constant 1 : i32
        %lt3A_316 = vector.broadcast %lt3A_315 : i32 to vector<16xi32>
        %lt3A_317 = arith.cmpi slt, %iota3A, %lt3A_316 : vector<16xi32>
        tpu.vector_store_idx %arg10[%broadcast_in_dim3A_311, %broadcast_in_dim3A_314], %shift_right_arithmetic3A_248 masked %lt3A_317 : memref<2x128xi32, #tpu.memory_space<vmem>>[vector<16xi32>, vector<16xi32>], vector<16xi32>, vector<16xi1>
        %ne3A_318 = arith.cmpi ne, %iota3A, %all_reduce_ffs3A : vector<16xi32>
        %and3A_319 = arith.andi %while3A_233, %ne3A_318 : vector<16xi1>
        %shift_right_arithmetic3A_320 = arith.constant 7 : i32
        %shift_right_arithmetic3A_321 = arith.shrsi %while3A_234, %shift_right_arithmetic3A_320 : i32
        %and3A_322 = arith.constant 127 : i32
        %and3A_323 = arith.andi %while3A_234, %and3A_322 : i32
        %eq3A_324 = arith.constant 127 : i32
        %eq3A_325 = arith.cmpi eq, %and3A_323, %eq3A_324 : i32
        %convert_element_type3A_326 = arith.extui %eq3A_325 : i1 to i32
        %cond3A = arith.constant 0 : i32
        %cond3A_327 = arith.constant 0 : i32
        %cond3A_328 = arith.cmpi ne, %convert_element_type3A_326, %cond3A_327 : i32
        %cond3A_329 = scf.if %cond3A_328 -> (i32) {
          %mul3A_334 = arith.constant 128 : i32
          %mul3A_335 = arith.muli %shift_right_arithmetic3A_321, %mul3A_334 : i32
          %multiple_of3A_336 = tpu.assume_multiple %mul3A_335, 128 : i32
          %dma_start3A_337 = arith.constant 0 : i32
          %dma_start3A_338 = tpu.memref_slice %arg9[%multiple_of3A_336, %dma_start3A_337] : memref<256x128xf32, #tpu.memory_space<vmem>> -> memref<128x128xf32, #tpu.memory_space<vmem>>
          %dma_start3A_339 = arith.constant 0 : i32
          %dma_start3A_340 = tpu.memref_slice %arg10[%shift_right_arithmetic3A_321, %dma_start3A_339] : memref<2x128xi32, #tpu.memory_space<vmem>> -> memref<1x128xi32, #tpu.memory_space<vmem>>
          %dma_start3A_341 = tpu.memref_squeeze %dma_start3A_340 : memref<1x128xi32, #tpu.memory_space<vmem>> -> memref<128xi32, #tpu.memory_space<vmem>>
          %dma_start3A_342 = arith.constant 0 : i32
          %dma_start3A_343 = arith.constant 0 : i32
          %dma_start3A_344 = tpu.memref_slice %arg5[%dma_start3A_342, %dma_start3A_343] : memref<8200x128xf32, #tpu.memory_space<hbm>> -> memref<8200x128xf32, #tpu.memory_space<hbm>>
          tpu.enqueue_indirect_dma source(%dma_start3A_338 : memref<128x128xf32, #tpu.memory_space<vmem>>) target(%dma_start3A_344 : memref<8200x128xf32, #tpu.memory_space<hbm>>) offsets(%dma_start3A_341 : memref<128xi32, #tpu.memory_space<vmem>>) semaphore(%arg15 : memref<!tpu.dma_semaphore, #tpu.memory_space<semaphore_mem>>)
          %dma_wait3A_345 = arith.constant 0 : i32
          %dma_wait3A_346 = tpu.memref_slice %arg9[%multiple_of3A_336, %dma_wait3A_345] : memref<256x128xf32, #tpu.memory_space<vmem>> -> memref<128x128xf32, #tpu.memory_space<vmem>>
          %dma_wait3A_347 = arith.constant 0 : i32
          %dma_wait3A_348 = tpu.memref_slice %arg10[%shift_right_arithmetic3A_321, %dma_wait3A_347] : memref<2x128xi32, #tpu.memory_space<vmem>> -> memref<1x128xi32, #tpu.memory_space<vmem>>
          %dma_wait3A_349 = tpu.memref_squeeze %dma_wait3A_348 : memref<1x128xi32, #tpu.memory_space<vmem>> -> memref<128xi32, #tpu.memory_space<vmem>>
          %dma_wait3A_350 = arith.constant 0 : i32
          %dma_wait3A_351 = arith.constant 0 : i32
          %dma_wait3A_352 = tpu.memref_slice %arg5[%dma_wait3A_350, %dma_wait3A_351] : memref<8200x128xf32, #tpu.memory_space<hbm>> -> memref<8200x128xf32, #tpu.memory_space<hbm>>
          tpu.wait_indirect_dma semaphore(%arg15 : memref<!tpu.dma_semaphore, #tpu.memory_space<semaphore_mem>>) src(%dma_wait3A_346 : memref<128x128xf32, #tpu.memory_space<vmem>>) dst(%dma_wait3A_352 : memref<8200x128xf32, #tpu.memory_space<hbm>>)
          %broadcast_in_dim3A_353 = vector.broadcast %shift_right_arithmetic3A_321 : i32 to vector<16xi32>
          %add3A_354 = arith.constant 0 : i32
          %add3A_355 = vector.broadcast %add3A_354 : i32 to vector<16xi32>
          %add3A_356 = arith.addi %add3A_355, %iota3A : vector<16xi32>
          %broadcast_in_dim3A_357 = arith.constant 8192 : i32
          %broadcast_in_dim3A_358 = vector.broadcast %broadcast_in_dim3A_357 : i32 to vector<16xi32>
          %ge3A_359 = arith.constant 0 : i32
          %ge3A_360 = vector.broadcast %ge3A_359 : i32 to vector<16xi32>
          %ge3A_361 = arith.cmpi sge, %iota3A, %ge3A_360 : vector<16xi32>
          tpu.vector_store_idx %arg10[%broadcast_in_dim3A_353, %add3A_356], %broadcast_in_dim3A_358 masked %ge3A_361 : memref<2x128xi32, #tpu.memory_space<vmem>>[vector<16xi32>, vector<16xi32>], vector<16xi32>, vector<16xi1>
          %broadcast_in_dim3A_362 = vector.broadcast %shift_right_arithmetic3A_321 : i32 to vector<16xi32>
          %add3A_363 = arith.constant 16 : i32
          %add3A_364 = vector.broadcast %add3A_363 : i32 to vector<16xi32>
          %add3A_365 = arith.addi %add3A_364, %iota3A : vector<16xi32>
          %broadcast_in_dim3A_366 = arith.constant 8192 : i32
          %broadcast_in_dim3A_367 = vector.broadcast %broadcast_in_dim3A_366 : i32 to vector<16xi32>
          %ge3A_368 = arith.constant 0 : i32
          %ge3A_369 = vector.broadcast %ge3A_368 : i32 to vector<16xi32>
          %ge3A_370 = arith.cmpi sge, %iota3A, %ge3A_369 : vector<16xi32>
          tpu.vector_store_idx %arg10[%broadcast_in_dim3A_362, %add3A_365], %broadcast_in_dim3A_367 masked %ge3A_370 : memref<2x128xi32, #tpu.memory_space<vmem>>[vector<16xi32>, vector<16xi32>], vector<16xi32>, vector<16xi1>
          %broadcast_in_dim3A_371 = vector.broadcast %shift_right_arithmetic3A_321 : i32 to vector<16xi32>
          %add3A_372 = arith.constant 32 : i32
          %add3A_373 = vector.broadcast %add3A_372 : i32 to vector<16xi32>
          %add3A_374 = arith.addi %add3A_373, %iota3A : vector<16xi32>
          %broadcast_in_dim3A_375 = arith.constant 8192 : i32
          %broadcast_in_dim3A_376 = vector.broadcast %broadcast_in_dim3A_375 : i32 to vector<16xi32>
          %ge3A_377 = arith.constant 0 : i32
          %ge3A_378 = vector.broadcast %ge3A_377 : i32 to vector<16xi32>
          %ge3A_379 = arith.cmpi sge, %iota3A, %ge3A_378 : vector<16xi32>
          tpu.vector_store_idx %arg10[%broadcast_in_dim3A_371, %add3A_374], %broadcast_in_dim3A_376 masked %ge3A_379 : memref<2x128xi32, #tpu.memory_space<vmem>>[vector<16xi32>, vector<16xi32>], vector<16xi32>, vector<16xi1>
          %broadcast_in_dim3A_380 = vector.broadcast %shift_right_arithmetic3A_321 : i32 to vector<16xi32>
          %add3A_381 = arith.constant 48 : i32
          %add3A_382 = vector.broadcast %add3A_381 : i32 to vector<16xi32>
          %add3A_383 = arith.addi %add3A_382, %iota3A : vector<16xi32>
          %broadcast_in_dim3A_384 = arith.constant 8192 : i32
          %broadcast_in_dim3A_385 = vector.broadcast %broadcast_in_dim3A_384 : i32 to vector<16xi32>
          %ge3A_386 = arith.constant 0 : i32
          %ge3A_387 = vector.broadcast %ge3A_386 : i32 to vector<16xi32>
          %ge3A_388 = arith.cmpi sge, %iota3A, %ge3A_387 : vector<16xi32>
          tpu.vector_store_idx %arg10[%broadcast_in_dim3A_380, %add3A_383], %broadcast_in_dim3A_385 masked %ge3A_388 : memref<2x128xi32, #tpu.memory_space<vmem>>[vector<16xi32>, vector<16xi32>], vector<16xi32>, vector<16xi1>
          %broadcast_in_dim3A_389 = vector.broadcast %shift_right_arithmetic3A_321 : i32 to vector<16xi32>
          %add3A_390 = arith.constant 64 : i32
          %add3A_391 = vector.broadcast %add3A_390 : i32 to vector<16xi32>
          %add3A_392 = arith.addi %add3A_391, %iota3A : vector<16xi32>
          %broadcast_in_dim3A_393 = arith.constant 8192 : i32
          %broadcast_in_dim3A_394 = vector.broadcast %broadcast_in_dim3A_393 : i32 to vector<16xi32>
          %ge3A_395 = arith.constant 0 : i32
          %ge3A_396 = vector.broadcast %ge3A_395 : i32 to vector<16xi32>
          %ge3A_397 = arith.cmpi sge, %iota3A, %ge3A_396 : vector<16xi32>
          tpu.vector_store_idx %arg10[%broadcast_in_dim3A_389, %add3A_392], %broadcast_in_dim3A_394 masked %ge3A_397 : memref<2x128xi32, #tpu.memory_space<vmem>>[vector<16xi32>, vector<16xi32>], vector<16xi32>, vector<16xi1>
          %broadcast_in_dim3A_398 = vector.broadcast %shift_right_arithmetic3A_321 : i32 to vector<16xi32>
          %add3A_399 = arith.constant 80 : i32
          %add3A_400 = vector.broadcast %add3A_399 : i32 to vector<16xi32>
          %add3A_401 = arith.addi %add3A_400, %iota3A : vector<16xi32>
          %broadcast_in_dim3A_402 = arith.constant 8192 : i32
          %broadcast_in_dim3A_403 = vector.broadcast %broadcast_in_dim3A_402 : i32 to vector<16xi32>
          %ge3A_404 = arith.constant 0 : i32
          %ge3A_405 = vector.broadcast %ge3A_404 : i32 to vector<16xi32>
          %ge3A_406 = arith.cmpi sge, %iota3A, %ge3A_405 : vector<16xi32>
          tpu.vector_store_idx %arg10[%broadcast_in_dim3A_398, %add3A_401], %broadcast_in_dim3A_403 masked %ge3A_406 : memref<2x128xi32, #tpu.memory_space<vmem>>[vector<16xi32>, vector<16xi32>], vector<16xi32>, vector<16xi1>
          %broadcast_in_dim3A_407 = vector.broadcast %shift_right_arithmetic3A_321 : i32 to vector<16xi32>
          %add3A_408 = arith.constant 96 : i32
          %add3A_409 = vector.broadcast %add3A_408 : i32 to vector<16xi32>
          %add3A_410 = arith.addi %add3A_409, %iota3A : vector<16xi32>
          %broadcast_in_dim3A_411 = arith.constant 8192 : i32
          %broadcast_in_dim3A_412 = vector.broadcast %broadcast_in_dim3A_411 : i32 to vector<16xi32>
          %ge3A_413 = arith.constant 0 : i32
          %ge3A_414 = vector.broadcast %ge3A_413 : i32 to vector<16xi32>
          %ge3A_415 = arith.cmpi sge, %iota3A, %ge3A_414 : vector<16xi32>
          tpu.vector_store_idx %arg10[%broadcast_in_dim3A_407, %add3A_410], %broadcast_in_dim3A_412 masked %ge3A_415 : memref<2x128xi32, #tpu.memory_space<vmem>>[vector<16xi32>, vector<16xi32>], vector<16xi32>, vector<16xi1>
          %broadcast_in_dim3A_416 = vector.broadcast %shift_right_arithmetic3A_321 : i32 to vector<16xi32>
          %add3A_417 = arith.constant 112 : i32
          %add3A_418 = vector.broadcast %add3A_417 : i32 to vector<16xi32>
          %add3A_419 = arith.addi %add3A_418, %iota3A : vector<16xi32>
          %broadcast_in_dim3A_420 = arith.constant 8192 : i32
          %broadcast_in_dim3A_421 = vector.broadcast %broadcast_in_dim3A_420 : i32 to vector<16xi32>
          %ge3A_422 = arith.constant 0 : i32
          %ge3A_423 = vector.broadcast %ge3A_422 : i32 to vector<16xi32>
          %ge3A_424 = arith.cmpi sge, %iota3A, %ge3A_423 : vector<16xi32>
          tpu.vector_store_idx %arg10[%broadcast_in_dim3A_416, %add3A_419], %broadcast_in_dim3A_421 masked %ge3A_424 : memref<2x128xi32, #tpu.memory_space<vmem>>[vector<16xi32>, vector<16xi32>], vector<16xi32>, vector<16xi1>
          %cond3A_425 = arith.constant 0 : i32
          scf.yield %cond3A_425 : i32
        } else {
          %cond3A_334 = arith.constant 0 : i32
          scf.yield %cond3A_334 : i32
        }
        %add3A_330 = arith.constant 1 : i32
        %add3A_331 = arith.addi %while3A_234, %add3A_330 : i32
        %and3A_332 = arith.constant 255 : i32
        %and3A_333 = arith.andi %add3A_331, %and3A_332 : i32
        scf.yield %and3A_319, %and3A_333 : vector<16xi1>, i32
      }
      scf.yield %while3A_232#1 : i32
    }
    %shift_right_arithmetic3A_196 = arith.constant 7 : i32
    %shift_right_arithmetic3A_197 = arith.shrsi %while3A_195, %shift_right_arithmetic3A_196 : i32
    %mul3A_198 = arith.constant 128 : i32
    %mul3A_199 = arith.muli %shift_right_arithmetic3A_197, %mul3A_198 : i32
    %multiple_of3A_200 = tpu.assume_multiple %mul3A_199, 128 : i32
    %dma_start3A_201 = arith.constant 0 : i32
    %dma_start3A_202 = tpu.memref_slice %arg9[%multiple_of3A_200, %dma_start3A_201] : memref<256x128xf32, #tpu.memory_space<vmem>> -> memref<128x128xf32, #tpu.memory_space<vmem>>
    %dma_start3A_203 = arith.constant 0 : i32
    %dma_start3A_204 = tpu.memref_slice %arg10[%shift_right_arithmetic3A_197, %dma_start3A_203] : memref<2x128xi32, #tpu.memory_space<vmem>> -> memref<1x128xi32, #tpu.memory_space<vmem>>
    %dma_start3A_205 = tpu.memref_squeeze %dma_start3A_204 : memref<1x128xi32, #tpu.memory_space<vmem>> -> memref<128xi32, #tpu.memory_space<vmem>>
    %dma_start3A_206 = arith.constant 0 : i32
    %dma_start3A_207 = arith.constant 0 : i32
    %dma_start3A_208 = tpu.memref_slice %arg5[%dma_start3A_206, %dma_start3A_207] : memref<8200x128xf32, #tpu.memory_space<hbm>> -> memref<8200x128xf32, #tpu.memory_space<hbm>>
    tpu.enqueue_indirect_dma source(%dma_start3A_202 : memref<128x128xf32, #tpu.memory_space<vmem>>) target(%dma_start3A_208 : memref<8200x128xf32, #tpu.memory_space<hbm>>) offsets(%dma_start3A_205 : memref<128xi32, #tpu.memory_space<vmem>>) semaphore(%arg15 : memref<!tpu.dma_semaphore, #tpu.memory_space<semaphore_mem>>)
    %dma_wait3A = arith.constant 0 : i32
    %dma_wait3A_209 = tpu.memref_slice %arg9[%multiple_of3A_200, %dma_wait3A] : memref<256x128xf32, #tpu.memory_space<vmem>> -> memref<128x128xf32, #tpu.memory_space<vmem>>
    %dma_wait3A_210 = arith.constant 0 : i32
    %dma_wait3A_211 = tpu.memref_slice %arg10[%shift_right_arithmetic3A_197, %dma_wait3A_210] : memref<2x128xi32, #tpu.memory_space<vmem>> -> memref<1x128xi32, #tpu.memory_space<vmem>>
    %dma_wait3A_212 = tpu.memref_squeeze %dma_wait3A_211 : memref<1x128xi32, #tpu.memory_space<vmem>> -> memref<128xi32, #tpu.memory_space<vmem>>
    %dma_wait3A_213 = arith.constant 0 : i32
    %dma_wait3A_214 = arith.constant 0 : i32
    %dma_wait3A_215 = tpu.memref_slice %arg5[%dma_wait3A_213, %dma_wait3A_214] : memref<8200x128xf32, #tpu.memory_space<hbm>> -> memref<8200x128xf32, #tpu.memory_space<hbm>>
    tpu.wait_indirect_dma semaphore(%arg15 : memref<!tpu.dma_semaphore, #tpu.memory_space<semaphore_mem>>) src(%dma_wait3A_209 : memref<128x128xf32, #tpu.memory_space<vmem>>) dst(%dma_wait3A_215 : memref<8200x128xf32, #tpu.memory_space<hbm>>)
    return
  }
}

</mosaic_0001>

<sc_bundles>
// kernel: kernel.3.cloned.1.call-start
scs
__scs_entry_jumppad:
0x0: {  	(pc) =	sbr.rel $0x88, $3  }
0x1: {  	(tag) =	ssettag $0x0;
	lr =	simm.s32 $0x1  }
0x2: {  	[smem:$0x3F9F] =	sst lr;
	_ =	strace $0xD0000000  }
0x3: {  	_ = 	snop  }
0x4: {  	_ = 	snop  }
0x5: {  	_ = 	snop  }
0x6: {  	_ = 	snop  }
0x7: {  	_ = 	snop  }
__scs_overlays_trampoline_lowered:
0x8: {  	[smem:$0x3FAE] =	sst s0  }
0x9: {  	[smem:$0x3FAF] =	sst s1  }
0xa: {  	[smem:$0x3FB0] =	sst s2  }
0xb: {  	[smem:$0x3FB1] =	sst s3  }
0xc: {  	[smem:$0x3FB2] =	sst s4  }
0xd: {  	[smem:$0x3FB3] =	sst s5  }
0xe: {  	[smem:$0x3FB4] =	sst s6  }
0xf: {  	[smem:$0x3FB5] =	sst s7  }
0x10: {  	[smem:$0x3FB6] =	sst s8  }
0x11: {  	[smem:$0x3FB7] =	sst s9;
	s0 =	simm.s32 @!p0 $0x0  }
0x12: {  	s1 =	sld [smem:$0x3F9D];
	s0 =	simm.s32 @p0 $0x1  }
0x13: {  	[smem:$0x3FB8] =	sst s0;
	s0 =	simm.s32 @!p1 $0x0  }
0x14: {  	s2 =	sld [smem:$0x3F9C];
	s0 =	simm.s32 @p1 $0x1  }
0x15: {  	[smem:$0x3FB9] =	sst s0;
	s0 =	simm.s32 @!p2 $0x0  }
0x16: {  	s3 =	sld [smem:$0x3FDB];
	s0 =	simm.s32 @p2 $0x1  }
0x17: {  	s4 =	simm.s32 $0x1BF5;
	[smem:$0x3FBB] =	sst s0  }
0x18: {  	s0 =	sld [smem:$0x3F9E];
	_ =	swait.ge [sflag:s4], $0x0  }
0x19: {  	s7 =	sld [smem:$0x3F9F]  }
0x1a: {  	s8 =	sadd.s32 $0xFFFFE003, lr  }
0x1b: {  	s9 =	sadd.s32 $0xFFFFFEF7, lr;
	s5 =	simm.s32 $0xFFFFFFFF;
	p2 =	slt.u32 s8, $0xFFFFF086  }
0x1c: {  	p1 =	slt.u32 s9, $0xF7A;
	s5 =	simm.s32 @!p2 $0x0  }
0x1d: {  	s5 =	simm.s32 @p1 $0x1;
	p0 =	seq.s32 s7, s2  }
0x1e: {  	s7 =	smul.u32 @!p0 $0xF7A, s2;
	p2 =	seq.s32 @!p0 s5, $0x0  }
0x1f: {  	s9 =	smul.u32 $0xF7A, s1;
	s8 =	simm.s32 @!p0 $0x1BF5;
	p2 =	por !p2, p0  }
0x20: {  	[sflag:s8] =	ssyncset.s32 @!p0 $0xFFFFF086;
	s6 =	sadd.s32 @!p0 s3, s7;
	s7 =	simm.s32 @!p0 $0x108  }
0x21: {  	s3 =	sadd.s32 s3, s9;
	s6 =	sadd.s32 @!p0 $0x88, s6;
	s7 =	simm.s32 @p2 $0x1082  }
0x22: {  	[simem:s7], [sflag:s8] =	dma.local @!p0 [hbm:s6], $0xF7A  }
0x23: {  	s9 =	sor.u32 $0xD0000000, s2;
	s6 =	simm.s32 $0x108;
	_ =	swait.ge @!p0 [sflag:s8], $0x0  }
0x24: {  	s3 =	sadd.s32 $0x88, s3;
	s6 =	simm.s32 @!p1 $0x1082;
	[sflag:s4] =	ssyncset.s32 $0xFFFFF086  }
0x25: {  	[simem:s6], [sflag:s4] =	dma.local [hbm:s3], $0xF7A  }
0x26: {  	[smem:$0x3F9F] =	sst s1;
	(tag) =	ssettag s2;
	_ =	strace s9  }
0x27: {  	s1 =	sld [smem:$0x3FAF]  }
0x28: {  	s2 =	sld [smem:$0x3FB0]  }
0x29: {  	s4 =	sld [smem:$0x3FB2]  }
0x2a: {  	p0 =	seq.s32 s5, $0x0;
	s5 =	sld [smem:$0x3FB3]  }
0x2b: {  	s6 =	sld [smem:$0x3FB4]  }
0x2c: {  	s7 =	sld [smem:$0x3FB5]  }
0x2d: {  	s3 =	simm.s32 $0x108;
	s8 =	sld [smem:$0x3FB6]  }
0x2e: {  	s3 =	simm.s32 @!p0 $0x1082;
	s9 =	sld [smem:$0x3FB7]  }
0x2f: {  	lr =	sadd.s32 s0, s3;
	s0 =	sld [smem:$0x3FAE]  }
0x30: {  	s3 =	sld [smem:$0x3FB1]  }
0x31: {  	[smem:$0x3FBA] =	sst s10  }
0x32: {  	s10 =	sld [smem:$0x3FB8];
	_ =	sdelay $0x3  }
0x33: {  	p0 =	seq.s32 s10, $0x1;
	s10 =	sld [smem:$0x3FBA];
	_ =	sdelay $0x3  }
0x34: {  	[smem:$0x3FBA] =	sst s10  }
0x35: {  	s10 =	sld [smem:$0x3FB9];
	_ =	sdelay $0x3  }
0x36: {  	p1 =	seq.s32 s10, $0x1;
	s10 =	sld [smem:$0x3FBA];
	_ =	sdelay $0x3  }
0x37: {  	[smem:$0x3FBA] =	sst s10  }
0x38: {  	s10 =	sld [smem:$0x3FBB]  }
0x39: {  	_ = 	snop;
	(pc) =	sbr.ind lr, $3  }
0x3a: {  	_ = 	snop  }
0x3b: {  	_ = 	snop  }
0x3c: {  	p2 =	seq.s32 s10, $0x1;
	s10 =	sld [smem:$0x3FBA]  }
0x3d: {  	_ =	shalt  }
0x3e: {  	_ =	shalt  }
0x3f: {  	_ =	shalt  }
0x40: {  	_ =	shalt  }
0x41: {  	_ =	shalt  }
0x42: {  	_ =	shalt  }
0x43: {  	_ =	shalt  }
0x44: {  	_ =	shalt  }
0x45: {  	_ =	shalt  }
0x46: {  	_ =	shalt  }
0x47: {  	_ =	shalt  }
0x48: {  	_ =	shalt  }
0x49: {  	_ =	shalt  }
0x4a: {  	_ =	shalt  }
0x4b: {  	_ =	shalt  }
0x4c: {  	_ =	shalt  }
0x4d: {  	_ =	shalt  }
0x4e: {  	_ =	shalt  }
0x4f: {  	_ =	shalt  }
0x50: {  	_ =	shalt  }
0x51: {  	_ =	shalt  }
0x52: {  	_ =	shalt  }
0x53: {  	_ =	shalt  }
0x54: {  	_ =	shalt  }
0x55: {  	_ =	shalt  }
0x56: {  	_ =	shalt  }
0x57: {  	_ =	shalt  }
0x58: {  	_ =	shalt  }
0x59: {  	_ =	shalt  }
0x5a: {  	_ =	shalt  }
0x5b: {  	_ =	shalt  }
0x5c: {  	_ =	shalt  }
0x5d: {  	_ =	shalt  }
0x5e: {  	_ =	shalt  }
0x5f: {  	_ =	shalt  }
0x60: {  	_ =	shalt  }
0x61: {  	_ =	shalt  }
0x62: {  	_ =	shalt  }
0x63: {  	_ =	shalt  }
0x64: {  	_ =	shalt  }
0x65: {  	_ =	shalt  }
0x66: {  	_ =	shalt  }
0x67: {  	_ =	shalt  }
0x68: {  	_ =	shalt  }
0x69: {  	_ =	shalt  }
0x6a: {  	_ =	shalt  }
0x6b: {  	_ =	shalt  }
0x6c: {  	_ =	shalt  }
0x6d: {  	_ =	shalt  }
0x6e: {  	_ =	shalt  }
0x6f: {  	_ =	shalt  }
0x70: {  	_ =	shalt  }
0x71: {  	_ =	shalt  }
0x72: {  	_ =	shalt  }
0x73: {  	_ =	shalt  }
0x74: {  	_ =	shalt  }
0x75: {  	_ =	shalt  }
0x76: {  	_ =	shalt  }
0x77: {  	_ =	shalt  }
0x78: {  	_ =	shalt  }
0x79: {  	_ =	shalt  }
0x7a: {  	_ =	shalt  }
0x7b: {  	_ =	shalt  }
0x7c: {  	_ =	shalt  }
0x7d: {  	_ =	shalt  }
0x7e: {  	_ =	shalt  }
0x7f: {  	_ =	shalt  }
0x80: {  	_ =	shalt  }
0x81: {  	_ =	shalt  }
0x82: {  	_ =	shalt  }
0x83: {  	_ =	shalt  }
0x84: {  	_ =	shalt  }
0x85: {  	_ =	shalt  }
0x86: {  	_ =	shalt  }
0x87: {  	_ =	shalt  }
.Lfunc_end0:
.L_simem_size_0:
called_computation_lowered:
.L_overlay_start_0:
0x88: {  	s2 =	sld [smem:$0x3FD9]  }
0x89: {  	s3 =	sld [smem:$0x3FFE];
	_ =	sdelay $0x1  }
0x8a: {  	s1 =	srdreg.scid  }
0x8b: {  	s0 =	sand.u32 $0x1, s1  }
0x8c: {  	s17 =	sshll.u32 s0, $0xA;
	s2 =	sadd.s32 s3, s2  }
0x8d: {  	s2 =	sadd.s32 s2, s17  }
0x8e: {  	[smem:$0x3FC6] =	sst s2  }
0x8f: {  	_ = 	snop  }
0x90: {  	s2 =	sld [smem:$0x3FC8]  }
0x91: {  	s18 =	sld [smem:$0x3FD0];
	(tm) =	ssettm $0x1  }
0x92: {  	s4 =	sld [smem:$0x3FFB];
	_ =	sdelay $0x3  }
0x93: {  	_ =	strace s4  }
0x94: {  	s4 =	sld [smem:$0x3FFC];
	_ =	sdelay $0x3  }
0x95: {  	_ =	strace s4  }
0x96: {  	s4 =	sld [smem:$0x3FFD];
	_ =	sdelay $0x3  }
0x97: {  	_ =	strace s4  }
0x98: {  	_ =	strace $0x8FFFFFFF  }
0x99: {  	s19 =	sld [smem:$0x3FDB];
	_ =	sdelay $0x1  }
0x9a: {  	s5 =	simm.s32 $_scs_section_size  }
0x9b: {  	s6 =	simm.s32 $_size__tile_overlayer_lowered;
	s7 =	simm.s32 $_tile_overlayer_lowered  }
0x9c: {  	s22 =	simm.s32 $0x1BFF;
	s21 =	sshll.u32 s7, $0x1;
	s4 =	sadd.s32 s5, s19  }
0x9d: {  	s8 =	simm.s32 $0x0;
	s20 =	sshll.u32 s6, $0x1;
	s6 =	sadd.s32 s21, s4  }
0x9e: {  	[timem:s8], [sflag:s22] =	dma.local [hbm:s6], s20  }
0x9f: {  	_ =	swait.ge [sflag:s22], s20  }
0xa0: {  	s5 =	ssub.s32 $0x0, s20;
	[sflag:s22] =	ssyncset.done $0x0  }
0xa1: {  	[sflag:s22] =	ssyncadd.s32 s5;
	_ =	sdelay $0x1  }
0xa2: {  	s23 =	simm.s32 $0x1B8B  }
0xa3: {  	_ =	swait.ge [sflag:s23], $0x1  }
0xa4: {  	[sflag:s23] =	ssyncset.done $0x0  }
0xa5: {  	s25 =	simm.s32 $0x1B8E;
	s24 =	sld [smem:$0x3FFE];
	[sflag:s23] =	ssyncadd.s32 $0xFFFFFFFF  }
0xa6: {  	s26 =	simm.s32 $execute0_lowered;
	[smem:$0x3FD2] =	sst s25  }
0xa7: {  	s6 =	sshll.u32 s26, $0x1;
	_ =	strace $0x80000046;
	[dreg:$0x1] =	wrdreg $0xFFFFFFFF  }
0xa8: {  	s28 =	simm.s32 $_size_execute0_lowered;
	s4 =	sadd.s32 s4, s6;
	[dreg:$0x0] =	wrdreg $0x0  }
0xa9: {  	s6 =	sshll.u32 s28, $0x1;
	[dreg:$0x2] =	wrdreg s4  }
0xaa: {  	[dreg:$0x3] =	wrdreg s6  }
0xab: {  	[dreg:$0x4] =	wrdreg $0xC0  }
0xac: {  	_ =	task [dreg:s8], $0x5FFFF  }
0xad: {  	[dreg:$0x1] =	wrdreg $0xFFFFFFFF  }
0xae: {  	[dreg:$0x0] =	wrdreg $0x60  }
0xaf: {  	[dreg:$0x2] =	wrdreg s18  }
0xb0: {  	[dreg:$0x3] =	wrdreg s2  }
0xb1: {  	[dreg:$0x4] =	wrdreg s24  }
0xb2: {  	[dreg:$0x5] =	wrdreg $0x9  }
0xb3: {  	_ =	task.clear_ibuf [dreg:s8], $0x6FFFF;
	_ =	strace $0x90000046  }
0xb4: {  	s29 =	simm.s32 $0x9;
	_ =	strace $0x80000048  }
0xb5: {  	_ =	swait.ge [sflag:s29], $0x1  }
0xb6: {  	[sflag:s29] =	ssyncadd.s32 $0xFFFFFFFF  }
0xb7: {  	_ =	strace $0x90000048  }
0xb8: {  	_ =	sfence  }
0xb9: {  	s30 =	sld [smem:$0x0];
	_ =	sdelay $0x2  }
0xba: {  	s31 =	sshll.u32 s1, $0xD;
	s1 =	sshrl.u32 s1, $0x2  }
0xbb: {  	s3 =	sand.u32 $0x4000, s31;
	s1 =	sadd.s32 s1, s30  }
0xbc: {  	s0 =	sor.u32 s3, s0;
	s1 =	sshll.u32 s1, $0x11  }
0xbd: {  	s0 =	sor.u32 s1, s0  }
0xbe: {  	s0 =	sadd.s32 $0x8F2B, s0  }
0xbf: {  	[sflag:s0] =	ssyncadd.remote.s32 $0x1  }
0xc0: {  	_ =	sfence.sel $0xFFFF  }
0xc1: {  	[dreg:$0x0] =	wrdreg $0xFFFFFFFF;
	(pc) =	sbr.abs _section_cstart, $3  }
0xc2: {  	[dreg:$0x1] =	wrdreg $0xFFFFFFFF  }
0xc3: {  	_ =	task.clear_ibuf [dreg:s8], $0x2FFFF;
	_ =	strace $0x9FFFFFFF  }
0xc4: {  	(tm) =	ssettm $0x7FFFFFFF  }
0xc5: {  	_ =	shalt  }
tec
execute0_lowered:
.L_overlay_start_1:
0x0: {  	(tag) =	ssettag $0x1  }
0x1: {  	v3 =	vimm.s32 $0xB80  }
0x2: {  	vm12 =	vcmask $0x300;
	vm13 =	vcmask $0x704;
	vm0 =	vmxor vm0, vm0  }
0x3: {  	vm15 =	vcmask $0xB08;
	vm14 =	vcmask $0xF0C;
	vm11 =	vcmask $0x1310  }
0x4: {  	vm3 =	vcmask $0x1714;
	vm1 =	vcmask $0x1B18;
	v7 =	vimm.f32 $0.0e+00  }
0x5: {  	vm2 =	vcmask $0x1F1C;
	v9 =	vimm.s32 $0x1B80;
	v10 =	vimm.s32 $0x2B80  }
0x6: {  	vm4 =	vcmask $0x2320;
	vm5 =	vcmask $0x2724;
	vm6 =	vcmask $0x2B28  }
0x7: {  	vm7 =	vcmask $0x2F2C;
	vm8 =	vcmask $0x3330;
	vm9 =	vcmask $0x3734  }
0x8: {  	vm10 =	vcmask $0x3B38;
	v11 =	vimm.s32 $0x3B80;
	v12 =	vimm.s32 $0x4B80  }
0x9: {  	v13 =	vimm.s32 $0x5B80;
	v14 =	vimm.s32 $0x6B80;
	v15 =	vimm.s32 $0x7B80  }
0xa: {  	v16 =	vimm.s32 $0x8B80;
	v17 =	vimm.s32 $0x9B80;
	v18 =	vimm.s32 $0xAB80  }
0xb: {  	v19 =	vimm.s32 $0xBB80;
	v3 =	vsel vm12, $0x0, v3;
	v9 =	vsel vm12, $0x1000, v9  }
0xc: {  	v10 =	vsel vm12, $0x2000, v10;
	v11 =	vsel vm12, $0x3000, v11;
	v12 =	vsel vm12, $0x4000, v12  }
0xd: {  	v13 =	vsel vm12, $0x5000, v13;
	v14 =	vsel vm12, $0x6000, v14;
	v15 =	vsel vm12, $0x7000, v15  }
0xe: {  	v16 =	vsel vm12, $0x8000, v16;
	v17 =	vsel vm12, $0x9000, v17;
	v18 =	vsel vm12, $0xA000, v18  }
0xf: {  	v19 =	vsel vm12, $0xB000, v19;
	v3 =	vsel vm13, $0x80, v3;
	v9 =	vsel vm13, $0x1080, v9  }
0x10: {  	v10 =	vsel vm13, $0x2080, v10;
	v11 =	vsel vm13, $0x3080, v11;
	v12 =	vsel vm13, $0x4080, v12  }
0x11: {  	v13 =	vsel vm13, $0x5080, v13;
	v14 =	vsel vm13, $0x6080, v14;
	v15 =	vsel vm13, $0x7080, v15  }
0x12: {  	v16 =	vsel vm13, $0x8080, v16;
	v17 =	vsel vm13, $0x9080, v17;
	v18 =	vsel vm13, $0xA080, v18  }
0x13: {  	s1 =	srdreg.scid;
	s0 =	stileid.u32;
	v19 =	vsel vm13, $0xB080, v19;
	v4 =	vsel vm15, $0x100, v3;
	v9 =	vsel vm15, $0x1100, v9  }
0x14: {  	s8 =	sand.u32 $0x1, s1;
	s29 =	sshll.u32 s0, $0x1;
	v10 =	vsel vm15, $0x2100, v10;
	v11 =	vsel vm15, $0x3100, v11;
	v12 =	vsel vm15, $0x4100, v12  }
0x15: {  	s10 =	sor.u32 s8, s29;
	v13 =	vsel vm15, $0x5100, v13;
	v14 =	vsel vm15, $0x6100, v14;
	v15 =	vsel vm15, $0x7100, v15  }
0x16: {  	p0 =	seq.s32 s10, $0x1F;
	v16 =	vsel vm15, $0x8100, v16;
	v17 =	vsel vm15, $0x9100, v17;
	v18 =	vsel vm15, $0xA100, v18  }
0x17: {  	v19 =	vsel vm15, $0xB100, v19;
	vm0 =	vmneg @p0 vm0;
	v5 =	vsel vm14, $0x180, v4  }
0x18: {  	v4 =	vimm.s32 $0x2000;
	v9 =	vsel vm14, $0x1180, v9;
	v10 =	vsel vm14, $0x2180, v10  }
0x19: {  	s7 =	smul.u32 $0xF8, s10;
	v11 =	vsel vm14, $0x3180, v11;
	v12 =	vsel vm14, $0x4180, v12;
	v13 =	vsel vm14, $0x5180, v13  }
0x1a: {  	s11 =	smul.u32 $0x7C00, s10;
	v14 =	vsel vm14, $0x6180, v14;
	v15 =	vsel vm14, $0x7180, v15;
	v16 =	vsel vm14, $0x8180, v16  }
0x1b: {  	v17 =	vsel vm14, $0x9180, v17;
	v18 =	vsel vm14, $0xA180, v18;
	v19 =	vsel vm14, $0xB180, v19  }
0x1c: {  	v0 =	vmov s7;
	v2 =	vmov s11;
	v6 =	vsel vm11, $0x200, v5  }
0x1d: {  	v5 =	vlaneseq.u32;
	v9 =	vsel vm11, $0x1200, v9;
	v10 =	vsel vm11, $0x2200, v10  }
0x1e: {  	v11 =	vsel vm11, $0x3200, v11;
	v12 =	vsel vm11, $0x4200, v12;
	v13 =	vsel vm11, $0x5200, v13  }
0x1f: {  	v14 =	vsel vm11, $0x6200, v14;
	v15 =	vsel vm11, $0x7200, v15;
	v16 =	vsel vm11, $0x8200, v16  }
0x20: {  	v17 =	vsel vm11, $0x9200, v17;
	v18 =	vsel vm11, $0xA200, v18;
	v19 =	vsel vm11, $0xB200, v19  }
0x21: {  	v3 =	vsub.s32 $0xF4200, v2;
	v8 =	vsel vm3, $0x280, v6;
	v6 =	vmul.u32 $0x8000, v5  }
0x22: {  	v9 =	vsel vm3, $0x1280, v9;
	v10 =	vsel vm3, $0x2280, v10;
	v11 =	vsel vm3, $0x3280, v11  }
0x23: {  	v12 =	vsel vm3, $0x4280, v12;
	v13 =	vsel vm3, $0x5280, v13;
	v14 =	vsel vm3, $0x6280, v14  }
0x24: {  	s30 =	smin.u32 s7, $0x1D8C;
	v15 =	vsel vm3, $0x7280, v15;
	v16 =	vsel vm3, $0x8280, v16;
	v17 =	vsel vm3, $0x9280, v17  }
0x25: {  	s9 =	sadd.s32 $0xF8, s30;
	v18 =	vsel vm3, $0xA280, v18;
	v19 =	vsel vm3, $0xB280, v19;
	v20 =	vor.u32 $0x10, v5  }
0x26: {  	v21 =	vor.u32 $0x20, v5;
	v22 =	vor.u32 $0x30, v5;
	v1 =	vmov s9  }
0x27: {  	v8 =	vsel vm1, $0x300, v8;
	v9 =	vsel vm1, $0x1300, v9;
	v10 =	vsel vm1, $0x2300, v10  }
0x28: {  	v11 =	vsel vm1, $0x3300, v11;
	v12 =	vsel vm1, $0x4300, v12;
	v13 =	vsel vm1, $0x5300, v13  }
0x29: {  	v14 =	vsel vm1, $0x6300, v14;
	v15 =	vsel vm1, $0x7300, v15;
	v16 =	vsel vm1, $0x8300, v16  }
0x2a: {  	v17 =	vsel vm1, $0x9300, v17;
	v18 =	vsel vm1, $0xA300, v18;
	v19 =	vsel vm1, $0xB300, v19  }
0x2b: {  	v8 =	vsel vm2, $0x380, v8;
	v9 =	vsel vm2, $0x1380, v9;
	v10 =	vsel vm2, $0x2380, v10  }
0x2c: {  	v11 =	vsel vm2, $0x3380, v11;
	v12 =	vsel vm2, $0x4380, v12;
	v13 =	vsel vm2, $0x5380, v13  }
0x2d: {  	v14 =	vsel vm2, $0x6380, v14;
	v15 =	vsel vm2, $0x7380, v15;
	v16 =	vsel vm2, $0x8380, v16  }
0x2e: {  	v17 =	vsel vm2, $0x9380, v17;
	v18 =	vsel vm2, $0xA380, v18;
	v19 =	vsel vm2, $0xB380, v19  }
0x2f: {  	v8 =	vsel vm4, $0x800, v8;
	v9 =	vsel vm4, $0x1800, v9;
	v10 =	vsel vm4, $0x2800, v10  }
0x30: {  	v11 =	vsel vm4, $0x3800, v11;
	v12 =	vsel vm4, $0x4800, v12;
	v13 =	vsel vm4, $0x5800, v13  }
0x31: {  	v14 =	vsel vm4, $0x6800, v14;
	v15 =	vsel vm4, $0x7800, v15;
	v16 =	vsel vm4, $0x8800, v16  }
0x32: {  	v17 =	vsel vm4, $0x9800, v17;
	v18 =	vsel vm4, $0xA800, v18;
	v19 =	vsel vm4, $0xB800, v19  }
0x33: {  	v8 =	vsel vm5, $0x880, v8;
	v9 =	vsel vm5, $0x1880, v9;
	v10 =	vsel vm5, $0x2880, v10  }
0x34: {  	v11 =	vsel vm5, $0x3880, v11;
	v12 =	vsel vm5, $0x4880, v12;
	v13 =	vsel vm5, $0x5880, v13  }
0x35: {  	v14 =	vsel vm5, $0x6880, v14;
	v15 =	vsel vm5, $0x7880, v15;
	v16 =	vsel vm5, $0x8880, v16  }
0x36: {  	v17 =	vsel vm5, $0x9880, v17;
	v18 =	vsel vm5, $0xA880, v18;
	v19 =	vsel vm5, $0xB880, v19  }
0x37: {  	v8 =	vsel vm6, $0x900, v8;
	v9 =	vsel vm6, $0x1900, v9;
	v10 =	vsel vm6, $0x2900, v10  }
0x38: {  	v11 =	vsel vm6, $0x3900, v11;
	v12 =	vsel vm6, $0x4900, v12;
	v13 =	vsel vm6, $0x5900, v13  }
0x39: {  	v14 =	vsel vm6, $0x6900, v14;
	v15 =	vsel vm6, $0x7900, v15;
	v16 =	vsel vm6, $0x8900, v16  }
0x3a: {  	v17 =	vsel vm6, $0x9900, v17;
	v18 =	vsel vm6, $0xA900, v18;
	v19 =	vsel vm6, $0xB900, v19  }
0x3b: {  	v8 =	vsel vm7, $0x980, v8;
	v9 =	vsel vm7, $0x1980, v9;
	v10 =	vsel vm7, $0x2980, v10  }
0x3c: {  	v11 =	vsel vm7, $0x3980, v11;
	v12 =	vsel vm7, $0x4980, v12;
	v13 =	vsel vm7, $0x5980, v13  }
0x3d: {  	v14 =	vsel vm7, $0x6980, v14;
	v15 =	vsel vm7, $0x7980, v15;
	v16 =	vsel vm7, $0x8980, v16  }
0x3e: {  	v17 =	vsel vm7, $0x9980, v17;
	v18 =	vsel vm7, $0xA980, v18;
	v19 =	vsel vm7, $0xB980, v19  }
0x3f: {  	v8 =	vsel vm8, $0xA00, v8;
	v9 =	vsel vm8, $0x1A00, v9;
	v10 =	vsel vm8, $0x2A00, v10  }
0x40: {  	v11 =	vsel vm8, $0x3A00, v11;
	v12 =	vsel vm8, $0x4A00, v12;
	v13 =	vsel vm8, $0x5A00, v13  }
0x41: {  	s2 =	rddreg [dreg:$0x1];
	v14 =	vsel vm8, $0x6A00, v14;
	v15 =	vsel vm8, $0x7A00, v15;
	v16 =	vsel vm8, $0x8A00, v16  }
0x42: {  	s6 =	rddreg [dreg:$0x2];
	s4 =	simm.s32 $0x0;
	s14 =	simm.s32 $0x800;
	v17 =	vsel vm8, $0x9A00, v17;
	v18 =	vsel vm8, $0xAA00, v18;
	v19 =	vsel vm8, $0xBA00, v19  }
0x43: {  	s13 =	simm.s32 $0x5;
	s15 =	simm.s32 $0x7A1400;
	s16 =	simm.s32 $0x4080;
	v8 =	vsel vm9, $0xA80, v8;
	v9 =	vsel vm9, $0x1A80, v9;
	v10 =	vsel vm9, $0x2A80, v10  }
0x44: {  	s17 =	simm.s32 $0x8080;
	s18 =	simm.s32 $0x18080;
	s19 =	simm.s32 $0x80;
	v11 =	vsel vm9, $0x3A80, v11;
	v12 =	vsel vm9, $0x4A80, v12;
	v13 =	vsel vm9, $0x5A80, v13  }
0x45: {  	s20 =	simm.s32 $0x4;
	s21 =	simm.s32 $0x0;
	s1 =	rddreg [dreg:$0x0];
	v14 =	vsel vm9, $0x6A80, v14;
	v15 =	vsel vm9, $0x7A80, v15;
	v16 =	vsel vm9, $0x8A80, v16  }
.Ltmp0:
0x46: {  	[smem:$0x7FF] =	sst s4;
	s8 =	ssub.s32 $0x2, s8;
	v17 =	vsel vm9, $0x9A80, v17;
	v18 =	vsel vm9, $0xAA80, v18;
	v19 =	vsel vm9, $0xBA80, v19;
	(pc) =	sbr.rel .LBB2_1-.Ltmp0, $4  }
0x47: {  	s5 =	sadd.s32 $0x400, s6;
	s6 =	sadd.s32 $0x600, s6;
	s12 =	sshrl.u32 s8, $0x1;
	v8 =	vsel vm10, $0xB00, v8;
	v9 =	vsel vm10, $0x1B00, v9;
	v10 =	vsel vm10, $0x2B00, v10  }
0x48: {  	_ =	strace $0x80000047;
	s10 =	smul.u32 $0x3E000, s10;
	s31 =	ssub.s32 s8, s12;
	v11 =	vsel vm10, $0x3B00, v11;
	v12 =	vsel vm10, $0x4B00, v12;
	v13 =	vsel vm10, $0x5B00, v13  }
0x49: {  	s12 =	simm.s32 $0x18180;
	s9 =	ssub.s32 s9, s7;
	s7 =	sadd.s32 s2, s11;
	v14 =	vsel vm10, $0x6B00, v14;
	v15 =	vsel vm10, $0x7B00, v15;
	v16 =	vsel vm10, $0x8B00, v16  }
0x4a: {  	s11 =	smax.u32 s31, $0x1;
	s8 =	sshra.s32 s9, $0x1;
	s9 =	sadd.s32 $0x100, s7;
	v17 =	vsel vm10, $0x9B00, v17;
	v18 =	vsel vm10, $0xAB00, v18;
	v19 =	vsel vm10, $0xBB00, v19  }
.LBB2_24:
0x4b: {  	s3 =	sshll.u32 s23, $0x7;
	s21 =	sadd.s32 $0x1, s21  }
0x4c: {  	s22 =	sand.u32 $0xFFFFFF80, s23;
	s3 =	sand.u32 $0x3FFFC000, s3;
	p0 =	sne.s32 s21, s11  }
.Ltmp1:
0x4d: {  	s22 =	sadd.s32 $0x18080, s22;
	s3 =	sadd.s32 $0x10080, s3;
	(pc) =	sbr.rel @!p0 .LBB2_25-.Ltmp1, $4  }
0x4e: {  	[hbm4b:s6+s19] =	stream.indirect.scatter [tilespmem:s3], [sflag:$0x4], $0x80, s22, s19, $0xb8;
	[tilespmem:$0x19180] =	vst v63  }
0x4f: {  	_ =	swait.ge [sflag:s20], $0x4000  }
0x50: {  	[sflag:s20] =	ssyncset.done $0x0  }
0x51: {  	[sflag:s20] =	ssyncadd.s32 $0xFFFFC000  }
.LBB2_1:
0x52: {  	[tilespmem:s4], [sflag:$0x5] =	stream.linear.gather [hbm4b:s1+s4], $0x2000, $0x38;
	[tilespmem:$0x19180] =	vst v63  }
0x53: {  	_ =	swait.ge [sflag:s13], $0x2000  }
0x54: {  	[sflag:s13] =	ssyncset.done $0x0  }
0x55: {  	[sflag:s13] =	ssyncadd.s32 $0xFFFFE000  }
0x56: {  	[tilespmem:s12], [sflag:$0x5] =	stream.linear.gather [hbm4b:s5+s4], $0x1000, $0x38;
	[tilespmem:$0x19180] =	vst v63  }
0x57: {  	_ =	swait.ge [sflag:s13], $0x1000  }
0x58: {  	[sflag:s13] =	ssyncset.done $0x0  }
0x59: {  	[sflag:s13] =	ssyncadd.s32 $0xFFFFF000  }
0x5a: {  	[tilespmem:$0x18080] =	vst v4  }
0x5b: {  	[tilespmem:$0x18090] =	vst v4  }
0x5c: {  	[tilespmem:$0x180A0] =	vst v4  }
0x5d: {  	[tilespmem:$0x180B0] =	vst v4  }
0x5e: {  	[tilespmem:$0x180C0] =	vst v4  }
0x5f: {  	[tilespmem:$0x180D0] =	vst v4  }
0x60: {  	[tilespmem:$0x180E0] =	vst v4  }
0x61: {  	[tilespmem:$0x180F0] =	vst v4  }
0x62: {  	[tilespmem:$0x18100] =	vst v4  }
0x63: {  	[tilespmem:$0x18110] =	vst v4  }
0x64: {  	[tilespmem:$0x18120] =	vst v4  }
0x65: {  	[tilespmem:$0x18130] =	vst v4  }
0x66: {  	[tilespmem:$0x18140] =	vst v4  }
0x67: {  	[tilespmem:$0x18150] =	vst v4  }
0x68: {  	[tilespmem:$0x18160] =	vst v4  }
0x69: {  	[tilespmem:$0x18170] =	vst v4  }
0x6a: {  	[tilespmem:s16], [sflag:$0x1] =	stream.strided.gather [hbm4b:s7+s14], $0x4000, s15, s14, $0x38;
	[tilespmem:$0x19180] =	vst v63  }
0x6b: {  	_ = 	snop  }
0x6c: {  	[tilespmem:s17], [sflag:$0x2] =	stream.strided.gather [hbm4b:s9+s14], $0x4000, s15, s14, $0x38;
	[tilespmem:$0x19180] =	vst v63  }
0x6d: {  	v23 =	vld [tilespmem:s4+$0x0];
	_ =	sdelay $0x4  }
0x6e: {  	v24 =	vshra.s32 v23, $0x7  }
0x6f: {  	vm3 =	vgt.s32 v23, $0xF41FF;
	vm1 =	vge.s32 v24, v0;
	vm2 =	vlt.s32 v24, v1  }
0x70: {  	vm1 =	vmand vm1, vm2;
	vm2 =	vmand vm0, vm3  }
0x71: {  	vm1 =	vmor vm2, vm1  }
0x72: {  	v61 =	vmpcnt.ones.xlane vm1;
	_ =	sdelay $0x1  }
0x73: {  	v24 =	vxor.u32 $0x80000000, v61  }
0x74: {  	(xrf0) =	vmax.scan.msk.u32 $0xffff, v24;
	_ =	sdelay $0x1  }
0x75: {  	v62 =	vmov s4  }
0x76: {  	v24 =	vshll.u32 v62, $0xF  }
0x77: {  	v23 =	vsub.s32 v23, v2;
	v24 =	vor.u32 v6, v24  }
0x78: {  	v23 =	vor.u32 v24, v23  }
0x79: {  	s22 =	simm.s32 $0x10;
	[tilespmem:s4+$0x2000] =	vst.msk vm1, v23;
	v63, _, _ =	vpop (xrf0)  }
0x7a: {  	s24 =	simm.s32 $0x20;
	s23 =	simm.s32 $0x0;
	s25 =	simm.s32 $0x10;
	v23 =	vld [tilespmem:s22+$0x0];
	(v2sf) =	vpush v63, $0xF  }
.LBB2_2:
0x7b: {  	p0 =	sne.s32 s24, $0x1FF0;
	_ =	sdelay $0x3  }
0x7c: {  	v24 =	vshra.s32 v23, $0x7;
	v25 =	vsub.s32 v23, v2  }
0x7d: {  	vm3 =	vgt.s32 v23, $0xF41FF;
	vm1 =	vge.s32 v24, v0;
	vm2 =	vlt.s32 v24, v1  }
0x7e: {  	vm1 =	vmand vm1, vm2;
	vm2 =	vmand vm0, vm3  }
0x7f: {  	vm1 =	vmor vm2, vm1  }
0x80: {  	v23 =	vmpcnt.ones.xlane vm1;
	_ =	sdelay $0x1  }
0x81: {  	v23 =	vxor.u32 $0x80000000, v23  }
0x82: {  	(xrf0) =	vmax.scan.msk.u32 $0xffff, v23;
	_ =	sdelay $0x1  }
0x83: {  	v23 =	vmov s22;
	s22 =	smov.u32 s24  }
.Ltmp2:
0x84: {  	v23 =	vshll.u32 v23, $0xF;
	s26 =	spop (v2sf);
	(pc) =	sbr.rel @p0 .LBB2_2-.Ltmp2, $4  }
0x85: {  	v23 =	vor.u32 v6, v23;
	s23 =	sadd.s32 s26, s23  }
0x86: {  	v23 =	vor.u32 v23, v25;
	s23 =	sadd.s32 $0x80000000, s23  }
0x87: {  	s25 =	sadd.s32 $0x10, s25;
	[tilespmem:s23+$0x2000] =	vst.msk vm1, v23;
	v24, _, _ =	vpop (xrf0)  }
0x88: {  	s24 =	sadd.s32 $0x10, s24;
	v23 =	vld [tilespmem:s25+$0x0];
	(v2sf) =	vpush v24, $0xF  }
0x89: {  	_ =	sdelay $0x3  }
0x8a: {  	v24 =	vshra.s32 v23, $0x7  }
0x8b: {  	vm3 =	vgt.s32 v23, $0xF41FF;
	vm1 =	vge.s32 v24, v0;
	vm2 =	vlt.s32 v24, v1  }
0x8c: {  	vm1 =	vmand vm1, vm2;
	vm2 =	vmand vm0, vm3  }
0x8d: {  	vm1 =	vmor vm2, vm1  }
0x8e: {  	v62 =	vmpcnt.ones.xlane vm1;
	_ =	sdelay $0x1  }
0x8f: {  	v24 =	vxor.u32 $0x80000000, v62  }
0x90: {  	(xrf0) =	vmax.scan.msk.u32 $0xffff, v24;
	_ =	sdelay $0x5  }
0x91: {  	v24, _, _ =	vpop (xrf0)  }
0x92: {  	(v2sf) =	vpush v24, $0xF;
	_ =	sdelay $0xc  }
0x93: {  	s24 =	spop (v2sf)  }
0x94: {  	s23 =	sadd.s32 s24, s23  }
0x95: {  	s23 =	sadd.s32 $0x80000000, s23;
	s30 =	spop (v2sf)  }
.Ltmp3:
0x96: {  	v63 =	vmov s22;
	s31 =	sadd.s32 s30, s23;
	(pc) =	sbr.rel .LBB2_4-.Ltmp3, $4  }
0x97: {  	v24 =	vshll.u32 v63, $0xF;
	s24 =	sadd.s32 $0x80000000, s31  }
0x98: {  	v23 =	vsub.s32 v23, v2;
	v24 =	vor.u32 v6, v24;
	s22 =	sadd.s32 $0xF, s24  }
0x99: {  	v23 =	vor.u32 v24, v23;
	s22 =	sshra.s32 s22, $0x4  }
0x9a: {  	[tilespmem:s23+$0x2000] =	vst.msk vm1, v23;
	s23 =	simm.s32 $0x0;
	v23 =	vmov s24;
	s24 =	simm.s32 $0x0;
	p0 =	slt.s32 s22, $0x1  }
.LBB2_19:
0x9b: {  	s24 =	sadd.s32 $0x1, s24  }
0x9c: {  	p1 =	seq.s32 s24, $0x2A  }
.Ltmp4:
0x9d: {  	_ = 	snop;
	(pc) =	sbr.rel @p1 .LBB2_20-.Ltmp4, $1  }
0x9e: {  	_ =	sdelay $0x3  }
.LBB2_4:
0x9f: {  	s26 =	smul.u32 $0x3, s24;
	_ =	sdelay $0x1  }
0xa0: {  	s25 =	sadd.s32 $0x2, s26  }
0xa1: {  	p2 =	sge.s32 s26, s8;
	p1 =	sge.s32 s25, s8  }
.Ltmp5:
0xa2: {  	s28 =	simm.s32 @!p2 $0x1;
	s29 =	sshll.u32 @!p1 s25, $0xB;
	(pc) =	sbr.rel @p0 .LBB2_9-.Ltmp5, $4  }
0xa3: {  	_ =	swait.ge @!p2 [sflag:s28], $0x4000;
	s30 =	simm.s32 @!p1 $0x7A1400;
	s29 =	sadd.s32 @!p1 s10, s29  }
0xa4: {  	s31 =	simm.s32 @!p1 $0xC080;
	[sflag:s28] =	ssyncset.done @!p2 $0x0;
	s29 =	sshrl.u32 @!p1 s29, $0x3  }
0xa5: {  	[sflag:s28] =	ssyncadd.s32 @!p2 $0xFFFFC000;
	s28 =	sadd.s32 @!p1 s2, s29;
	s29 =	simm.s32 @!p1 $0x800  }
0xa6: {  	[tilespmem:s31], [sflag:$0x3] =	stream.strided.gather @!p1 [hbm4b:s28+s29], $0x4000, s30, s29, $0x38;
	[tilespmem:$0x19180] =	vst v63  }
.Ltmp6:
0xa7: {  	(pc) =	sbr.rel .LBB2_6-.Ltmp6, $4  }
0xa8: {  	_ = 	snop  }
0xa9: {  	p2 =	slt.s32 s26, s8;
	s28 =	smov.u32 s26  }
0xaa: {  	s28 =	simm.s32 @!p2 $0xFFFFFFFF  }
0xab: {  	v24 =	vmov s28;
	s28 =	simm.s32 $0x0  }
.LBB2_8:
0xac: {  	s28 =	sadd.s32 $0x1, s28  }
0xad: {  	p2 =	sne.s32 s28, s22  }
.Ltmp7:
0xae: {  	_ = 	snop;
	(pc) =	sbr.rel @!p2 .LBB2_9-.Ltmp7, $1  }
0xaf: {  	_ =	sdelay $0x3  }
.LBB2_6:
0xb0: {  	s29 =	sshll.u32 s28, $0x4  }
0xb1: {  	v25 =	vld [tilespmem:s29+$0x2000];
	_ =	sdelay $0x4  }
0xb2: {  	v26 =	vshrl.u32 v25, $0x8  }
0xb3: {  	v27 =	vor.u32 s29, v5;
	v26 =	vand.u32 $0x7F, v26  }
0xb4: {  	vm1 =	vlt.s32 v27, v23;
	vm2 =	veq.s32 v26, v24  }
0xb5: {  	vm1 =	vmand vm1, vm2  }
0xb6: {  	v26 =	vsel vm1, $0x3F800000, v7  }
0xb7: {  	(xrf0) =	vmax.scan.msk.f32 $0xffff, v26;
	_ =	sdelay $0x5  }
0xb8: {  	v26, _, _ =	vpop (xrf0)  }
0xb9: {  	(v2sf) =	vpush v26, $0xF;
	_ =	sdelay $0xe  }
0xba: {  	s31 =	spop (v2sf)  }
0xbb: {  	p2 =	sgt.f32 s31, $0.0e+00  }
.Ltmp8:
0xbc: {  	_ = 	snop;
	(pc) =	sbr.rel @!p2 .LBB2_8-.Ltmp8, $1  }
0xbd: {  	_ =	sdelay $0x3  }
.LBB2_7:
0xbe: {  	v26 =	vmctz.xlane vm1;
	_ =	sdelay $0x1  }
0xbf: {  	v27 =	vadd.s32 $0x10, v26  }
0xc0: {  	v27 =	vperm.xlane v25, v27;
	_ =	sdelay $0x1  }
0xc1: {  	v28 =	vshll.u32 v27, $0x3  }
0xc2: {  	v29 =	vand.u32 $0x7F, v27;
	v28 =	vand.u32 $0x400, v28  }
0xc3: {  	v28 =	vor.u32 v29, v28  }
0xc4: {  	v29 =	vor.u32 v8, v28;
	_ =	sdelay $0x4  }
0xc5: {  	v29 =	vld.idx.msk [tilespmem:v29+s16+$0x0], $0xffff;
	_ =	sdelay $0x2  }
0xc6: {  	v30 =	vor.u32 v9, v28;
	_ =	sdelay $0x1  }
0xc7: {  	s29 =	sshll.u32 s23, $0x9;
	v29 =	vmul.f32 $8.000000000e+00, v29  }
0xc8: {  	s29 =	sshra.s32 s29, $0x2  }
0xc9: {  	[tilespmem:s29+$0x10080] =	vst v29  }
0xca: {  	v29 =	vld.idx.msk [tilespmem:v30+s16+$0x0], $0xffff;
	_ =	sdelay $0x2  }
0xcb: {  	v62 =	vor.u32 v10, v28;
	_ =	sdelay $0x1  }
0xcc: {  	v29 =	vmul.f32 $8.000000000e+00, v29;
	_ =	sdelay $0x1  }
0xcd: {  	[tilespmem:s29+$0x10090] =	vst v29  }
0xce: {  	v29 =	vld.idx.msk [tilespmem:v62+s16+$0x0], $0xffff;
	_ =	sdelay $0x2  }
0xcf: {  	v28 =	vor.u32 v11, v28;
	_ =	sdelay $0x1  }
0xd0: {  	v29 =	vmul.f32 $8.000000000e+00, v29;
	_ =	sdelay $0x1  }
0xd1: {  	[tilespmem:s29+$0x100A0] =	vst v29  }
0xd2: {  	v28 =	vld.idx.msk [tilespmem:v28+s16+$0x0], $0xffff  }
0xd3: {  	s30 =	sand.u32 $0x7F, s23;
	s31 =	sand.u32 $0xFFFFFF80, s23  }
0xd4: {  	s3 =	sor.u32 s30, s31  }
0xd5: {  	v63 =	vmov s3  }
0xd6: {  	p2 =	sne.s32 s30, $0x7F  }
0xd7: {  	s3 =	sand.u32 @!p2 $0xFFFFFF80, s23;
	v28 =	vmul.f32 $8.000000000e+00, v28  }
0xd8: {  	s30 =	sshll.u32 @!p2 s3, $0x9  }
0xd9: {  	v27 =	vshra.s32 v27, $0xF;
	[tilespmem:s29+$0x100B0] =	vst v28;
	s29 =	sshra.s32 @!p2 s30, $0x2  }
0xda: {  	s3 =	sadd.s32 @!p2 $0x18080, s3;
	s30 =	simm.s32 @!p2 $0x80;
	[tilespmem:v63+s18+$0x0] =	vst.idx.msk $0x1, v27;
	s29 =	sadd.s32 @!p2 $0x10080, s29  }
0xdb: {  	vm2 =	vne.s32 v26, v5;
	[hbm4b:s6+s30] =	stream.indirect.scatter @!p2 [tilespmem:s29], [sflag:$0x4], $0x80, s3, s30, $0xb8;
	[tilespmem:$0x19180] =	vst v63  }
0xdc: {  	vm1 =	vmand vm1, vm2;
	s3 =	simm.s32 @!p2 $0x4  }
0xdd: {  	v26 =	vsel vm1, $0x3F800000, v7;
	_ =	swait.ge @!p2 [sflag:s3], $0x4000  }
0xde: {  	(xrf0) =	vmax.scan.msk.f32 $0xffff, v26;
	_ =	sdelay $0x5  }
0xdf: {  	v26, _, _ =	vpop (xrf0)  }
0xe0: {  	(v2sf) =	vpush v26, $0xF;
	_ =	sdelay $0x5  }
0xe1: {  	v26 =	vmov s31  }
0xe2: {  	v26 =	vbroadcast @!p2 v26, $0x0  }
0xe3: {  	v27 =	vlaneseq.u32 @!p2  }
0xe4: {  	v29 =	vor.u32 @!p2 $0x10, v27;
	v28 =	vor.u32 @!p2 v27, v26  }
0xe5: {  	v30 =	vor.u32 @!p2 $0x20, v27;
	v29 =	vor.u32 @!p2 v29, v26  }
0xe6: {  	v31 =	vor.u32 @!p2 $0x30, v27;
	v30 =	vor.u32 @!p2 v30, v26  }
0xe7: {  	v32 =	vor.u32 @!p2 $0x40, v27;
	[sflag:s3] =	ssyncset.done @!p2 $0x0;
	v31 =	vor.u32 @!p2 v31, v26  }
0xe8: {  	v33 =	vimm.s32 @!p2 $0x2000;
	v34 =	vor.u32 @!p2 $0x50, v27;
	[sflag:s3] =	ssyncadd.s32 @!p2 $0xFFFFC000;
	s3 =	simm.s32 @!p2 $0x18080;
	v32 =	vor.u32 @!p2 v32, v26  }
0xe9: {  	[tilespmem:v28+s3+$0x0] =	vst.idx.msk @!p2 $0xffff, v33;
	v28 =	vor.u32 @!p2 v34, v26;
	v34 =	vor.u32 @!p2 $0x60, v27  }
0xea: {  	v27 =	vor.u32 @!p2 $0x70, v27;
	[tilespmem:v29+s3+$0x0] =	vst.idx.msk @!p2 $0xffff, v33;
	v29 =	vor.u32 @!p2 v34, v26;
	s30 =	spop (v2sf)  }
0xeb: {  	v26 =	vor.u32 @!p2 v27, v26;
	[tilespmem:v30+s3+$0x0] =	vst.idx.msk @!p2 $0xffff, v33;
	p3 =	sgt.f32 s30, $0.0e+00  }
.Ltmp9:
0xec: {  	[tilespmem:v31+s3+$0x0] =	vst.idx.msk @!p2 $0xffff, v33;
	(pc) =	sbr.rel @p3 .LBB2_7-.Ltmp9, $4  }
0xed: {  	[tilespmem:v32+s3+$0x0] =	vst.idx.msk @!p2 $0xffff, v33  }
0xee: {  	[tilespmem:v28+s3+$0x0] =	vst.idx.msk @!p2 $0xffff, v33  }
0xef: {  	s31 =	sadd.s32 $0x1, s23;
	[tilespmem:v29+s3+$0x0] =	vst.idx.msk @!p2 $0xffff, v33  }
0xf0: {  	s23 =	sand.u32 $0xFF, s31;
	[tilespmem:v26+s3+$0x0] =	vst.idx.msk @!p2 $0xffff, v33  }
.Ltmp10:
0xf1: {  	_ = 	snop;
	(pc) =	sbr.rel .LBB2_8-.Ltmp10, $1  }
0xf2: {  	_ =	sdelay $0x3  }
.LBB2_9:
0xf3: {  	s28 =	sadd.s32 $0x1, s26;
	s3 =	sadd.s32 $0x3, s26  }
0xf4: {  	p2 =	sge.s32 s28, s8;
	p3 =	sge.s32 s3, s8  }
.Ltmp11:
0xf5: {  	s29 =	simm.s32 @!p2 $0x2;
	s3 =	sshll.u32 @!p3 s3, $0xB;
	(pc) =	sbr.rel @p0 .LBB2_14-.Ltmp11, $4  }
0xf6: {  	s30 =	simm.s32 @!p3 $0x7A1400;
	_ =	swait.ge @!p2 [sflag:s29], $0x4000;
	s3 =	sadd.s32 @!p3 s10, s3  }
0xf7: {  	s31 =	simm.s32 @!p3 $0x4080;
	[sflag:s29] =	ssyncset.done @!p2 $0x0;
	s3 =	sshrl.u32 @!p3 s3, $0x3  }
0xf8: {  	[sflag:s29] =	ssyncadd.s32 @!p2 $0xFFFFC000;
	s3 =	sadd.s32 @!p3 s2, s3;
	s29 =	simm.s32 @!p3 $0x800  }
0xf9: {  	[tilespmem:s31], [sflag:$0x1] =	stream.strided.gather @!p3 [hbm4b:s3+s29], $0x4000, s30, s29, $0x38;
	[tilespmem:$0x19180] =	vst v63  }
.Ltmp12:
0xfa: {  	(pc) =	sbr.rel .LBB2_11-.Ltmp12, $4  }
0xfb: {  	_ = 	snop  }
0xfc: {  	p2 =	slt.s32 s28, s8  }
0xfd: {  	s28 =	simm.s32 @!p2 $0xFFFFFFFF  }
0xfe: {  	v24 =	vmov s28;
	s28 =	simm.s32 $0x0  }
.LBB2_13:
0xff: {  	s28 =	sadd.s32 $0x1, s28  }
0x100: {  	p2 =	sne.s32 s28, s22  }
.Ltmp13:
0x101: {  	_ = 	snop;
	(pc) =	sbr.rel @!p2 .LBB2_14-.Ltmp13, $1  }
0x102: {  	_ =	sdelay $0x3  }
.LBB2_11:
0x103: {  	s3 =	sshll.u32 s28, $0x4  }
0x104: {  	v25 =	vld [tilespmem:s3+$0x2000];
	_ =	sdelay $0x4  }
0x105: {  	v26 =	vshrl.u32 v25, $0x8  }
0x106: {  	v27 =	vor.u32 s3, v5;
	v26 =	vand.u32 $0x7F, v26  }
0x107: {  	vm1 =	vlt.s32 v27, v23;
	vm2 =	veq.s32 v26, v24  }
0x108: {  	vm1 =	vmand vm1, vm2  }
0x109: {  	v26 =	vsel vm1, $0x3F800000, v7  }
0x10a: {  	(xrf0) =	vmax.scan.msk.f32 $0xffff, v26;
	_ =	sdelay $0x5  }
0x10b: {  	v26, _, _ =	vpop (xrf0)  }
0x10c: {  	(v2sf) =	vpush v26, $0xF;
	_ =	sdelay $0xe  }
0x10d: {  	s31 =	spop (v2sf)  }
0x10e: {  	p2 =	sgt.f32 s31, $0.0e+00  }
.Ltmp14:
0x10f: {  	_ = 	snop;
	(pc) =	sbr.rel @!p2 .LBB2_13-.Ltmp14, $1  }
0x110: {  	_ =	sdelay $0x3  }
.LBB2_12:
0x111: {  	v26 =	vmctz.xlane vm1;
	_ =	sdelay $0x1  }
0x112: {  	v27 =	vadd.s32 $0x10, v26  }
0x113: {  	v27 =	vperm.xlane v25, v27;
	_ =	sdelay $0x1  }
0x114: {  	v28 =	vshll.u32 v27, $0x3  }
0x115: {  	v29 =	vand.u32 $0x7F, v27;
	v28 =	vand.u32 $0x400, v28  }
0x116: {  	v28 =	vor.u32 v29, v28  }
0x117: {  	v29 =	vor.u32 v12, v28;
	_ =	sdelay $0x4  }
0x118: {  	v29 =	vld.idx.msk [tilespmem:v29+s16+$0x0], $0xffff;
	_ =	sdelay $0x2  }
0x119: {  	v30 =	vor.u32 v13, v28;
	_ =	sdelay $0x1  }
0x11a: {  	s3 =	sshll.u32 s23, $0x9;
	v29 =	vmul.f32 $8.000000000e+00, v29  }
0x11b: {  	s3 =	sshra.s32 s3, $0x2  }
0x11c: {  	[tilespmem:s3+$0x10080] =	vst v29  }
0x11d: {  	v29 =	vld.idx.msk [tilespmem:v30+s16+$0x0], $0xffff;
	_ =	sdelay $0x2  }
0x11e: {  	v62 =	vor.u32 v14, v28;
	_ =	sdelay $0x1  }
0x11f: {  	v29 =	vmul.f32 $8.000000000e+00, v29;
	_ =	sdelay $0x1  }
0x120: {  	[tilespmem:s3+$0x10090] =	vst v29  }
0x121: {  	v29 =	vld.idx.msk [tilespmem:v62+s16+$0x0], $0xffff;
	_ =	sdelay $0x2  }
0x122: {  	v28 =	vor.u32 v15, v28;
	_ =	sdelay $0x1  }
0x123: {  	v29 =	vmul.f32 $8.000000000e+00, v29;
	_ =	sdelay $0x1  }
0x124: {  	[tilespmem:s3+$0x100A0] =	vst v29  }
0x125: {  	v28 =	vld.idx.msk [tilespmem:v28+s16+$0x0], $0xffff  }
0x126: {  	s29 =	sand.u32 $0x7F, s23;
	s30 =	sand.u32 $0xFFFFFF80, s23  }
0x127: {  	s31 =	sor.u32 s29, s30  }
0x128: {  	v63 =	vmov s31  }
0x129: {  	p2 =	sne.s32 s29, $0x7F  }
0x12a: {  	s29 =	sand.u32 @!p2 $0xFFFFFF80, s23;
	v28 =	vmul.f32 $8.000000000e+00, v28  }
0x12b: {  	s31 =	sshll.u32 @!p2 s29, $0x9  }
0x12c: {  	v27 =	vshra.s32 v27, $0xF;
	[tilespmem:s3+$0x100B0] =	vst v28;
	s3 =	sshra.s32 @!p2 s31, $0x2  }
0x12d: {  	s29 =	sadd.s32 @!p2 $0x18080, s29;
	s31 =	simm.s32 @!p2 $0x80;
	[tilespmem:v63+s18+$0x0] =	vst.idx.msk $0x1, v27;
	s3 =	sadd.s32 @!p2 $0x10080, s3  }
0x12e: {  	vm2 =	vne.s32 v26, v5;
	[hbm4b:s6+s31] =	stream.indirect.scatter @!p2 [tilespmem:s3], [sflag:$0x4], $0x80, s29, s31, $0xb8;
	[tilespmem:$0x19180] =	vst v63  }
0x12f: {  	vm1 =	vmand vm1, vm2;
	s3 =	simm.s32 @!p2 $0x4  }
0x130: {  	v26 =	vsel vm1, $0x3F800000, v7;
	_ =	swait.ge @!p2 [sflag:s3], $0x4000  }
0x131: {  	(xrf0) =	vmax.scan.msk.f32 $0xffff, v26;
	_ =	sdelay $0x5  }
0x132: {  	v26, _, _ =	vpop (xrf0)  }
0x133: {  	(v2sf) =	vpush v26, $0xF;
	_ =	sdelay $0x5  }
0x134: {  	v26 =	vmov s30  }
0x135: {  	v26 =	vbroadcast @!p2 v26, $0x0  }
0x136: {  	v27 =	vlaneseq.u32 @!p2  }
0x137: {  	v29 =	vor.u32 @!p2 $0x10, v27;
	v28 =	vor.u32 @!p2 v27, v26  }
0x138: {  	v30 =	vor.u32 @!p2 $0x20, v27;
	v29 =	vor.u32 @!p2 v29, v26  }
0x139: {  	v31 =	vor.u32 @!p2 $0x30, v27;
	v30 =	vor.u32 @!p2 v30, v26  }
0x13a: {  	v32 =	vor.u32 @!p2 $0x40, v27;
	[sflag:s3] =	ssyncset.done @!p2 $0x0;
	v31 =	vor.u32 @!p2 v31, v26  }
0x13b: {  	v33 =	vimm.s32 @!p2 $0x2000;
	v34 =	vor.u32 @!p2 $0x50, v27;
	[sflag:s3] =	ssyncadd.s32 @!p2 $0xFFFFC000;
	s3 =	simm.s32 @!p2 $0x18080;
	v32 =	vor.u32 @!p2 v32, v26  }
0x13c: {  	[tilespmem:v28+s3+$0x0] =	vst.idx.msk @!p2 $0xffff, v33;
	v28 =	vor.u32 @!p2 v34, v26;
	v34 =	vor.u32 @!p2 $0x60, v27  }
0x13d: {  	v27 =	vor.u32 @!p2 $0x70, v27;
	[tilespmem:v29+s3+$0x0] =	vst.idx.msk @!p2 $0xffff, v33;
	v29 =	vor.u32 @!p2 v34, v26;
	s30 =	spop (v2sf)  }
0x13e: {  	v26 =	vor.u32 @!p2 v27, v26;
	[tilespmem:v30+s3+$0x0] =	vst.idx.msk @!p2 $0xffff, v33;
	p3 =	sgt.f32 s30, $0.0e+00  }
.Ltmp15:
0x13f: {  	[tilespmem:v31+s3+$0x0] =	vst.idx.msk @!p2 $0xffff, v33;
	(pc) =	sbr.rel @p3 .LBB2_12-.Ltmp15, $4  }
0x140: {  	[tilespmem:v32+s3+$0x0] =	vst.idx.msk @!p2 $0xffff, v33  }
0x141: {  	[tilespmem:v28+s3+$0x0] =	vst.idx.msk @!p2 $0xffff, v33  }
0x142: {  	s31 =	sadd.s32 $0x1, s23;
	[tilespmem:v29+s3+$0x0] =	vst.idx.msk @!p2 $0xffff, v33  }
0x143: {  	s23 =	sand.u32 $0xFF, s31;
	[tilespmem:v26+s3+$0x0] =	vst.idx.msk @!p2 $0xffff, v33  }
.Ltmp16:
0x144: {  	_ = 	snop;
	(pc) =	sbr.rel .LBB2_13-.Ltmp16, $1  }
0x145: {  	_ =	sdelay $0x3  }
.LBB2_14:
0x146: {  	s3 =	sadd.s32 $0x4, s26  }
0x147: {  	s26 =	simm.s32 @!p1 $0x3;
	p2 =	sge.s32 s3, s8  }
.Ltmp17:
0x148: {  	_ =	swait.ge @!p1 [sflag:s26], $0x4000;
	s3 =	sshll.u32 @!p2 s3, $0xB;
	(pc) =	sbr.rel @p0 .LBB2_26-.Ltmp17, $4  }
0x149: {  	[sflag:s26] =	ssyncset.done @!p1 $0x0;
	s3 =	sadd.s32 @!p2 s10, s3  }
0x14a: {  	s28 =	simm.s32 @!p2 $0x7A1400;
	s29 =	simm.s32 @!p2 $0x8080;
	s3 =	sshrl.u32 @!p2 s3, $0x3  }
0x14b: {  	[sflag:s26] =	ssyncadd.s32 @!p1 $0xFFFFC000;
	s26 =	simm.s32 @!p2 $0x800;
	s3 =	sadd.s32 @!p2 s2, s3  }
0x14c: {  	[tilespmem:s29], [sflag:$0x2] =	stream.strided.gather @!p2 [hbm4b:s3+s26], $0x4000, s28, s26, $0x38;
	[tilespmem:$0x19180] =	vst v63  }
.Ltmp18:
0x14d: {  	(pc) =	sbr.rel .LBB2_16-.Ltmp18, $4  }
0x14e: {  	_ = 	snop  }
0x14f: {  	p1 =	slt.s32 s25, s8  }
0x150: {  	s25 =	simm.s32 @!p1 $0xFFFFFFFF  }
0x151: {  	v24 =	vmov s25;
	s25 =	simm.s32 $0x0  }
.LBB2_18:
0x152: {  	s25 =	sadd.s32 $0x1, s25  }
0x153: {  	p1 =	sne.s32 s25, s22  }
.Ltmp19:
0x154: {  	_ = 	snop;
	(pc) =	sbr.rel @!p1 .LBB2_19-.Ltmp19, $1  }
0x155: {  	_ =	sdelay $0x3  }
.LBB2_16:
0x156: {  	s3 =	sshll.u32 s25, $0x4  }
0x157: {  	v25 =	vld [tilespmem:s3+$0x2000];
	_ =	sdelay $0x4  }
0x158: {  	v26 =	vshrl.u32 v25, $0x8  }
0x159: {  	v27 =	vor.u32 s3, v5;
	v26 =	vand.u32 $0x7F, v26  }
0x15a: {  	vm1 =	vlt.s32 v27, v23;
	vm2 =	veq.s32 v26, v24  }
0x15b: {  	vm1 =	vmand vm1, vm2  }
0x15c: {  	v26 =	vsel vm1, $0x3F800000, v7  }
0x15d: {  	(xrf0) =	vmax.scan.msk.f32 $0xffff, v26;
	_ =	sdelay $0x5  }
0x15e: {  	v26, _, _ =	vpop (xrf0)  }
0x15f: {  	(v2sf) =	vpush v26, $0xF;
	_ =	sdelay $0xe  }
0x160: {  	s31 =	spop (v2sf)  }
0x161: {  	p1 =	sgt.f32 s31, $0.0e+00  }
.Ltmp20:
0x162: {  	_ = 	snop;
	(pc) =	sbr.rel @!p1 .LBB2_18-.Ltmp20, $1  }
0x163: {  	_ =	sdelay $0x3  }
.LBB2_17:
0x164: {  	v26 =	vmctz.xlane vm1;
	_ =	sdelay $0x1  }
0x165: {  	v27 =	vadd.s32 $0x10, v26  }
0x166: {  	v27 =	vperm.xlane v25, v27;
	_ =	sdelay $0x1  }
0x167: {  	v28 =	vshll.u32 v27, $0x3  }
0x168: {  	v29 =	vand.u32 $0x7F, v27;
	v28 =	vand.u32 $0x400, v28  }
0x169: {  	v28 =	vor.u32 v29, v28  }
0x16a: {  	v29 =	vor.u32 v16, v28;
	_ =	sdelay $0x4  }
0x16b: {  	v29 =	vld.idx.msk [tilespmem:v29+s16+$0x0], $0xffff;
	_ =	sdelay $0x2  }
0x16c: {  	v30 =	vor.u32 v17, v28;
	_ =	sdelay $0x1  }
0x16d: {  	s3 =	sshll.u32 s23, $0x9;
	v29 =	vmul.f32 $8.000000000e+00, v29  }
0x16e: {  	s3 =	sshra.s32 s3, $0x2  }
0x16f: {  	[tilespmem:s3+$0x10080] =	vst v29  }
0x170: {  	v29 =	vld.idx.msk [tilespmem:v30+s16+$0x0], $0xffff;
	_ =	sdelay $0x2  }
0x171: {  	v62 =	vor.u32 v18, v28;
	_ =	sdelay $0x1  }
0x172: {  	v29 =	vmul.f32 $8.000000000e+00, v29;
	_ =	sdelay $0x1  }
0x173: {  	[tilespmem:s3+$0x10090] =	vst v29  }
0x174: {  	v29 =	vld.idx.msk [tilespmem:v62+s16+$0x0], $0xffff;
	_ =	sdelay $0x2  }
0x175: {  	v28 =	vor.u32 v19, v28;
	_ =	sdelay $0x1  }
0x176: {  	v29 =	vmul.f32 $8.000000000e+00, v29;
	_ =	sdelay $0x1  }
0x177: {  	[tilespmem:s3+$0x100A0] =	vst v29  }
0x178: {  	v28 =	vld.idx.msk [tilespmem:v28+s16+$0x0], $0xffff  }
0x179: {  	s26 =	sand.u32 $0x7F, s23;
	s28 =	sand.u32 $0xFFFFFF80, s23  }
0x17a: {  	s29 =	sor.u32 s26, s28  }
0x17b: {  	v63 =	vmov s29  }
0x17c: {  	p1 =	sne.s32 s26, $0x7F  }
0x17d: {  	s26 =	sand.u32 @!p1 $0xFFFFFF80, s23;
	v28 =	vmul.f32 $8.000000000e+00, v28  }
0x17e: {  	s29 =	sshll.u32 @!p1 s26, $0x9  }
0x17f: {  	v27 =	vshra.s32 v27, $0xF;
	[tilespmem:s3+$0x100B0] =	vst v28;
	s3 =	sshra.s32 @!p1 s29, $0x2  }
0x180: {  	s26 =	sadd.s32 @!p1 $0x18080, s26;
	s29 =	simm.s32 @!p1 $0x80;
	[tilespmem:v63+s18+$0x0] =	vst.idx.msk $0x1, v27;
	s3 =	sadd.s32 @!p1 $0x10080, s3  }
0x181: {  	vm2 =	vne.s32 v26, v5;
	[hbm4b:s6+s29] =	stream.indirect.scatter @!p1 [tilespmem:s3], [sflag:$0x4], $0x80, s26, s29, $0xb8;
	[tilespmem:$0x19180] =	vst v63  }
0x182: {  	vm1 =	vmand vm1, vm2;
	s3 =	simm.s32 @!p1 $0x4  }
0x183: {  	v26 =	vsel vm1, $0x3F800000, v7;
	_ =	swait.ge @!p1 [sflag:s3], $0x4000  }
0x184: {  	(xrf0) =	vmax.scan.msk.f32 $0xffff, v26;
	_ =	sdelay $0x5  }
0x185: {  	v26, _, _ =	vpop (xrf0)  }
0x186: {  	(v2sf) =	vpush v26, $0xF;
	_ =	sdelay $0x5  }
0x187: {  	v26 =	vmov s28  }
0x188: {  	v26 =	vbroadcast @!p1 v26, $0x0  }
0x189: {  	v27 =	vlaneseq.u32 @!p1  }
0x18a: {  	v29 =	vor.u32 @!p1 $0x10, v27;
	v28 =	vor.u32 @!p1 v27, v26  }
0x18b: {  	v30 =	vor.u32 @!p1 $0x20, v27;
	v29 =	vor.u32 @!p1 v29, v26  }
0x18c: {  	v31 =	vor.u32 @!p1 $0x30, v27;
	v30 =	vor.u32 @!p1 v30, v26  }
0x18d: {  	v32 =	vor.u32 @!p1 $0x40, v27;
	[sflag:s3] =	ssyncset.done @!p1 $0x0;
	v31 =	vor.u32 @!p1 v31, v26  }
0x18e: {  	v33 =	vimm.s32 @!p1 $0x2000;
	v34 =	vor.u32 @!p1 $0x50, v27;
	[sflag:s3] =	ssyncadd.s32 @!p1 $0xFFFFC000;
	s3 =	simm.s32 @!p1 $0x18080;
	v32 =	vor.u32 @!p1 v32, v26  }
0x18f: {  	[tilespmem:v28+s3+$0x0] =	vst.idx.msk @!p1 $0xffff, v33;
	v28 =	vor.u32 @!p1 v34, v26;
	v34 =	vor.u32 @!p1 $0x60, v27  }
0x190: {  	v27 =	vor.u32 @!p1 $0x70, v27;
	[tilespmem:v29+s3+$0x0] =	vst.idx.msk @!p1 $0xffff, v33;
	v29 =	vor.u32 @!p1 v34, v26;
	s30 =	spop (v2sf)  }
0x191: {  	v26 =	vor.u32 @!p1 v27, v26;
	[tilespmem:v30+s3+$0x0] =	vst.idx.msk @!p1 $0xffff, v33;
	p2 =	sgt.f32 s30, $0.0e+00  }
.Ltmp21:
0x192: {  	[tilespmem:v31+s3+$0x0] =	vst.idx.msk @!p1 $0xffff, v33;
	(pc) =	sbr.rel @p2 .LBB2_17-.Ltmp21, $4  }
0x193: {  	[tilespmem:v32+s3+$0x0] =	vst.idx.msk @!p1 $0xffff, v33  }
0x194: {  	[tilespmem:v28+s3+$0x0] =	vst.idx.msk @!p1 $0xffff, v33  }
0x195: {  	s31 =	sadd.s32 $0x1, s23;
	[tilespmem:v29+s3+$0x0] =	vst.idx.msk @!p1 $0xffff, v33  }
0x196: {  	s23 =	sand.u32 $0xFF, s31;
	[tilespmem:v26+s3+$0x0] =	vst.idx.msk @!p1 $0xffff, v33  }
.Ltmp22:
0x197: {  	_ = 	snop;
	(pc) =	sbr.rel .LBB2_18-.Ltmp22, $1  }
0x198: {  	_ =	sdelay $0x3  }
.LBB2_26:
0x199: {  	s24 =	sadd.s32 $0x1, s24  }
0x19a: {  	p1 =	seq.s32 s24, $0x2A  }
.Ltmp23:
0x19b: {  	_ = 	snop;
	(pc) =	sbr.rel @!p1 .LBB2_4-.Ltmp23, $4  }
.Ltmp24:
0x19c: {  	_ = 	snop;
	(pc) =	sbr.rel @p1 .LBB2_24-.Ltmp24, $4  }
0x19d: {  	_ = 	snop  }
0x19e: {  	_ = 	snop  }
0x19f: {  	_ = 	snop  }
0x1a0: {  	_ = 	snop  }
.LBB2_20:
.Ltmp25:
0x1a1: {  	(pc) =	sbr.rel .LBB2_21-.Ltmp25, $2  }
0x1a2: {  	_ =	sdelay $0x2  }
0x1a3: {  	s24 =	simm.s32 $0x0  }
.LBB2_23:
0x1a4: {  	s24 =	sadd.s32 $0x1, s24  }
0x1a5: {  	p0 =	sne.s32 s24, s22  }
.Ltmp26:
0x1a6: {  	_ = 	snop;
	(pc) =	sbr.rel @!p0 .LBB2_24-.Ltmp26, $1  }
0x1a7: {  	_ =	sdelay $0x3  }
.LBB2_21:
0x1a8: {  	s3 =	sshll.u32 s24, $0x4  }
0x1a9: {  	v24 =	vld [tilespmem:s3+$0x2000];
	_ =	sdelay $0x4  }
0x1aa: {  	v25 =	vor.u32 s3, v5;
	v26 =	vand.u32 $0x7FFF, v24  }
0x1ab: {  	vm1 =	vlt.s32 v25, v23;
	vm2 =	vge.s32 v26, v3  }
0x1ac: {  	vm1 =	vmand vm1, vm2  }
0x1ad: {  	vm1 =	vmand vm0, vm1  }
0x1ae: {  	v25 =	vsel vm1, $0x3F800000, v7  }
0x1af: {  	(xrf0) =	vmax.scan.msk.f32 $0xffff, v25;
	_ =	sdelay $0x5  }
0x1b0: {  	v25, _, _ =	vpop (xrf0)  }
0x1b1: {  	(v2sf) =	vpush v25, $0xF;
	_ =	sdelay $0xe  }
0x1b2: {  	s31 =	spop (v2sf)  }
0x1b3: {  	p0 =	sgt.f32 s31, $0.0e+00  }
.Ltmp27:
0x1b4: {  	_ = 	snop;
	(pc) =	sbr.rel @!p0 .LBB2_23-.Ltmp27, $1  }
0x1b5: {  	_ =	sdelay $0x3  }
.LBB2_22:
0x1b6: {  	v25 =	vmctz.xlane vm1;
	_ =	sdelay $0x1  }
0x1b7: {  	v26 =	vadd.s32 $0x10, v25  }
0x1b8: {  	v26 =	vperm.xlane v24, v26;
	_ =	sdelay $0x1  }
0x1b9: {  	v27 =	vand.u32 $0x7FFF, v26  }
0x1ba: {  	v27 =	vsub.s32 v27, v3  }
0x1bb: {  	v27 =	vshll.u32 v27, $0x6  }
0x1bc: {  	v28 =	vor.u32 v5, v27;
	_ =	sdelay $0x4  }
0x1bd: {  	v28 =	vld.idx.msk [tilespmem:v28+s12+$0x0], $0xffff;
	_ =	sdelay $0x2  }
0x1be: {  	v29 =	vor.u32 v20, v27;
	_ =	sdelay $0x1  }
0x1bf: {  	s3 =	sshll.u32 s23, $0x7;
	v28 =	vmul.f32 $8.000000000e+00, v28  }
0x1c0: {  	s3 =	sand.u32 $0x3FFFFF80, s3  }
0x1c1: {  	[tilespmem:s3+$0x10080] =	vst v28  }
0x1c2: {  	v28 =	vld.idx.msk [tilespmem:v29+s12+$0x0], $0xffff;
	_ =	sdelay $0x2  }
0x1c3: {  	v62 =	vor.u32 v21, v27;
	_ =	sdelay $0x1  }
0x1c4: {  	v28 =	vmul.f32 $8.000000000e+00, v28;
	_ =	sdelay $0x1  }
0x1c5: {  	[tilespmem:s3+$0x10090] =	vst v28  }
0x1c6: {  	v28 =	vld.idx.msk [tilespmem:v62+s12+$0x0], $0xffff;
	_ =	sdelay $0x2  }
0x1c7: {  	v27 =	vor.u32 v22, v27;
	_ =	sdelay $0x1  }
0x1c8: {  	v28 =	vmul.f32 $8.000000000e+00, v28;
	_ =	sdelay $0x1  }
0x1c9: {  	[tilespmem:s3+$0x100A0] =	vst v28  }
0x1ca: {  	v27 =	vld.idx.msk [tilespmem:v27+s12+$0x0], $0xffff  }
0x1cb: {  	s25 =	sand.u32 $0x7F, s23;
	s26 =	sand.u32 $0xFFFFFF80, s23  }
0x1cc: {  	s28 =	sor.u32 s25, s26  }
0x1cd: {  	v63 =	vmov s28;
	_ =	sdelay $0x1  }
0x1ce: {  	p0 =	sne.s32 s25, $0x7F;
	v27 =	vmul.f32 $8.000000000e+00, v27  }
0x1cf: {  	s25 =	sshll.u32 @!p0 s23, $0x7  }
0x1d0: {  	s25 =	sand.u32 @!p0 $0x3FFFC000, s25;
	v26 =	vshra.s32 v26, $0xF;
	[tilespmem:s3+$0x100B0] =	vst v27;
	s3 =	sand.u32 @!p0 $0xFFFFFF80, s23  }
0x1d1: {  	s28 =	simm.s32 @!p0 $0x80;
	s25 =	sadd.s32 @!p0 $0x10080, s25;
	[tilespmem:v63+s18+$0x0] =	vst.idx.msk $0x1, v26;
	s3 =	sadd.s32 @!p0 $0x18080, s3  }
0x1d2: {  	vm2 =	vne.s32 v25, v5;
	[hbm4b:s6+s28] =	stream.indirect.scatter @!p0 [tilespmem:s25], [sflag:$0x4], $0x80, s3, s28, $0xb8;
	[tilespmem:$0x19180] =	vst v63  }
0x1d3: {  	vm1 =	vmand vm1, vm2;
	s3 =	simm.s32 @!p0 $0x4  }
0x1d4: {  	v25 =	vsel vm1, $0x3F800000, v7;
	_ =	swait.ge @!p0 [sflag:s3], $0x4000  }
0x1d5: {  	(xrf0) =	vmax.scan.msk.f32 $0xffff, v25;
	_ =	sdelay $0x5  }
0x1d6: {  	v25, _, _ =	vpop (xrf0)  }
0x1d7: {  	(v2sf) =	vpush v25, $0xF;
	_ =	sdelay $0x5  }
0x1d8: {  	v25 =	vmov s26  }
0x1d9: {  	v25 =	vbroadcast @!p0 v25, $0x0  }
0x1da: {  	v26 =	vlaneseq.u32 @!p0  }
0x1db: {  	v28 =	vor.u32 @!p0 $0x10, v26;
	v27 =	vor.u32 @!p0 v26, v25  }
0x1dc: {  	v29 =	vor.u32 @!p0 $0x20, v26;
	v28 =	vor.u32 @!p0 v28, v25  }
0x1dd: {  	v30 =	vor.u32 @!p0 $0x30, v26;
	v29 =	vor.u32 @!p0 v29, v25  }
0x1de: {  	v31 =	vor.u32 @!p0 $0x40, v26;
	[sflag:s3] =	ssyncset.done @!p0 $0x0;
	v30 =	vor.u32 @!p0 v30, v25  }
0x1df: {  	v32 =	vimm.s32 @!p0 $0x2000;
	v33 =	vor.u32 @!p0 $0x50, v26;
	[sflag:s3] =	ssyncadd.s32 @!p0 $0xFFFFC000;
	s3 =	simm.s32 @!p0 $0x18080;
	v31 =	vor.u32 @!p0 v31, v25  }
0x1e0: {  	[tilespmem:v27+s3+$0x0] =	vst.idx.msk @!p0 $0xffff, v32;
	v27 =	vor.u32 @!p0 v33, v25;
	v33 =	vor.u32 @!p0 $0x60, v26  }
0x1e1: {  	v26 =	vor.u32 @!p0 $0x70, v26;
	[tilespmem:v28+s3+$0x0] =	vst.idx.msk @!p0 $0xffff, v32;
	v28 =	vor.u32 @!p0 v33, v25;
	s30 =	spop (v2sf)  }
0x1e2: {  	v25 =	vor.u32 @!p0 v26, v25;
	[tilespmem:v29+s3+$0x0] =	vst.idx.msk @!p0 $0xffff, v32;
	p1 =	sgt.f32 s30, $0.0e+00  }
.Ltmp28:
0x1e3: {  	[tilespmem:v30+s3+$0x0] =	vst.idx.msk @!p0 $0xffff, v32;
	(pc) =	sbr.rel @p1 .LBB2_22-.Ltmp28, $4  }
0x1e4: {  	[tilespmem:v31+s3+$0x0] =	vst.idx.msk @!p0 $0xffff, v32  }
0x1e5: {  	[tilespmem:v27+s3+$0x0] =	vst.idx.msk @!p0 $0xffff, v32  }
0x1e6: {  	s31 =	sadd.s32 $0x1, s23;
	[tilespmem:v28+s3+$0x0] =	vst.idx.msk @!p0 $0xffff, v32  }
0x1e7: {  	s23 =	sand.u32 $0xFF, s31;
	[tilespmem:v25+s3+$0x0] =	vst.idx.msk @!p0 $0xffff, v32  }
.Ltmp29:
0x1e8: {  	_ = 	snop;
	(pc) =	sbr.rel .LBB2_23-.Ltmp29, $1  }
0x1e9: {  	_ =	sdelay $0x3  }
.LBB2_25:
0x1ea: {  	_ =	sfence.sel $0x180000  }
0x1eb: {  	[bflag:$0x0] =	sbarrier.arrive $0xFFFF  }
0x1ec: {  	_ =	strace $0x90000047  }
0x1ed: {  	[bflag:$0x2] =	sbarrier.arrive $0xFFFF  }
0x1ee: {  	p0 =	sne.s32 s0, $0x0;
	s0 =	rddreg [dreg:$0x3]  }
0x1ef: {  	s0 =	sadd.s32 @!p0 $0x100000, s0  }
0x1f0: {  	[sflag:s0] =	ssyncadd.tile.s32 @!p0 $0x1;
	_ =	shalt  }
.Lfunc_end2:
_tile_overlayer_lowered:
.L_overlay_start_2:
0x1f1: {  	(tag) =	ssettag $0x2  }
0x1f2: {  	s0 =	rddreg [dreg:$0x0];
	s2 =	stileid.u32  }
0x1f3: {  	s1 =	rddreg [dreg:$0x1];
	p0 =	sne.s32 s2, $0x0  }
0x1f4: {  	s3 =	rddreg [dreg:$0x2];
	[bflag:$0x3] =	sbarrier.arrive $0xFFFF;
	s2 =	simm.s32 @!p0 $0x1C05  }
0x1f5: {  	[timem:s3], [sflag:s2] =	dma.local @!p0 [hbm:s0], s1  }
0x1f6: {  	s0 =	simm.s32 @!p0 $0x5  }
0x1f7: {  	_ =	swait.ge @!p0 [sflag:s0], s1  }
0x1f8: {  	s1 =	ssub.s32 @!p0 $0x0, s1;
	[sflag:s0] =	ssyncset.done @!p0 $0x0  }
0x1f9: {  	[sflag:s0] =	ssyncadd.s32 @!p0 s1  }
0x1fa: {  	[bflag:$0x3] =	sbarrier.arrive $0xFFFF  }
0x1fb: {  	_ =	shalt  }

</sc_bundles>
